<compile_context>
chip_gen: v7x
topology: tpu7x:2x2x1
jax: 0.10.2.dev20260603
libtpu: 0.0.44.dev20260713+nightly
codegen_flags: <defaults>
</compile_context>

<pallas_src>
import functools

import jax
import jax.numpy as jnp
from jax import lax
from jax.experimental import pallas as pl
from jax.experimental.pallas import tpu as pltpu
from jax.experimental.pallas import tpu_sc as plsc

V = 50000
K = 512
D = 256
N = 32768

NC = 2
NS = 16
NW = NC * NS
TOK_PER_TILE = N // NW
GCHUNK = 128
NCHUNK = TOK_PER_TILE // GCHUNK


def _sc_gather_bincount(doc, emb_w, zeros_v, ones_g):
    mesh = plsc.VectorSubcoreMesh(core_axis_name="c", subcore_axis_name="s")

    @functools.partial(
        pl.kernel,
        mesh=mesh,
        out_type=(
            jax.ShapeDtypeStruct((N, D), jnp.float32),
            jax.ShapeDtypeStruct((NC, V), jnp.float32),
        ),
        scratch_types=[
            pltpu.VMEM((NCHUNK, GCHUNK), jnp.int32),
            pltpu.VMEM((3, GCHUNK, D), jnp.float32),
            pltpu.VMEM((GCHUNK,), jnp.float32),
            pltpu.VMEM_SHARED((V,), jnp.float32),
            pltpu.SemaphoreType.DMA((3,)),
            pltpu.SemaphoreType.DMA((3,)),
        ],
    )
    def k(doc_hbm, emb_hbm, zeros_hbm, ones_hbm, out_hbm, bc_hbm,
          idx_v, rows_v, ones_v, hist_sh, gsem, wsem):
        cid = lax.axis_index("c")
        sid = lax.axis_index("s")
        wid = sid * NC + cid
        base = wid * TOK_PER_TILE

        @pl.when(sid == 0)
        def _():
            pltpu.sync_copy(zeros_hbm, hist_sh)

        pltpu.sync_copy(ones_hbm, ones_v)
        pltpu.sync_copy(doc_hbm.at[wid], idx_v)
        plsc.subcore_barrier()

        def gather(j):
            return pltpu.async_copy(emb_hbm.at[idx_v.at[j]],
                                    rows_v.at[j % 3], gsem.at[j % 3])

        def write(j):
            return pltpu.async_copy(rows_v.at[j % 3],
                                    out_hbm.at[pl.ds(base + j * GCHUNK,
                                                     GCHUNK)],
                                    wsem.at[j % 3])

        gathers = [None] * NCHUNK
        writes = [None] * NCHUNK
        gathers[0] = gather(0)
        gathers[1] = gather(1)
        for j in range(NCHUNK):
            if j + 2 < NCHUNK:
                if j >= 1:
                    writes[j - 1].wait()
                gathers[j + 2] = gather(j + 2)
            gathers[j].wait()
            writes[j] = write(j)
            pltpu.sync_copy(ones_v, hist_sh.at[idx_v.at[j]], add=True)
        for j in range(max(0, NCHUNK - 3), NCHUNK):
            writes[j].wait()

        plsc.subcore_barrier()

        @pl.when(sid == 0)
        def _():
            pltpu.sync_copy(hist_sh, bc_hbm.at[cid])

    return k(doc, emb_w, zeros_v, ones_g)


BN = 4096
NB = N // BN


BV = 8192
NVB = (V + BV - 1) // BV
VPAD = NVB * BV


def _mega_body(e_ref, c_ref, w_ref, b_ref, bc_ref,
               enc_ref, qw_ref, docu_ref, out_ref, vq_ref, lts_ref,
               acc_ref, vqs_ref, mm_ref, ss_ref, docu_v, lg_scr):
    t = pl.program_id(0)

    @pl.when(t < NB)
    def _():
        _vq_step(t, e_ref, c_ref, enc_ref, qw_ref, vq_ref, lts_ref,
                 acc_ref, vqs_ref)

    @pl.when(t == NB)
    def _():
        docu_v[...] = lax.dot_general(acc_ref[...], c_ref[...],
                                      (((1,), (0,)), ((), ()))) / N
        docu_ref[...] = docu_v[...]
        mm_ref[0, 0] = -jnp.inf
        ss_ref[0, 0] = 0.0

    @pl.when((t >= NB) & (t < NB + NVB))
    def _():
        j = t - NB
        w = w_ref[...]
        docu = docu_v[...]
        lg = lax.dot_general(docu, w, (((1,), (1,)), ((), ()))) + b_ref[...]
        lg_scr[0:1, pl.ds(j * BV, BV)] = lg
        viota = lax.broadcasted_iota(jnp.int32, (1, BV), 1) + j * BV
        valid = viota < V
        lgv = jnp.where(valid, lg, -jnp.inf)
        bm = jnp.max(lgv)
        m_old = mm_ref[0, 0]
        m_new = jnp.maximum(m_old, bm)
        ssum = jnp.sum(jnp.where(valid, jnp.exp(lg - m_new), 0.0))
        ss_ref[0, 0] = ss_ref[0, 0] * jnp.exp(m_old - m_new) + ssum
        mm_ref[0, 0] = m_new

    @pl.when(t >= NB + NVB)
    def _():
        j = t - NB - NVB
        lg = lg_scr[0:1, pl.ds(j * BV, BV)]
        smax = jnp.exp(lg - mm_ref[0, 0]) / ss_ref[0, 0]
        bc = jnp.sum(bc_ref[...], axis=0, keepdims=True)
        out_ref[...] = jnp.log(smax + 1e-6) * bc


def _vq_step(i, e_ref, c_ref, enc_ref, qw_ref, vq_ref, lts_ref,
             acc_ref, vqs_ref):
    e = e_ref[...]
    c = c_ref[...]

    @pl.when(i == 0)
    def _():
        g = lax.dot_general(c, c, (((1,), (1,)), ((), ())))
        nrm = jnp.sum(c * c, axis=1)
        sm = jnp.sum(c, axis=1)
        d2 = (nrm[:, None] + nrm[None, :] - 2.0 * g
              + 2e-6 * (sm[:, None] - sm[None, :]) + D * 1e-12)
        dist = jnp.sqrt(jnp.maximum(d2, 0.0))
        r = lax.broadcasted_iota(jnp.int32, (K, K), 0)
        cc = lax.broadcasted_iota(jnp.int32, (K, K), 1)
        losses = jnp.where(r == cc, dist, jnp.maximum(0.0, 1.0 - dist))
        lts_ref[0, 0] = jnp.sum(losses) / (K * K)
    e2 = jnp.sum(e * e, axis=1, keepdims=True)
    c2 = jnp.sum(c * c, axis=1)
    cross = lax.dot_general(e, c, (((1,), (1,)), ((), ())))
    dist = e2 + c2[None, :] - 2.0 * cross
    m = jnp.min(dist, axis=1, keepdims=True)
    kiota = lax.broadcasted_iota(jnp.int32, (BN, K), 1)
    idx = jnp.min(jnp.where(dist == m, kiota, K), axis=1, keepdims=True)
    onehot = (kiota == idx).astype(jnp.float32)
    enc_ref[...] = onehot
    qw_ref[...] = jnp.dot(onehot, c)

    @pl.when(i == 0)
    def _():
        acc_ref[...] = jnp.zeros_like(acc_ref)
        vqs_ref[0, 0] = 0.0

    acc_ref[...] += jnp.sum(onehot, axis=0, keepdims=True)
    vqs_ref[0, 0] += jnp.sum(m)

    @pl.when(i == NB - 1)
    def _():
        mloss = vqs_ref[0, 0] / (N * D)
        vq_ref[0, 0] = mloss + 0.25 * mloss


def _tc_mega(embedded, cw, q2v_W, q2v_b2d, bc2):
    nb1 = NB - 1

    return pl.pallas_call(
        _mega_body,
        grid=(NB + 2 * NVB,),
        compiler_params=pltpu.CompilerParams(
            vmem_limit_bytes=120 * 1024 * 1024),
        in_specs=[
            pl.BlockSpec((BN, D), lambda t: (jnp.minimum(t, nb1), 0)),
            pl.BlockSpec((K, D), lambda t: (0, 0)),
            pl.BlockSpec((BV, D),
                         lambda t: (jnp.clip(t - NB, 0, NVB - 1), 0)),
            pl.BlockSpec((1, BV),
                         lambda t: (0, jnp.clip(t - NB, 0, NVB - 1))),
            pl.BlockSpec((NC, BV),
                         lambda t: (0, jnp.clip(t - NB - NVB, 0, NVB - 1))),
        ],
        out_specs=[
            pl.BlockSpec((BN, K), lambda t: (jnp.minimum(t, nb1), 0)),
            pl.BlockSpec((BN, D), lambda t: (jnp.minimum(t, nb1), 0)),
            pl.BlockSpec((1, D), lambda t: (0, 0)),
            pl.BlockSpec((1, BV),
                         lambda t: (0, jnp.clip(t - NB - NVB, 0, NVB - 1))),
            pl.BlockSpec((1, 1), lambda t: (0, 0), memory_space=pltpu.SMEM),
            pl.BlockSpec((1, 1), lambda t: (0, 0), memory_space=pltpu.SMEM),
        ],
        out_shape=[
            jax.ShapeDtypeStruct((N, K), jnp.float32),
            jax.ShapeDtypeStruct((N, D), jnp.float32),
            jax.ShapeDtypeStruct((1, D), jnp.float32),
            jax.ShapeDtypeStruct((1, V), jnp.float32),
            jax.ShapeDtypeStruct((1, 1), jnp.float32),
            jax.ShapeDtypeStruct((1, 1), jnp.float32),
        ],
        scratch_shapes=[
            pltpu.VMEM((1, K), jnp.float32),
            pltpu.SMEM((1, 1), jnp.float32),
            pltpu.SMEM((1, 1), jnp.float32),
            pltpu.SMEM((1, 1), jnp.float32),
            pltpu.VMEM((1, D), jnp.float32),
            pltpu.VMEM((1, VPAD), jnp.float32),
        ],
    )(embedded, cw, q2v_W, q2v_b2d, bc2)


def kernel(input_document, emb_w, emb_concept_w, q2v_W, q2v_b):
    doc = input_document.astype(jnp.int32)
    zeros_v = jnp.zeros((V,), jnp.float32)
    ones_g = jnp.ones((GCHUNK,), jnp.float32)
    embedded, bc2 = _sc_gather_bincount(doc.reshape(NW, NCHUNK, GCHUNK),
                                        emb_w, zeros_v, ones_g)
    enc, qw, docu, outs, vq, lts = _tc_mega(
        embedded, emb_concept_w, q2v_W, q2v_b.reshape(1, V), bc2)
    return (enc, qw, docu, outs, vq.reshape(()), lts.reshape(()))

# --- scband reference (transcript-rebuilt; emitter-appended) ---
"""Pipeline reference for scband-vqtm-60249801228732 (READ-ONLY COPY).

The authoritative reference and input builder live on the scoring server;
editing this copy changes nothing except your own understanding.
"""

import jax, jax.numpy as jnp
import numpy as np

V = 50000
K = 512
D = 256
N = 32768
COMMITMENT_COST = 0.25


def setup_inputs(seed: int = 0) -> dict:
    key = jax.random.key(seed)
    k1, k2, k3, k4, k5 = jax.random.split(key, 5)
    input_document = jax.random.randint(k1, (N,), 0, V)
    emb_w = jax.random.normal(k2, (V, D), dtype=jnp.float32)
    emb_concept_w = jax.random.uniform(k3, (K, D), dtype=jnp.float32, minval=-1.0 / K, maxval=1.0 / K)
    bound = 1.0 / np.sqrt(D)
    q2v_W = jax.random.uniform(k4, (V, D), dtype=jnp.float32, minval=-bound, maxval=bound)
    q2v_b = jax.random.uniform(k5, (V,), dtype=jnp.float32, minval=-bound, maxval=bound)
    return {"input_document": input_document, "emb_w": emb_w, "emb_concept_w": emb_concept_w, "q2v_W": q2v_W, "q2v_b": q2v_b}


def _calc_loss_lts(emb_concept_w):
    # PairwiseDistance(p=2, eps=1e-6): ||c_i - c_j + eps||_2 over all (i, j) pairs
    diffs = emb_concept_w[:, None, :] - emb_concept_w[None, :, :] + 1e-6
    dist = jnp.sqrt(jnp.sum(diffs * diffs, axis=-1))
    eye = jnp.eye(K, dtype=bool)
    # HingeEmbeddingLoss(margin=1): label +1 -> d ; label -1 -> max(0, 1 - d); mean over all pairs
    losses = jnp.where(eye, dist, jnp.maximum(0.0, 1.0 - dist))
    return jnp.mean(losses)


def reference(input_document, emb_w, emb_concept_w, q2v_W, q2v_b):
    sg = jax.lax.stop_gradient
    embedded = jnp.take(emb_w, input_document, axis=0)  # [N, D]
    distances = (jnp.sum(embedded ** 2, axis=1, keepdims=True)
                 + jnp.sum(emb_concept_w ** 2, axis=1)
                 - 2.0 * (embedded @ emb_concept_w.T))  # [N, K]
    encoding_indices = jnp.argmin(distances, axis=1)  # [N]
    encodings = jnp.zeros((embedded.shape[0], K), dtype=jnp.float32).at[
        jnp.arange(embedded.shape[0]), encoding_indices].set(1.0)  # one-hot scatter
    quantized = encodings @ emb_concept_w  # [N, D]
    e_latent_loss = jnp.mean((sg(quantized) - embedded) ** 2)
    q_latent_loss = jnp.mean((quantized - sg(embedded)) ** 2)
    vq_loss = q_latent_loss + COMMITMENT_COST * e_latent_loss
    quantized_words = embedded + sg(quantized - embedded)  # straight-through
    quantized_docu = jnp.mean(quantized_words, axis=0, keepdims=True)  # [1, D]
    lts_loss = _calc_loss_lts(emb_concept_w)
    res = quantized_docu @ q2v_W.T + q2v_b  # [1, V]
    res = jax.nn.softmax(res, axis=1)
    outputs = jnp.log(res + 1e-6)
    bin_count = jnp.bincount(input_document, length=V).astype(jnp.float32)
    outputs = outputs * bin_count
    return (encodings, quantized_words, quantized_docu, outputs, vq_loss, lts_loss)

if __name__ == "__main__":
    import jax
    _d = setup_inputs()
    print(jax.jit(kernel)(*tuple(_d.values())))

</pallas_src>

<mosaic_0001>
#map = affine_map<(d0, d1) -> (0, 0, 0)>
#map1 = affine_map<(d0, d1) -> (0, 0)>
#map2 = affine_map<(d0, d1) -> (0)>
module attributes {stable_mosaic.version = 14 : i64} {
  func.func @k(%arg0: i32, %arg1: i32, %arg2: memref<32x8x128xi32, #tpu.memory_space<hbm>>, %arg3: memref<50000x256xf32, #tpu.memory_space<hbm>>, %arg4: memref<50000xf32, #tpu.memory_space<hbm>>, %arg5: memref<128xf32, #tpu.memory_space<hbm>>, %arg6: memref<32768x256xf32, #tpu.memory_space<hbm>>, %arg7: memref<2x50000xf32, #tpu.memory_space<hbm>>, %arg8: memref<8x128xi32, #tpu.memory_space<vmem>>, %arg9: memref<3x128x256xf32, #tpu.memory_space<vmem>>, %arg10: memref<128xf32, #tpu.memory_space<vmem>>, %arg11: memref<50000xf32, #tpu.memory_space<vmem_shared>>, %arg12: memref<3x!tpu.dma_semaphore, #tpu.memory_space<semaphore_mem>>, %arg13: memref<3x!tpu.dma_semaphore, #tpu.memory_space<semaphore_mem>>) attributes {dimension_semantics = [#tpu.dimension_semantics<core_parallel>, #tpu.dimension_semantics<subcore_parallel>], iteration_bounds = array<i64: 2, 16>, scalar_prefetch = 0 : i64, scratch_operands = 6 : i64, tpu.core_type = #tpu.core_type<sc_vector_subcore>, window_params = [{transform_indices = #map}, {transform_indices = #map1}, {transform_indices = #map2}, {transform_indices = #map2}, {transform_indices = #map1}, {transform_indices = #map1}]} {
    %mul3A = arith.constant 2 : i32
    %mul3A_0 = arith.muli %arg1, %mul3A : i32
    %add3A = arith.addi %mul3A_0, %arg0 : i32
    %mul3A_1 = arith.constant 1024 : i32
    %mul3A_2 = arith.muli %add3A, %mul3A_1 : i32
    %eq3A = arith.constant 0 : i32
    %eq3A_3 = arith.cmpi eq, %arg1, %eq3A : i32
    %convert_element_type3A = arith.extui %eq3A_3 : i1 to i32
    %cond3A = arith.constant 0 : i32
    %cond3A_4 = arith.cmpi ne, %convert_element_type3A, %cond3A : i32
    scf.if %cond3A_4 {
      "tpu.region"() ({
        %run_scoped3A_528 = tpu.sem_alloc : memref<!tpu.dma_semaphore, #tpu.memory_space<semaphore_mem>>
        tpu.enqueue_dma source(%arg4 : memref<50000xf32, #tpu.memory_space<hbm>>) target(%arg11 : memref<50000xf32, #tpu.memory_space<vmem_shared>>) target_semaphore(%run_scoped3A_528 : memref<!tpu.dma_semaphore, #tpu.memory_space<semaphore_mem>>)
        tpu.wait_dma2 semaphore(%run_scoped3A_528 : memref<!tpu.dma_semaphore, #tpu.memory_space<semaphore_mem>>) src(%arg4 : memref<50000xf32, #tpu.memory_space<hbm>>) dst(%arg11 : memref<50000xf32, #tpu.memory_space<vmem_shared>>)
        tpu.yield
      }) : () -> ()
    } else {
    }
    "tpu.region"() ({
      %run_scoped3A_528 = tpu.sem_alloc : memref<!tpu.dma_semaphore, #tpu.memory_space<semaphore_mem>>
      tpu.enqueue_dma source(%arg5 : memref<128xf32, #tpu.memory_space<hbm>>) target(%arg10 : memref<128xf32, #tpu.memory_space<vmem>>) target_semaphore(%run_scoped3A_528 : memref<!tpu.dma_semaphore, #tpu.memory_space<semaphore_mem>>)
      tpu.wait_dma2 semaphore(%run_scoped3A_528 : memref<!tpu.dma_semaphore, #tpu.memory_space<semaphore_mem>>) src(%arg5 : memref<128xf32, #tpu.memory_space<hbm>>) dst(%arg10 : memref<128xf32, #tpu.memory_space<vmem>>)
      tpu.yield
    }) : () -> ()
    "tpu.region"() ({
      %run_scoped3A_528 = tpu.sem_alloc : memref<!tpu.dma_semaphore, #tpu.memory_space<semaphore_mem>>
      %dma_start3A_529 = arith.constant 0 : i32
      %dma_start3A_530 = arith.constant 0 : i32
      %dma_start3A_531 = tpu.memref_slice %arg2[%add3A, %dma_start3A_529, %dma_start3A_530] : memref<32x8x128xi32, #tpu.memory_space<hbm>> -> memref<1x8x128xi32, #tpu.memory_space<hbm>>
      %dma_start3A_532 = tpu.memref_squeeze %dma_start3A_531 : memref<1x8x128xi32, #tpu.memory_space<hbm>> -> memref<8x128xi32, #tpu.memory_space<hbm>>
      %dma_start3A_533 = arith.constant 0 : i32
      %dma_start3A_534 = arith.constant 0 : i32
      %dma_start3A_535 = tpu.memref_slice %arg2[%add3A, %dma_start3A_533, %dma_start3A_534] : memref<32x8x128xi32, #tpu.memory_space<hbm>> -> memref<1x8x128xi32, #tpu.memory_space<hbm>>
      %dma_start3A_536 = tpu.memref_squeeze %dma_start3A_535 : memref<1x8x128xi32, #tpu.memory_space<hbm>> -> memref<8x128xi32, #tpu.memory_space<hbm>>
      tpu.enqueue_dma source(%dma_start3A_536 : memref<8x128xi32, #tpu.memory_space<hbm>>) target(%arg8 : memref<8x128xi32, #tpu.memory_space<vmem>>) target_semaphore(%run_scoped3A_528 : memref<!tpu.dma_semaphore, #tpu.memory_space<semaphore_mem>>)
      %dma_wait3A_537 = arith.constant 0 : i32
      %dma_wait3A_538 = arith.constant 0 : i32
      %dma_wait3A_539 = tpu.memref_slice %arg2[%add3A, %dma_wait3A_537, %dma_wait3A_538] : memref<32x8x128xi32, #tpu.memory_space<hbm>> -> memref<1x8x128xi32, #tpu.memory_space<hbm>>
      %dma_wait3A_540 = tpu.memref_squeeze %dma_wait3A_539 : memref<1x8x128xi32, #tpu.memory_space<hbm>> -> memref<8x128xi32, #tpu.memory_space<hbm>>
      %dma_wait3A_541 = arith.constant 0 : i32
      %dma_wait3A_542 = arith.constant 0 : i32
      %dma_wait3A_543 = tpu.memref_slice %arg2[%add3A, %dma_wait3A_541, %dma_wait3A_542] : memref<32x8x128xi32, #tpu.memory_space<hbm>> -> memref<1x8x128xi32, #tpu.memory_space<hbm>>
      %dma_wait3A_544 = tpu.memref_squeeze %dma_wait3A_543 : memref<1x8x128xi32, #tpu.memory_space<hbm>> -> memref<8x128xi32, #tpu.memory_space<hbm>>
      tpu.wait_dma2 semaphore(%run_scoped3A_528 : memref<!tpu.dma_semaphore, #tpu.memory_space<semaphore_mem>>) src(%dma_wait3A_544 : memref<8x128xi32, #tpu.memory_space<hbm>>) dst(%arg8 : memref<8x128xi32, #tpu.memory_space<vmem>>)
      tpu.yield
    }) : () -> ()
    %barrier3A = arith.constant 0 : index
    tpu.barrier barrier_id(%barrier3A)
    %dma_start3A = arith.constant 0 : i32
    %dma_start3A_5 = arith.constant 0 : i32
    %dma_start3A_6 = arith.constant 0 : i32
    %dma_start3A_7 = arith.constant 0 : i32
    %dma_start3A_8 = arith.constant 0 : i32
    %dma_start3A_9 = tpu.memref_slice %arg9[%dma_start3A_5, %dma_start3A_7, %dma_start3A_8] : memref<3x128x256xf32, #tpu.memory_space<vmem>> -> memref<1x128x256xf32, #tpu.memory_space<vmem>>
    %dma_start3A_10 = tpu.memref_squeeze %dma_start3A_9 : memref<1x128x256xf32, #tpu.memory_space<vmem>> -> memref<128x256xf32, #tpu.memory_space<vmem>>
    %dma_start3A_11 = arith.constant 0 : i32
    %dma_start3A_12 = tpu.memref_slice %arg8[%dma_start3A, %dma_start3A_11] : memref<8x128xi32, #tpu.memory_space<vmem>> -> memref<1x128xi32, #tpu.memory_space<vmem>>
    %dma_start3A_13 = tpu.memref_squeeze %dma_start3A_12 : memref<1x128xi32, #tpu.memory_space<vmem>> -> memref<128xi32, #tpu.memory_space<vmem>>
    %dma_start3A_14 = arith.constant 0 : i32
    %dma_start3A_15 = arith.constant 0 : i32
    %dma_start3A_16 = tpu.memref_slice %arg3[%dma_start3A_14, %dma_start3A_15] : memref<50000x256xf32, #tpu.memory_space<hbm>> -> memref<50000x256xf32, #tpu.memory_space<hbm>>
    %dma_start3A_17 = tpu.memref_slice %arg12[%dma_start3A_6] : memref<3x!tpu.dma_semaphore, #tpu.memory_space<semaphore_mem>> -> memref<1x!tpu.dma_semaphore, #tpu.memory_space<semaphore_mem>>
    %dma_start3A_18 = tpu.memref_squeeze %dma_start3A_17 : memref<1x!tpu.dma_semaphore, #tpu.memory_space<semaphore_mem>> -> memref<!tpu.dma_semaphore, #tpu.memory_space<semaphore_mem>>
    tpu.enqueue_indirect_dma source(%dma_start3A_16 : memref<50000x256xf32, #tpu.memory_space<hbm>>) target(%dma_start3A_10 : memref<128x256xf32, #tpu.memory_space<vmem>>) offsets(%dma_start3A_13 : memref<128xi32, #tpu.memory_space<vmem>>) semaphore(%dma_start3A_18 : memref<!tpu.dma_semaphore, #tpu.memory_space<semaphore_mem>>)
    %dma_start3A_19 = arith.constant 1 : i32
    %dma_start3A_20 = arith.constant 1 : i32
    %dma_start3A_21 = arith.constant 1 : i32
    %dma_start3A_22 = arith.constant 0 : i32
    %dma_start3A_23 = arith.constant 0 : i32
    %dma_start3A_24 = tpu.memref_slice %arg9[%dma_start3A_20, %dma_start3A_22, %dma_start3A_23] : memref<3x128x256xf32, #tpu.memory_space<vmem>> -> memref<1x128x256xf32, #tpu.memory_space<vmem>>
    %dma_start3A_25 = tpu.memref_squeeze %dma_start3A_24 : memref<1x128x256xf32, #tpu.memory_space<vmem>> -> memref<128x256xf32, #tpu.memory_space<vmem>>
    %dma_start3A_26 = arith.constant 0 : i32
    %dma_start3A_27 = tpu.memref_slice %arg8[%dma_start3A_19, %dma_start3A_26] : memref<8x128xi32, #tpu.memory_space<vmem>> -> memref<1x128xi32, #tpu.memory_space<vmem>>
    %dma_start3A_28 = tpu.memref_squeeze %dma_start3A_27 : memref<1x128xi32, #tpu.memory_space<vmem>> -> memref<128xi32, #tpu.memory_space<vmem>>
    %dma_start3A_29 = arith.constant 0 : i32
    %dma_start3A_30 = arith.constant 0 : i32
    %dma_start3A_31 = tpu.memref_slice %arg3[%dma_start3A_29, %dma_start3A_30] : memref<50000x256xf32, #tpu.memory_space<hbm>> -> memref<50000x256xf32, #tpu.memory_space<hbm>>
    %dma_start3A_32 = tpu.memref_slice %arg12[%dma_start3A_21] : memref<3x!tpu.dma_semaphore, #tpu.memory_space<semaphore_mem>> -> memref<1x!tpu.dma_semaphore, #tpu.memory_space<semaphore_mem>>
    %dma_start3A_33 = tpu.memref_squeeze %dma_start3A_32 : memref<1x!tpu.dma_semaphore, #tpu.memory_space<semaphore_mem>> -> memref<!tpu.dma_semaphore, #tpu.memory_space<semaphore_mem>>
    tpu.enqueue_indirect_dma source(%dma_start3A_31 : memref<50000x256xf32, #tpu.memory_space<hbm>>) target(%dma_start3A_25 : memref<128x256xf32, #tpu.memory_space<vmem>>) offsets(%dma_start3A_28 : memref<128xi32, #tpu.memory_space<vmem>>) semaphore(%dma_start3A_33 : memref<!tpu.dma_semaphore, #tpu.memory_space<semaphore_mem>>)
    %dma_start3A_34 = arith.constant 2 : i32
    %dma_start3A_35 = arith.constant 2 : i32
    %dma_start3A_36 = arith.constant 2 : i32
    %dma_start3A_37 = arith.constant 0 : i32
    %dma_start3A_38 = arith.constant 0 : i32
    %dma_start3A_39 = tpu.memref_slice %arg9[%dma_start3A_35, %dma_start3A_37, %dma_start3A_38] : memref<3x128x256xf32, #tpu.memory_space<vmem>> -> memref<1x128x256xf32, #tpu.memory_space<vmem>>
    %dma_start3A_40 = tpu.memref_squeeze %dma_start3A_39 : memref<1x128x256xf32, #tpu.memory_space<vmem>> -> memref<128x256xf32, #tpu.memory_space<vmem>>
    %dma_start3A_41 = arith.constant 0 : i32
    %dma_start3A_42 = tpu.memref_slice %arg8[%dma_start3A_34, %dma_start3A_41] : memref<8x128xi32, #tpu.memory_space<vmem>> -> memref<1x128xi32, #tpu.memory_space<vmem>>
    %dma_start3A_43 = tpu.memref_squeeze %dma_start3A_42 : memref<1x128xi32, #tpu.memory_space<vmem>> -> memref<128xi32, #tpu.memory_space<vmem>>
    %dma_start3A_44 = arith.constant 0 : i32
    %dma_start3A_45 = arith.constant 0 : i32
    %dma_start3A_46 = tpu.memref_slice %arg3[%dma_start3A_44, %dma_start3A_45] : memref<50000x256xf32, #tpu.memory_space<hbm>> -> memref<50000x256xf32, #tpu.memory_space<hbm>>
    %dma_start3A_47 = tpu.memref_slice %arg12[%dma_start3A_36] : memref<3x!tpu.dma_semaphore, #tpu.memory_space<semaphore_mem>> -> memref<1x!tpu.dma_semaphore, #tpu.memory_space<semaphore_mem>>
    %dma_start3A_48 = tpu.memref_squeeze %dma_start3A_47 : memref<1x!tpu.dma_semaphore, #tpu.memory_space<semaphore_mem>> -> memref<!tpu.dma_semaphore, #tpu.memory_space<semaphore_mem>>
    tpu.enqueue_indirect_dma source(%dma_start3A_46 : memref<50000x256xf32, #tpu.memory_space<hbm>>) target(%dma_start3A_40 : memref<128x256xf32, #tpu.memory_space<vmem>>) offsets(%dma_start3A_43 : memref<128xi32, #tpu.memory_space<vmem>>) semaphore(%dma_start3A_48 : memref<!tpu.dma_semaphore, #tpu.memory_space<semaphore_mem>>)
    %dma_wait3A = arith.constant 0 : i32
    %dma_wait3A_49 = arith.constant 0 : i32
    %dma_wait3A_50 = arith.constant 0 : i32
    %dma_wait3A_51 = arith.constant 0 : i32
    %dma_wait3A_52 = arith.constant 0 : i32
    %dma_wait3A_53 = tpu.memref_slice %arg9[%dma_wait3A_49, %dma_wait3A_51, %dma_wait3A_52] : memref<3x128x256xf32, #tpu.memory_space<vmem>> -> memref<1x128x256xf32, #tpu.memory_space<vmem>>
    %dma_wait3A_54 = tpu.memref_squeeze %dma_wait3A_53 : memref<1x128x256xf32, #tpu.memory_space<vmem>> -> memref<128x256xf32, #tpu.memory_space<vmem>>
    %dma_wait3A_55 = arith.constant 0 : i32
    %dma_wait3A_56 = tpu.memref_slice %arg8[%dma_wait3A, %dma_wait3A_55] : memref<8x128xi32, #tpu.memory_space<vmem>> -> memref<1x128xi32, #tpu.memory_space<vmem>>
    %dma_wait3A_57 = tpu.memref_squeeze %dma_wait3A_56 : memref<1x128xi32, #tpu.memory_space<vmem>> -> memref<128xi32, #tpu.memory_space<vmem>>
    %dma_wait3A_58 = arith.constant 0 : i32
    %dma_wait3A_59 = arith.constant 0 : i32
    %dma_wait3A_60 = tpu.memref_slice %arg3[%dma_wait3A_58, %dma_wait3A_59] : memref<50000x256xf32, #tpu.memory_space<hbm>> -> memref<50000x256xf32, #tpu.memory_space<hbm>>
    %dma_wait3A_61 = tpu.memref_slice %arg12[%dma_wait3A_50] : memref<3x!tpu.dma_semaphore, #tpu.memory_space<semaphore_mem>> -> memref<1x!tpu.dma_semaphore, #tpu.memory_space<semaphore_mem>>
    %dma_wait3A_62 = tpu.memref_squeeze %dma_wait3A_61 : memref<1x!tpu.dma_semaphore, #tpu.memory_space<semaphore_mem>> -> memref<!tpu.dma_semaphore, #tpu.memory_space<semaphore_mem>>
    tpu.wait_indirect_dma semaphore(%dma_wait3A_62 : memref<!tpu.dma_semaphore, #tpu.memory_space<semaphore_mem>>) src(%dma_wait3A_60 : memref<50000x256xf32, #tpu.memory_space<hbm>>) dst(%dma_wait3A_54 : memref<128x256xf32, #tpu.memory_space<vmem>>)
    %add3A_63 = arith.constant 0 : i32
    %add3A_64 = arith.addi %mul3A_2, %add3A_63 : i32
    %dma_start3A_65 = arith.constant 0 : i32
    %dma_start3A_66 = arith.constant 0 : i32
    %dma_start3A_67 = arith.constant 0 : i32
    %dma_start3A_68 = arith.constant 0 : i32
    %dma_start3A_69 = tpu.memref_slice %arg9[%dma_start3A_65, %dma_start3A_67, %dma_start3A_68] : memref<3x128x256xf32, #tpu.memory_space<vmem>> -> memref<1x128x256xf32, #tpu.memory_space<vmem>>
    %dma_start3A_70 = tpu.memref_squeeze %dma_start3A_69 : memref<1x128x256xf32, #tpu.memory_space<vmem>> -> memref<128x256xf32, #tpu.memory_space<vmem>>
    %dma_start3A_71 = arith.constant 0 : i32
    %dma_start3A_72 = tpu.memref_slice %arg6[%add3A_64, %dma_start3A_71] : memref<32768x256xf32, #tpu.memory_space<hbm>> -> memref<128x256xf32, #tpu.memory_space<hbm>>
    %dma_start3A_73 = tpu.memref_slice %arg13[%dma_start3A_66] : memref<3x!tpu.dma_semaphore, #tpu.memory_space<semaphore_mem>> -> memref<1x!tpu.dma_semaphore, #tpu.memory_space<semaphore_mem>>
    %dma_start3A_74 = tpu.memref_squeeze %dma_start3A_73 : memref<1x!tpu.dma_semaphore, #tpu.memory_space<semaphore_mem>> -> memref<!tpu.dma_semaphore, #tpu.memory_space<semaphore_mem>>
    %dma_start3A_75 = arith.constant 0 : i32
    %dma_start3A_76 = tpu.memref_slice %arg6[%add3A_64, %dma_start3A_75] : memref<32768x256xf32, #tpu.memory_space<hbm>> -> memref<128x256xf32, #tpu.memory_space<hbm>>
    %dma_start3A_77 = arith.constant 0 : i32
    %dma_start3A_78 = arith.constant 0 : i32
    %dma_start3A_79 = tpu.memref_slice %arg9[%dma_start3A_65, %dma_start3A_77, %dma_start3A_78] : memref<3x128x256xf32, #tpu.memory_space<vmem>> -> memref<1x128x256xf32, #tpu.memory_space<vmem>>
    %dma_start3A_80 = tpu.memref_squeeze %dma_start3A_79 : memref<1x128x256xf32, #tpu.memory_space<vmem>> -> memref<128x256xf32, #tpu.memory_space<vmem>>
    tpu.enqueue_dma source(%dma_start3A_80 : memref<128x256xf32, #tpu.memory_space<vmem>>) target(%dma_start3A_76 : memref<128x256xf32, #tpu.memory_space<hbm>>) target_semaphore(%dma_start3A_74 : memref<!tpu.dma_semaphore, #tpu.memory_space<semaphore_mem>>)
    %run_scoped3A = arith.constant 0 : i32
    "tpu.region"() ({
      %run_scoped3A_528 = tpu.sem_alloc : memref<!tpu.dma_semaphore, #tpu.memory_space<semaphore_mem>>
      %dma_start3A_529 = arith.constant 0 : i32
      %dma_start3A_530 = tpu.memref_slice %arg8[%run_scoped3A, %dma_start3A_529] : memref<8x128xi32, #tpu.memory_space<vmem>> -> memref<1x128xi32, #tpu.memory_space<vmem>>
      %dma_start3A_531 = tpu.memref_squeeze %dma_start3A_530 : memref<1x128xi32, #tpu.memory_space<vmem>> -> memref<128xi32, #tpu.memory_space<vmem>>
      %dma_start3A_532 = arith.constant 0 : i32
      %dma_start3A_533 = tpu.memref_slice %arg11[%dma_start3A_532] : memref<50000xf32, #tpu.memory_space<vmem_shared>> -> memref<50000xf32, #tpu.memory_space<vmem_shared>>
      tpu.enqueue_indirect_dma source(%arg10 : memref<128xf32, #tpu.memory_space<vmem>>) target(%dma_start3A_533 : memref<50000xf32, #tpu.memory_space<vmem_shared>>) offsets(%dma_start3A_531 : memref<128xi32, #tpu.memory_space<vmem>>) semaphore(%run_scoped3A_528 : memref<!tpu.dma_semaphore, #tpu.memory_space<semaphore_mem>>) {add = true}
      %dma_wait3A_534 = arith.constant 0 : i32
      %dma_wait3A_535 = tpu.memref_slice %arg8[%run_scoped3A, %dma_wait3A_534] : memref<8x128xi32, #tpu.memory_space<vmem>> -> memref<1x128xi32, #tpu.memory_space<vmem>>
      %dma_wait3A_536 = tpu.memref_squeeze %dma_wait3A_535 : memref<1x128xi32, #tpu.memory_space<vmem>> -> memref<128xi32, #tpu.memory_space<vmem>>
      %dma_wait3A_537 = arith.constant 0 : i32
      %dma_wait3A_538 = tpu.memref_slice %arg11[%dma_wait3A_537] : memref<50000xf32, #tpu.memory_space<vmem_shared>> -> memref<50000xf32, #tpu.memory_space<vmem_shared>>
      tpu.wait_indirect_dma semaphore(%run_scoped3A_528 : memref<!tpu.dma_semaphore, #tpu.memory_space<semaphore_mem>>) src(%arg10 : memref<128xf32, #tpu.memory_space<vmem>>) dst(%dma_wait3A_538 : memref<50000xf32, #tpu.memory_space<vmem_shared>>)
      tpu.yield
    }) : () -> ()
    %dma_wait3A_81 = arith.constant 0 : i32
    %dma_wait3A_82 = arith.constant 0 : i32
    %dma_wait3A_83 = arith.constant 0 : i32
    %dma_wait3A_84 = arith.constant 0 : i32
    %dma_wait3A_85 = tpu.memref_slice %arg9[%dma_wait3A_81, %dma_wait3A_83, %dma_wait3A_84] : memref<3x128x256xf32, #tpu.memory_space<vmem>> -> memref<1x128x256xf32, #tpu.memory_space<vmem>>
    %dma_wait3A_86 = tpu.memref_squeeze %dma_wait3A_85 : memref<1x128x256xf32, #tpu.memory_space<vmem>> -> memref<128x256xf32, #tpu.memory_space<vmem>>
    %dma_wait3A_87 = arith.constant 0 : i32
    %dma_wait3A_88 = tpu.memref_slice %arg6[%add3A_64, %dma_wait3A_87] : memref<32768x256xf32, #tpu.memory_space<hbm>> -> memref<128x256xf32, #tpu.memory_space<hbm>>
    %dma_wait3A_89 = tpu.memref_slice %arg13[%dma_wait3A_82] : memref<3x!tpu.dma_semaphore, #tpu.memory_space<semaphore_mem>> -> memref<1x!tpu.dma_semaphore, #tpu.memory_space<semaphore_mem>>
    %dma_wait3A_90 = tpu.memref_squeeze %dma_wait3A_89 : memref<1x!tpu.dma_semaphore, #tpu.memory_space<semaphore_mem>> -> memref<!tpu.dma_semaphore, #tpu.memory_space<semaphore_mem>>
    %dma_wait3A_91 = arith.constant 0 : i32
    %dma_wait3A_92 = tpu.memref_slice %arg6[%add3A_64, %dma_wait3A_91] : memref<32768x256xf32, #tpu.memory_space<hbm>> -> memref<128x256xf32, #tpu.memory_space<hbm>>
    %dma_wait3A_93 = arith.constant 0 : i32
    %dma_wait3A_94 = arith.constant 0 : i32
    %dma_wait3A_95 = tpu.memref_slice %arg9[%dma_wait3A_81, %dma_wait3A_93, %dma_wait3A_94] : memref<3x128x256xf32, #tpu.memory_space<vmem>> -> memref<1x128x256xf32, #tpu.memory_space<vmem>>
    %dma_wait3A_96 = tpu.memref_squeeze %dma_wait3A_95 : memref<1x128x256xf32, #tpu.memory_space<vmem>> -> memref<128x256xf32, #tpu.memory_space<vmem>>
    tpu.wait_dma2 semaphore(%dma_wait3A_90 : memref<!tpu.dma_semaphore, #tpu.memory_space<semaphore_mem>>) src(%dma_wait3A_96 : memref<128x256xf32, #tpu.memory_space<vmem>>) dst(%dma_wait3A_92 : memref<128x256xf32, #tpu.memory_space<hbm>>)
    %dma_start3A_97 = arith.constant 3 : i32
    %dma_start3A_98 = arith.constant 0 : i32
    %dma_start3A_99 = arith.constant 0 : i32
    %dma_start3A_100 = arith.constant 0 : i32
    %dma_start3A_101 = arith.constant 0 : i32
    %dma_start3A_102 = tpu.memref_slice %arg9[%dma_start3A_98, %dma_start3A_100, %dma_start3A_101] : memref<3x128x256xf32, #tpu.memory_space<vmem>> -> memref<1x128x256xf32, #tpu.memory_space<vmem>>
    %dma_start3A_103 = tpu.memref_squeeze %dma_start3A_102 : memref<1x128x256xf32, #tpu.memory_space<vmem>> -> memref<128x256xf32, #tpu.memory_space<vmem>>
    %dma_start3A_104 = arith.constant 0 : i32
    %dma_start3A_105 = tpu.memref_slice %arg8[%dma_start3A_97, %dma_start3A_104] : memref<8x128xi32, #tpu.memory_space<vmem>> -> memref<1x128xi32, #tpu.memory_space<vmem>>
    %dma_start3A_106 = tpu.memref_squeeze %dma_start3A_105 : memref<1x128xi32, #tpu.memory_space<vmem>> -> memref<128xi32, #tpu.memory_space<vmem>>
    %dma_start3A_107 = arith.constant 0 : i32
    %dma_start3A_108 = arith.constant 0 : i32
    %dma_start3A_109 = tpu.memref_slice %arg3[%dma_start3A_107, %dma_start3A_108] : memref<50000x256xf32, #tpu.memory_space<hbm>> -> memref<50000x256xf32, #tpu.memory_space<hbm>>
    %dma_start3A_110 = tpu.memref_slice %arg12[%dma_start3A_99] : memref<3x!tpu.dma_semaphore, #tpu.memory_space<semaphore_mem>> -> memref<1x!tpu.dma_semaphore, #tpu.memory_space<semaphore_mem>>
    %dma_start3A_111 = tpu.memref_squeeze %dma_start3A_110 : memref<1x!tpu.dma_semaphore, #tpu.memory_space<semaphore_mem>> -> memref<!tpu.dma_semaphore, #tpu.memory_space<semaphore_mem>>
    tpu.enqueue_indirect_dma source(%dma_start3A_109 : memref<50000x256xf32, #tpu.memory_space<hbm>>) target(%dma_start3A_103 : memref<128x256xf32, #tpu.memory_space<vmem>>) offsets(%dma_start3A_106 : memref<128xi32, #tpu.memory_space<vmem>>) semaphore(%dma_start3A_111 : memref<!tpu.dma_semaphore, #tpu.memory_space<semaphore_mem>>)
    %dma_wait3A_112 = arith.constant 1 : i32
    %dma_wait3A_113 = arith.constant 1 : i32
    %dma_wait3A_114 = arith.constant 1 : i32
    %dma_wait3A_115 = arith.constant 0 : i32
    %dma_wait3A_116 = arith.constant 0 : i32
    %dma_wait3A_117 = tpu.memref_slice %arg9[%dma_wait3A_113, %dma_wait3A_115, %dma_wait3A_116] : memref<3x128x256xf32, #tpu.memory_space<vmem>> -> memref<1x128x256xf32, #tpu.memory_space<vmem>>
    %dma_wait3A_118 = tpu.memref_squeeze %dma_wait3A_117 : memref<1x128x256xf32, #tpu.memory_space<vmem>> -> memref<128x256xf32, #tpu.memory_space<vmem>>
    %dma_wait3A_119 = arith.constant 0 : i32
    %dma_wait3A_120 = tpu.memref_slice %arg8[%dma_wait3A_112, %dma_wait3A_119] : memref<8x128xi32, #tpu.memory_space<vmem>> -> memref<1x128xi32, #tpu.memory_space<vmem>>
    %dma_wait3A_121 = tpu.memref_squeeze %dma_wait3A_120 : memref<1x128xi32, #tpu.memory_space<vmem>> -> memref<128xi32, #tpu.memory_space<vmem>>
    %dma_wait3A_122 = arith.constant 0 : i32
    %dma_wait3A_123 = arith.constant 0 : i32
    %dma_wait3A_124 = tpu.memref_slice %arg3[%dma_wait3A_122, %dma_wait3A_123] : memref<50000x256xf32, #tpu.memory_space<hbm>> -> memref<50000x256xf32, #tpu.memory_space<hbm>>
    %dma_wait3A_125 = tpu.memref_slice %arg12[%dma_wait3A_114] : memref<3x!tpu.dma_semaphore, #tpu.memory_space<semaphore_mem>> -> memref<1x!tpu.dma_semaphore, #tpu.memory_space<semaphore_mem>>
    %dma_wait3A_126 = tpu.memref_squeeze %dma_wait3A_125 : memref<1x!tpu.dma_semaphore, #tpu.memory_space<semaphore_mem>> -> memref<!tpu.dma_semaphore, #tpu.memory_space<semaphore_mem>>
    tpu.wait_indirect_dma semaphore(%dma_wait3A_126 : memref<!tpu.dma_semaphore, #tpu.memory_space<semaphore_mem>>) src(%dma_wait3A_124 : memref<50000x256xf32, #tpu.memory_space<hbm>>) dst(%dma_wait3A_118 : memref<128x256xf32, #tpu.memory_space<vmem>>)
    %add3A_127 = arith.constant 128 : i32
    %add3A_128 = arith.addi %mul3A_2, %add3A_127 : i32
    %dma_start3A_129 = arith.constant 1 : i32
    %dma_start3A_130 = arith.constant 1 : i32
    %dma_start3A_131 = arith.constant 0 : i32
    %dma_start3A_132 = arith.constant 0 : i32
    %dma_start3A_133 = tpu.memref_slice %arg9[%dma_start3A_129, %dma_start3A_131, %dma_start3A_132] : memref<3x128x256xf32, #tpu.memory_space<vmem>> -> memref<1x128x256xf32, #tpu.memory_space<vmem>>
    %dma_start3A_134 = tpu.memref_squeeze %dma_start3A_133 : memref<1x128x256xf32, #tpu.memory_space<vmem>> -> memref<128x256xf32, #tpu.memory_space<vmem>>
    %dma_start3A_135 = arith.constant 0 : i32
    %dma_start3A_136 = tpu.memref_slice %arg6[%add3A_128, %dma_start3A_135] : memref<32768x256xf32, #tpu.memory_space<hbm>> -> memref<128x256xf32, #tpu.memory_space<hbm>>
    %dma_start3A_137 = tpu.memref_slice %arg13[%dma_start3A_130] : memref<3x!tpu.dma_semaphore, #tpu.memory_space<semaphore_mem>> -> memref<1x!tpu.dma_semaphore, #tpu.memory_space<semaphore_mem>>
    %dma_start3A_138 = tpu.memref_squeeze %dma_start3A_137 : memref<1x!tpu.dma_semaphore, #tpu.memory_space<semaphore_mem>> -> memref<!tpu.dma_semaphore, #tpu.memory_space<semaphore_mem>>
    %dma_start3A_139 = arith.constant 0 : i32
    %dma_start3A_140 = tpu.memref_slice %arg6[%add3A_128, %dma_start3A_139] : memref<32768x256xf32, #tpu.memory_space<hbm>> -> memref<128x256xf32, #tpu.memory_space<hbm>>
    %dma_start3A_141 = arith.constant 0 : i32
    %dma_start3A_142 = arith.constant 0 : i32
    %dma_start3A_143 = tpu.memref_slice %arg9[%dma_start3A_129, %dma_start3A_141, %dma_start3A_142] : memref<3x128x256xf32, #tpu.memory_space<vmem>> -> memref<1x128x256xf32, #tpu.memory_space<vmem>>
    %dma_start3A_144 = tpu.memref_squeeze %dma_start3A_143 : memref<1x128x256xf32, #tpu.memory_space<vmem>> -> memref<128x256xf32, #tpu.memory_space<vmem>>
    tpu.enqueue_dma source(%dma_start3A_144 : memref<128x256xf32, #tpu.memory_space<vmem>>) target(%dma_start3A_140 : memref<128x256xf32, #tpu.memory_space<hbm>>) target_semaphore(%dma_start3A_138 : memref<!tpu.dma_semaphore, #tpu.memory_space<semaphore_mem>>)
    %run_scoped3A_145 = arith.constant 1 : i32
    "tpu.region"() ({
      %run_scoped3A_528 = tpu.sem_alloc : memref<!tpu.dma_semaphore, #tpu.memory_space<semaphore_mem>>
      %dma_start3A_529 = arith.constant 0 : i32
      %dma_start3A_530 = tpu.memref_slice %arg8[%run_scoped3A_145, %dma_start3A_529] : memref<8x128xi32, #tpu.memory_space<vmem>> -> memref<1x128xi32, #tpu.memory_space<vmem>>
      %dma_start3A_531 = tpu.memref_squeeze %dma_start3A_530 : memref<1x128xi32, #tpu.memory_space<vmem>> -> memref<128xi32, #tpu.memory_space<vmem>>
      %dma_start3A_532 = arith.constant 0 : i32
      %dma_start3A_533 = tpu.memref_slice %arg11[%dma_start3A_532] : memref<50000xf32, #tpu.memory_space<vmem_shared>> -> memref<50000xf32, #tpu.memory_space<vmem_shared>>
      tpu.enqueue_indirect_dma source(%arg10 : memref<128xf32, #tpu.memory_space<vmem>>) target(%dma_start3A_533 : memref<50000xf32, #tpu.memory_space<vmem_shared>>) offsets(%dma_start3A_531 : memref<128xi32, #tpu.memory_space<vmem>>) semaphore(%run_scoped3A_528 : memref<!tpu.dma_semaphore, #tpu.memory_space<semaphore_mem>>) {add = true}
      %dma_wait3A_534 = arith.constant 0 : i32
      %dma_wait3A_535 = tpu.memref_slice %arg8[%run_scoped3A_145, %dma_wait3A_534] : memref<8x128xi32, #tpu.memory_space<vmem>> -> memref<1x128xi32, #tpu.memory_space<vmem>>
      %dma_wait3A_536 = tpu.memref_squeeze %dma_wait3A_535 : memref<1x128xi32, #tpu.memory_space<vmem>> -> memref<128xi32, #tpu.memory_space<vmem>>
      %dma_wait3A_537 = arith.constant 0 : i32
      %dma_wait3A_538 = tpu.memref_slice %arg11[%dma_wait3A_537] : memref<50000xf32, #tpu.memory_space<vmem_shared>> -> memref<50000xf32, #tpu.memory_space<vmem_shared>>
      tpu.wait_indirect_dma semaphore(%run_scoped3A_528 : memref<!tpu.dma_semaphore, #tpu.memory_space<semaphore_mem>>) src(%arg10 : memref<128xf32, #tpu.memory_space<vmem>>) dst(%dma_wait3A_538 : memref<50000xf32, #tpu.memory_space<vmem_shared>>)
      tpu.yield
    }) : () -> ()
    %dma_wait3A_146 = arith.constant 1 : i32
    %dma_wait3A_147 = arith.constant 1 : i32
    %dma_wait3A_148 = arith.constant 0 : i32
    %dma_wait3A_149 = arith.constant 0 : i32
    %dma_wait3A_150 = tpu.memref_slice %arg9[%dma_wait3A_146, %dma_wait3A_148, %dma_wait3A_149] : memref<3x128x256xf32, #tpu.memory_space<vmem>> -> memref<1x128x256xf32, #tpu.memory_space<vmem>>
    %dma_wait3A_151 = tpu.memref_squeeze %dma_wait3A_150 : memref<1x128x256xf32, #tpu.memory_space<vmem>> -> memref<128x256xf32, #tpu.memory_space<vmem>>
    %dma_wait3A_152 = arith.constant 0 : i32
    %dma_wait3A_153 = tpu.memref_slice %arg6[%add3A_128, %dma_wait3A_152] : memref<32768x256xf32, #tpu.memory_space<hbm>> -> memref<128x256xf32, #tpu.memory_space<hbm>>
    %dma_wait3A_154 = tpu.memref_slice %arg13[%dma_wait3A_147] : memref<3x!tpu.dma_semaphore, #tpu.memory_space<semaphore_mem>> -> memref<1x!tpu.dma_semaphore, #tpu.memory_space<semaphore_mem>>
    %dma_wait3A_155 = tpu.memref_squeeze %dma_wait3A_154 : memref<1x!tpu.dma_semaphore, #tpu.memory_space<semaphore_mem>> -> memref<!tpu.dma_semaphore, #tpu.memory_space<semaphore_mem>>
    %dma_wait3A_156 = arith.constant 0 : i32
    %dma_wait3A_157 = tpu.memref_slice %arg6[%add3A_128, %dma_wait3A_156] : memref<32768x256xf32, #tpu.memory_space<hbm>> -> memref<128x256xf32, #tpu.memory_space<hbm>>
    %dma_wait3A_158 = arith.constant 0 : i32
    %dma_wait3A_159 = arith.constant 0 : i32
    %dma_wait3A_160 = tpu.memref_slice %arg9[%dma_wait3A_146, %dma_wait3A_158, %dma_wait3A_159] : memref<3x128x256xf32, #tpu.memory_space<vmem>> -> memref<1x128x256xf32, #tpu.memory_space<vmem>>
    %dma_wait3A_161 = tpu.memref_squeeze %dma_wait3A_160 : memref<1x128x256xf32, #tpu.memory_space<vmem>> -> memref<128x256xf32, #tpu.memory_space<vmem>>
    tpu.wait_dma2 semaphore(%dma_wait3A_155 : memref<!tpu.dma_semaphore, #tpu.memory_space<semaphore_mem>>) src(%dma_wait3A_161 : memref<128x256xf32, #tpu.memory_space<vmem>>) dst(%dma_wait3A_157 : memref<128x256xf32, #tpu.memory_space<hbm>>)
    %dma_start3A_162 = arith.constant 4 : i32
    %dma_start3A_163 = arith.constant 1 : i32
    %dma_start3A_164 = arith.constant 1 : i32
    %dma_start3A_165 = arith.constant 0 : i32
    %dma_start3A_166 = arith.constant 0 : i32
    %dma_start3A_167 = tpu.memref_slice %arg9[%dma_start3A_163, %dma_start3A_165, %dma_start3A_166] : memref<3x128x256xf32, #tpu.memory_space<vmem>> -> memref<1x128x256xf32, #tpu.memory_space<vmem>>
    %dma_start3A_168 = tpu.memref_squeeze %dma_start3A_167 : memref<1x128x256xf32, #tpu.memory_space<vmem>> -> memref<128x256xf32, #tpu.memory_space<vmem>>
    %dma_start3A_169 = arith.constant 0 : i32
    %dma_start3A_170 = tpu.memref_slice %arg8[%dma_start3A_162, %dma_start3A_169] : memref<8x128xi32, #tpu.memory_space<vmem>> -> memref<1x128xi32, #tpu.memory_space<vmem>>
    %dma_start3A_171 = tpu.memref_squeeze %dma_start3A_170 : memref<1x128xi32, #tpu.memory_space<vmem>> -> memref<128xi32, #tpu.memory_space<vmem>>
    %dma_start3A_172 = arith.constant 0 : i32
    %dma_start3A_173 = arith.constant 0 : i32
    %dma_start3A_174 = tpu.memref_slice %arg3[%dma_start3A_172, %dma_start3A_173] : memref<50000x256xf32, #tpu.memory_space<hbm>> -> memref<50000x256xf32, #tpu.memory_space<hbm>>
    %dma_start3A_175 = tpu.memref_slice %arg12[%dma_start3A_164] : memref<3x!tpu.dma_semaphore, #tpu.memory_space<semaphore_mem>> -> memref<1x!tpu.dma_semaphore, #tpu.memory_space<semaphore_mem>>
    %dma_start3A_176 = tpu.memref_squeeze %dma_start3A_175 : memref<1x!tpu.dma_semaphore, #tpu.memory_space<semaphore_mem>> -> memref<!tpu.dma_semaphore, #tpu.memory_space<semaphore_mem>>
    tpu.enqueue_indirect_dma source(%dma_start3A_174 : memref<50000x256xf32, #tpu.memory_space<hbm>>) target(%dma_start3A_168 : memref<128x256xf32, #tpu.memory_space<vmem>>) offsets(%dma_start3A_171 : memref<128xi32, #tpu.memory_space<vmem>>) semaphore(%dma_start3A_176 : memref<!tpu.dma_semaphore, #tpu.memory_space<semaphore_mem>>)
    %dma_wait3A_177 = arith.constant 2 : i32
    %dma_wait3A_178 = arith.constant 2 : i32
    %dma_wait3A_179 = arith.constant 2 : i32
    %dma_wait3A_180 = arith.constant 0 : i32
    %dma_wait3A_181 = arith.constant 0 : i32
    %dma_wait3A_182 = tpu.memref_slice %arg9[%dma_wait3A_178, %dma_wait3A_180, %dma_wait3A_181] : memref<3x128x256xf32, #tpu.memory_space<vmem>> -> memref<1x128x256xf32, #tpu.memory_space<vmem>>
    %dma_wait3A_183 = tpu.memref_squeeze %dma_wait3A_182 : memref<1x128x256xf32, #tpu.memory_space<vmem>> -> memref<128x256xf32, #tpu.memory_space<vmem>>
    %dma_wait3A_184 = arith.constant 0 : i32
    %dma_wait3A_185 = tpu.memref_slice %arg8[%dma_wait3A_177, %dma_wait3A_184] : memref<8x128xi32, #tpu.memory_space<vmem>> -> memref<1x128xi32, #tpu.memory_space<vmem>>
    %dma_wait3A_186 = tpu.memref_squeeze %dma_wait3A_185 : memref<1x128xi32, #tpu.memory_space<vmem>> -> memref<128xi32, #tpu.memory_space<vmem>>
    %dma_wait3A_187 = arith.constant 0 : i32
    %dma_wait3A_188 = arith.constant 0 : i32
    %dma_wait3A_189 = tpu.memref_slice %arg3[%dma_wait3A_187, %dma_wait3A_188] : memref<50000x256xf32, #tpu.memory_space<hbm>> -> memref<50000x256xf32, #tpu.memory_space<hbm>>
    %dma_wait3A_190 = tpu.memref_slice %arg12[%dma_wait3A_179] : memref<3x!tpu.dma_semaphore, #tpu.memory_space<semaphore_mem>> -> memref<1x!tpu.dma_semaphore, #tpu.memory_space<semaphore_mem>>
    %dma_wait3A_191 = tpu.memref_squeeze %dma_wait3A_190 : memref<1x!tpu.dma_semaphore, #tpu.memory_space<semaphore_mem>> -> memref<!tpu.dma_semaphore, #tpu.memory_space<semaphore_mem>>
    tpu.wait_indirect_dma semaphore(%dma_wait3A_191 : memref<!tpu.dma_semaphore, #tpu.memory_space<semaphore_mem>>) src(%dma_wait3A_189 : memref<50000x256xf32, #tpu.memory_space<hbm>>) dst(%dma_wait3A_183 : memref<128x256xf32, #tpu.memory_space<vmem>>)
    %add3A_192 = arith.constant 256 : i32
    %add3A_193 = arith.addi %mul3A_2, %add3A_192 : i32
    %dma_start3A_194 = arith.constant 2 : i32
    %dma_start3A_195 = arith.constant 2 : i32
    %dma_start3A_196 = arith.constant 0 : i32
    %dma_start3A_197 = arith.constant 0 : i32
    %dma_start3A_198 = tpu.memref_slice %arg9[%dma_start3A_194, %dma_start3A_196, %dma_start3A_197] : memref<3x128x256xf32, #tpu.memory_space<vmem>> -> memref<1x128x256xf32, #tpu.memory_space<vmem>>
    %dma_start3A_199 = tpu.memref_squeeze %dma_start3A_198 : memref<1x128x256xf32, #tpu.memory_space<vmem>> -> memref<128x256xf32, #tpu.memory_space<vmem>>
    %dma_start3A_200 = arith.constant 0 : i32
    %dma_start3A_201 = tpu.memref_slice %arg6[%add3A_193, %dma_start3A_200] : memref<32768x256xf32, #tpu.memory_space<hbm>> -> memref<128x256xf32, #tpu.memory_space<hbm>>
    %dma_start3A_202 = tpu.memref_slice %arg13[%dma_start3A_195] : memref<3x!tpu.dma_semaphore, #tpu.memory_space<semaphore_mem>> -> memref<1x!tpu.dma_semaphore, #tpu.memory_space<semaphore_mem>>
    %dma_start3A_203 = tpu.memref_squeeze %dma_start3A_202 : memref<1x!tpu.dma_semaphore, #tpu.memory_space<semaphore_mem>> -> memref<!tpu.dma_semaphore, #tpu.memory_space<semaphore_mem>>
    %dma_start3A_204 = arith.constant 0 : i32
    %dma_start3A_205 = tpu.memref_slice %arg6[%add3A_193, %dma_start3A_204] : memref<32768x256xf32, #tpu.memory_space<hbm>> -> memref<128x256xf32, #tpu.memory_space<hbm>>
    %dma_start3A_206 = arith.constant 0 : i32
    %dma_start3A_207 = arith.constant 0 : i32
    %dma_start3A_208 = tpu.memref_slice %arg9[%dma_start3A_194, %dma_start3A_206, %dma_start3A_207] : memref<3x128x256xf32, #tpu.memory_space<vmem>> -> memref<1x128x256xf32, #tpu.memory_space<vmem>>
    %dma_start3A_209 = tpu.memref_squeeze %dma_start3A_208 : memref<1x128x256xf32, #tpu.memory_space<vmem>> -> memref<128x256xf32, #tpu.memory_space<vmem>>
    tpu.enqueue_dma source(%dma_start3A_209 : memref<128x256xf32, #tpu.memory_space<vmem>>) target(%dma_start3A_205 : memref<128x256xf32, #tpu.memory_space<hbm>>) target_semaphore(%dma_start3A_203 : memref<!tpu.dma_semaphore, #tpu.memory_space<semaphore_mem>>)
    %run_scoped3A_210 = arith.constant 2 : i32
    "tpu.region"() ({
      %run_scoped3A_528 = tpu.sem_alloc : memref<!tpu.dma_semaphore, #tpu.memory_space<semaphore_mem>>
      %dma_start3A_529 = arith.constant 0 : i32
      %dma_start3A_530 = tpu.memref_slice %arg8[%run_scoped3A_210, %dma_start3A_529] : memref<8x128xi32, #tpu.memory_space<vmem>> -> memref<1x128xi32, #tpu.memory_space<vmem>>
      %dma_start3A_531 = tpu.memref_squeeze %dma_start3A_530 : memref<1x128xi32, #tpu.memory_space<vmem>> -> memref<128xi32, #tpu.memory_space<vmem>>
      %dma_start3A_532 = arith.constant 0 : i32
      %dma_start3A_533 = tpu.memref_slice %arg11[%dma_start3A_532] : memref<50000xf32, #tpu.memory_space<vmem_shared>> -> memref<50000xf32, #tpu.memory_space<vmem_shared>>
      tpu.enqueue_indirect_dma source(%arg10 : memref<128xf32, #tpu.memory_space<vmem>>) target(%dma_start3A_533 : memref<50000xf32, #tpu.memory_space<vmem_shared>>) offsets(%dma_start3A_531 : memref<128xi32, #tpu.memory_space<vmem>>) semaphore(%run_scoped3A_528 : memref<!tpu.dma_semaphore, #tpu.memory_space<semaphore_mem>>) {add = true}
      %dma_wait3A_534 = arith.constant 0 : i32
      %dma_wait3A_535 = tpu.memref_slice %arg8[%run_scoped3A_210, %dma_wait3A_534] : memref<8x128xi32, #tpu.memory_space<vmem>> -> memref<1x128xi32, #tpu.memory_space<vmem>>
      %dma_wait3A_536 = tpu.memref_squeeze %dma_wait3A_535 : memref<1x128xi32, #tpu.memory_space<vmem>> -> memref<128xi32, #tpu.memory_space<vmem>>
      %dma_wait3A_537 = arith.constant 0 : i32
      %dma_wait3A_538 = tpu.memref_slice %arg11[%dma_wait3A_537] : memref<50000xf32, #tpu.memory_space<vmem_shared>> -> memref<50000xf32, #tpu.memory_space<vmem_shared>>
      tpu.wait_indirect_dma semaphore(%run_scoped3A_528 : memref<!tpu.dma_semaphore, #tpu.memory_space<semaphore_mem>>) src(%arg10 : memref<128xf32, #tpu.memory_space<vmem>>) dst(%dma_wait3A_538 : memref<50000xf32, #tpu.memory_space<vmem_shared>>)
      tpu.yield
    }) : () -> ()
    %dma_wait3A_211 = arith.constant 2 : i32
    %dma_wait3A_212 = arith.constant 2 : i32
    %dma_wait3A_213 = arith.constant 0 : i32
    %dma_wait3A_214 = arith.constant 0 : i32
    %dma_wait3A_215 = tpu.memref_slice %arg9[%dma_wait3A_211, %dma_wait3A_213, %dma_wait3A_214] : memref<3x128x256xf32, #tpu.memory_space<vmem>> -> memref<1x128x256xf32, #tpu.memory_space<vmem>>
    %dma_wait3A_216 = tpu.memref_squeeze %dma_wait3A_215 : memref<1x128x256xf32, #tpu.memory_space<vmem>> -> memref<128x256xf32, #tpu.memory_space<vmem>>
    %dma_wait3A_217 = arith.constant 0 : i32
    %dma_wait3A_218 = tpu.memref_slice %arg6[%add3A_193, %dma_wait3A_217] : memref<32768x256xf32, #tpu.memory_space<hbm>> -> memref<128x256xf32, #tpu.memory_space<hbm>>
    %dma_wait3A_219 = tpu.memref_slice %arg13[%dma_wait3A_212] : memref<3x!tpu.dma_semaphore, #tpu.memory_space<semaphore_mem>> -> memref<1x!tpu.dma_semaphore, #tpu.memory_space<semaphore_mem>>
    %dma_wait3A_220 = tpu.memref_squeeze %dma_wait3A_219 : memref<1x!tpu.dma_semaphore, #tpu.memory_space<semaphore_mem>> -> memref<!tpu.dma_semaphore, #tpu.memory_space<semaphore_mem>>
    %dma_wait3A_221 = arith.constant 0 : i32
    %dma_wait3A_222 = tpu.memref_slice %arg6[%add3A_193, %dma_wait3A_221] : memref<32768x256xf32, #tpu.memory_space<hbm>> -> memref<128x256xf32, #tpu.memory_space<hbm>>
    %dma_wait3A_223 = arith.constant 0 : i32
    %dma_wait3A_224 = arith.constant 0 : i32
    %dma_wait3A_225 = tpu.memref_slice %arg9[%dma_wait3A_211, %dma_wait3A_223, %dma_wait3A_224] : memref<3x128x256xf32, #tpu.memory_space<vmem>> -> memref<1x128x256xf32, #tpu.memory_space<vmem>>
    %dma_wait3A_226 = tpu.memref_squeeze %dma_wait3A_225 : memref<1x128x256xf32, #tpu.memory_space<vmem>> -> memref<128x256xf32, #tpu.memory_space<vmem>>
    tpu.wait_dma2 semaphore(%dma_wait3A_220 : memref<!tpu.dma_semaphore, #tpu.memory_space<semaphore_mem>>) src(%dma_wait3A_226 : memref<128x256xf32, #tpu.memory_space<vmem>>) dst(%dma_wait3A_222 : memref<128x256xf32, #tpu.memory_space<hbm>>)
    %dma_start3A_227 = arith.constant 5 : i32
    %dma_start3A_228 = arith.constant 2 : i32
    %dma_start3A_229 = arith.constant 2 : i32
    %dma_start3A_230 = arith.constant 0 : i32
    %dma_start3A_231 = arith.constant 0 : i32
    %dma_start3A_232 = tpu.memref_slice %arg9[%dma_start3A_228, %dma_start3A_230, %dma_start3A_231] : memref<3x128x256xf32, #tpu.memory_space<vmem>> -> memref<1x128x256xf32, #tpu.memory_space<vmem>>
    %dma_start3A_233 = tpu.memref_squeeze %dma_start3A_232 : memref<1x128x256xf32, #tpu.memory_space<vmem>> -> memref<128x256xf32, #tpu.memory_space<vmem>>
    %dma_start3A_234 = arith.constant 0 : i32
    %dma_start3A_235 = tpu.memref_slice %arg8[%dma_start3A_227, %dma_start3A_234] : memref<8x128xi32, #tpu.memory_space<vmem>> -> memref<1x128xi32, #tpu.memory_space<vmem>>
    %dma_start3A_236 = tpu.memref_squeeze %dma_start3A_235 : memref<1x128xi32, #tpu.memory_space<vmem>> -> memref<128xi32, #tpu.memory_space<vmem>>
    %dma_start3A_237 = arith.constant 0 : i32
    %dma_start3A_238 = arith.constant 0 : i32
    %dma_start3A_239 = tpu.memref_slice %arg3[%dma_start3A_237, %dma_start3A_238] : memref<50000x256xf32, #tpu.memory_space<hbm>> -> memref<50000x256xf32, #tpu.memory_space<hbm>>
    %dma_start3A_240 = tpu.memref_slice %arg12[%dma_start3A_229] : memref<3x!tpu.dma_semaphore, #tpu.memory_space<semaphore_mem>> -> memref<1x!tpu.dma_semaphore, #tpu.memory_space<semaphore_mem>>
    %dma_start3A_241 = tpu.memref_squeeze %dma_start3A_240 : memref<1x!tpu.dma_semaphore, #tpu.memory_space<semaphore_mem>> -> memref<!tpu.dma_semaphore, #tpu.memory_space<semaphore_mem>>
    tpu.enqueue_indirect_dma source(%dma_start3A_239 : memref<50000x256xf32, #tpu.memory_space<hbm>>) target(%dma_start3A_233 : memref<128x256xf32, #tpu.memory_space<vmem>>) offsets(%dma_start3A_236 : memref<128xi32, #tpu.memory_space<vmem>>) semaphore(%dma_start3A_241 : memref<!tpu.dma_semaphore, #tpu.memory_space<semaphore_mem>>)
    %dma_wait3A_242 = arith.constant 3 : i32
    %dma_wait3A_243 = arith.constant 0 : i32
    %dma_wait3A_244 = arith.constant 0 : i32
    %dma_wait3A_245 = arith.constant 0 : i32
    %dma_wait3A_246 = arith.constant 0 : i32
    %dma_wait3A_247 = tpu.memref_slice %arg9[%dma_wait3A_243, %dma_wait3A_245, %dma_wait3A_246] : memref<3x128x256xf32, #tpu.memory_space<vmem>> -> memref<1x128x256xf32, #tpu.memory_space<vmem>>
    %dma_wait3A_248 = tpu.memref_squeeze %dma_wait3A_247 : memref<1x128x256xf32, #tpu.memory_space<vmem>> -> memref<128x256xf32, #tpu.memory_space<vmem>>
    %dma_wait3A_249 = arith.constant 0 : i32
    %dma_wait3A_250 = tpu.memref_slice %arg8[%dma_wait3A_242, %dma_wait3A_249] : memref<8x128xi32, #tpu.memory_space<vmem>> -> memref<1x128xi32, #tpu.memory_space<vmem>>
    %dma_wait3A_251 = tpu.memref_squeeze %dma_wait3A_250 : memref<1x128xi32, #tpu.memory_space<vmem>> -> memref<128xi32, #tpu.memory_space<vmem>>
    %dma_wait3A_252 = arith.constant 0 : i32
    %dma_wait3A_253 = arith.constant 0 : i32
    %dma_wait3A_254 = tpu.memref_slice %arg3[%dma_wait3A_252, %dma_wait3A_253] : memref<50000x256xf32, #tpu.memory_space<hbm>> -> memref<50000x256xf32, #tpu.memory_space<hbm>>
    %dma_wait3A_255 = tpu.memref_slice %arg12[%dma_wait3A_244] : memref<3x!tpu.dma_semaphore, #tpu.memory_space<semaphore_mem>> -> memref<1x!tpu.dma_semaphore, #tpu.memory_space<semaphore_mem>>
    %dma_wait3A_256 = tpu.memref_squeeze %dma_wait3A_255 : memref<1x!tpu.dma_semaphore, #tpu.memory_space<semaphore_mem>> -> memref<!tpu.dma_semaphore, #tpu.memory_space<semaphore_mem>>
    tpu.wait_indirect_dma semaphore(%dma_wait3A_256 : memref<!tpu.dma_semaphore, #tpu.memory_space<semaphore_mem>>) src(%dma_wait3A_254 : memref<50000x256xf32, #tpu.memory_space<hbm>>) dst(%dma_wait3A_248 : memref<128x256xf32, #tpu.memory_space<vmem>>)
    %add3A_257 = arith.constant 384 : i32
    %add3A_258 = arith.addi %mul3A_2, %add3A_257 : i32
    %dma_start3A_259 = arith.constant 0 : i32
    %dma_start3A_260 = arith.constant 0 : i32
    %dma_start3A_261 = arith.constant 0 : i32
    %dma_start3A_262 = arith.constant 0 : i32
    %dma_start3A_263 = tpu.memref_slice %arg9[%dma_start3A_259, %dma_start3A_261, %dma_start3A_262] : memref<3x128x256xf32, #tpu.memory_space<vmem>> -> memref<1x128x256xf32, #tpu.memory_space<vmem>>
    %dma_start3A_264 = tpu.memref_squeeze %dma_start3A_263 : memref<1x128x256xf32, #tpu.memory_space<vmem>> -> memref<128x256xf32, #tpu.memory_space<vmem>>
    %dma_start3A_265 = arith.constant 0 : i32
    %dma_start3A_266 = tpu.memref_slice %arg6[%add3A_258, %dma_start3A_265] : memref<32768x256xf32, #tpu.memory_space<hbm>> -> memref<128x256xf32, #tpu.memory_space<hbm>>
    %dma_start3A_267 = tpu.memref_slice %arg13[%dma_start3A_260] : memref<3x!tpu.dma_semaphore, #tpu.memory_space<semaphore_mem>> -> memref<1x!tpu.dma_semaphore, #tpu.memory_space<semaphore_mem>>
    %dma_start3A_268 = tpu.memref_squeeze %dma_start3A_267 : memref<1x!tpu.dma_semaphore, #tpu.memory_space<semaphore_mem>> -> memref<!tpu.dma_semaphore, #tpu.memory_space<semaphore_mem>>
    %dma_start3A_269 = arith.constant 0 : i32
    %dma_start3A_270 = tpu.memref_slice %arg6[%add3A_258, %dma_start3A_269] : memref<32768x256xf32, #tpu.memory_space<hbm>> -> memref<128x256xf32, #tpu.memory_space<hbm>>
    %dma_start3A_271 = arith.constant 0 : i32
    %dma_start3A_272 = arith.constant 0 : i32
    %dma_start3A_273 = tpu.memref_slice %arg9[%dma_start3A_259, %dma_start3A_271, %dma_start3A_272] : memref<3x128x256xf32, #tpu.memory_space<vmem>> -> memref<1x128x256xf32, #tpu.memory_space<vmem>>
    %dma_start3A_274 = tpu.memref_squeeze %dma_start3A_273 : memref<1x128x256xf32, #tpu.memory_space<vmem>> -> memref<128x256xf32, #tpu.memory_space<vmem>>
    tpu.enqueue_dma source(%dma_start3A_274 : memref<128x256xf32, #tpu.memory_space<vmem>>) target(%dma_start3A_270 : memref<128x256xf32, #tpu.memory_space<hbm>>) target_semaphore(%dma_start3A_268 : memref<!tpu.dma_semaphore, #tpu.memory_space<semaphore_mem>>)
    %run_scoped3A_275 = arith.constant 3 : i32
    "tpu.region"() ({
      %run_scoped3A_528 = tpu.sem_alloc : memref<!tpu.dma_semaphore, #tpu.memory_space<semaphore_mem>>
      %dma_start3A_529 = arith.constant 0 : i32
      %dma_start3A_530 = tpu.memref_slice %arg8[%run_scoped3A_275, %dma_start3A_529] : memref<8x128xi32, #tpu.memory_space<vmem>> -> memref<1x128xi32, #tpu.memory_space<vmem>>
      %dma_start3A_531 = tpu.memref_squeeze %dma_start3A_530 : memref<1x128xi32, #tpu.memory_space<vmem>> -> memref<128xi32, #tpu.memory_space<vmem>>
      %dma_start3A_532 = arith.constant 0 : i32
      %dma_start3A_533 = tpu.memref_slice %arg11[%dma_start3A_532] : memref<50000xf32, #tpu.memory_space<vmem_shared>> -> memref<50000xf32, #tpu.memory_space<vmem_shared>>
      tpu.enqueue_indirect_dma source(%arg10 : memref<128xf32, #tpu.memory_space<vmem>>) target(%dma_start3A_533 : memref<50000xf32, #tpu.memory_space<vmem_shared>>) offsets(%dma_start3A_531 : memref<128xi32, #tpu.memory_space<vmem>>) semaphore(%run_scoped3A_528 : memref<!tpu.dma_semaphore, #tpu.memory_space<semaphore_mem>>) {add = true}
      %dma_wait3A_534 = arith.constant 0 : i32
      %dma_wait3A_535 = tpu.memref_slice %arg8[%run_scoped3A_275, %dma_wait3A_534] : memref<8x128xi32, #tpu.memory_space<vmem>> -> memref<1x128xi32, #tpu.memory_space<vmem>>
      %dma_wait3A_536 = tpu.memref_squeeze %dma_wait3A_535 : memref<1x128xi32, #tpu.memory_space<vmem>> -> memref<128xi32, #tpu.memory_space<vmem>>
      %dma_wait3A_537 = arith.constant 0 : i32
      %dma_wait3A_538 = tpu.memref_slice %arg11[%dma_wait3A_537] : memref<50000xf32, #tpu.memory_space<vmem_shared>> -> memref<50000xf32, #tpu.memory_space<vmem_shared>>
      tpu.wait_indirect_dma semaphore(%run_scoped3A_528 : memref<!tpu.dma_semaphore, #tpu.memory_space<semaphore_mem>>) src(%arg10 : memref<128xf32, #tpu.memory_space<vmem>>) dst(%dma_wait3A_538 : memref<50000xf32, #tpu.memory_space<vmem_shared>>)
      tpu.yield
    }) : () -> ()
    %dma_wait3A_276 = arith.constant 0 : i32
    %dma_wait3A_277 = arith.constant 0 : i32
    %dma_wait3A_278 = arith.constant 0 : i32
    %dma_wait3A_279 = arith.constant 0 : i32
    %dma_wait3A_280 = tpu.memref_slice %arg9[%dma_wait3A_276, %dma_wait3A_278, %dma_wait3A_279] : memref<3x128x256xf32, #tpu.memory_space<vmem>> -> memref<1x128x256xf32, #tpu.memory_space<vmem>>
    %dma_wait3A_281 = tpu.memref_squeeze %dma_wait3A_280 : memref<1x128x256xf32, #tpu.memory_space<vmem>> -> memref<128x256xf32, #tpu.memory_space<vmem>>
    %dma_wait3A_282 = arith.constant 0 : i32
    %dma_wait3A_283 = tpu.memref_slice %arg6[%add3A_258, %dma_wait3A_282] : memref<32768x256xf32, #tpu.memory_space<hbm>> -> memref<128x256xf32, #tpu.memory_space<hbm>>
    %dma_wait3A_284 = tpu.memref_slice %arg13[%dma_wait3A_277] : memref<3x!tpu.dma_semaphore, #tpu.memory_space<semaphore_mem>> -> memref<1x!tpu.dma_semaphore, #tpu.memory_space<semaphore_mem>>
    %dma_wait3A_285 = tpu.memref_squeeze %dma_wait3A_284 : memref<1x!tpu.dma_semaphore, #tpu.memory_space<semaphore_mem>> -> memref<!tpu.dma_semaphore, #tpu.memory_space<semaphore_mem>>
    %dma_wait3A_286 = arith.constant 0 : i32
    %dma_wait3A_287 = tpu.memref_slice %arg6[%add3A_258, %dma_wait3A_286] : memref<32768x256xf32, #tpu.memory_space<hbm>> -> memref<128x256xf32, #tpu.memory_space<hbm>>
    %dma_wait3A_288 = arith.constant 0 : i32
    %dma_wait3A_289 = arith.constant 0 : i32
    %dma_wait3A_290 = tpu.memref_slice %arg9[%dma_wait3A_276, %dma_wait3A_288, %dma_wait3A_289] : memref<3x128x256xf32, #tpu.memory_space<vmem>> -> memref<1x128x256xf32, #tpu.memory_space<vmem>>
    %dma_wait3A_291 = tpu.memref_squeeze %dma_wait3A_290 : memref<1x128x256xf32, #tpu.memory_space<vmem>> -> memref<128x256xf32, #tpu.memory_space<vmem>>
    tpu.wait_dma2 semaphore(%dma_wait3A_285 : memref<!tpu.dma_semaphore, #tpu.memory_space<semaphore_mem>>) src(%dma_wait3A_291 : memref<128x256xf32, #tpu.memory_space<vmem>>) dst(%dma_wait3A_287 : memref<128x256xf32, #tpu.memory_space<hbm>>)
    %dma_start3A_292 = arith.constant 6 : i32
    %dma_start3A_293 = arith.constant 0 : i32
    %dma_start3A_294 = arith.constant 0 : i32
    %dma_start3A_295 = arith.constant 0 : i32
    %dma_start3A_296 = arith.constant 0 : i32
    %dma_start3A_297 = tpu.memref_slice %arg9[%dma_start3A_293, %dma_start3A_295, %dma_start3A_296] : memref<3x128x256xf32, #tpu.memory_space<vmem>> -> memref<1x128x256xf32, #tpu.memory_space<vmem>>
    %dma_start3A_298 = tpu.memref_squeeze %dma_start3A_297 : memref<1x128x256xf32, #tpu.memory_space<vmem>> -> memref<128x256xf32, #tpu.memory_space<vmem>>
    %dma_start3A_299 = arith.constant 0 : i32
    %dma_start3A_300 = tpu.memref_slice %arg8[%dma_start3A_292, %dma_start3A_299] : memref<8x128xi32, #tpu.memory_space<vmem>> -> memref<1x128xi32, #tpu.memory_space<vmem>>
    %dma_start3A_301 = tpu.memref_squeeze %dma_start3A_300 : memref<1x128xi32, #tpu.memory_space<vmem>> -> memref<128xi32, #tpu.memory_space<vmem>>
    %dma_start3A_302 = arith.constant 0 : i32
    %dma_start3A_303 = arith.constant 0 : i32
    %dma_start3A_304 = tpu.memref_slice %arg3[%dma_start3A_302, %dma_start3A_303] : memref<50000x256xf32, #tpu.memory_space<hbm>> -> memref<50000x256xf32, #tpu.memory_space<hbm>>
    %dma_start3A_305 = tpu.memref_slice %arg12[%dma_start3A_294] : memref<3x!tpu.dma_semaphore, #tpu.memory_space<semaphore_mem>> -> memref<1x!tpu.dma_semaphore, #tpu.memory_space<semaphore_mem>>
    %dma_start3A_306 = tpu.memref_squeeze %dma_start3A_305 : memref<1x!tpu.dma_semaphore, #tpu.memory_space<semaphore_mem>> -> memref<!tpu.dma_semaphore, #tpu.memory_space<semaphore_mem>>
    tpu.enqueue_indirect_dma source(%dma_start3A_304 : memref<50000x256xf32, #tpu.memory_space<hbm>>) target(%dma_start3A_298 : memref<128x256xf32, #tpu.memory_space<vmem>>) offsets(%dma_start3A_301 : memref<128xi32, #tpu.memory_space<vmem>>) semaphore(%dma_start3A_306 : memref<!tpu.dma_semaphore, #tpu.memory_space<semaphore_mem>>)
    %dma_wait3A_307 = arith.constant 4 : i32
    %dma_wait3A_308 = arith.constant 1 : i32
    %dma_wait3A_309 = arith.constant 1 : i32
    %dma_wait3A_310 = arith.constant 0 : i32
    %dma_wait3A_311 = arith.constant 0 : i32
    %dma_wait3A_312 = tpu.memref_slice %arg9[%dma_wait3A_308, %dma_wait3A_310, %dma_wait3A_311] : memref<3x128x256xf32, #tpu.memory_space<vmem>> -> memref<1x128x256xf32, #tpu.memory_space<vmem>>
    %dma_wait3A_313 = tpu.memref_squeeze %dma_wait3A_312 : memref<1x128x256xf32, #tpu.memory_space<vmem>> -> memref<128x256xf32, #tpu.memory_space<vmem>>
    %dma_wait3A_314 = arith.constant 0 : i32
    %dma_wait3A_315 = tpu.memref_slice %arg8[%dma_wait3A_307, %dma_wait3A_314] : memref<8x128xi32, #tpu.memory_space<vmem>> -> memref<1x128xi32, #tpu.memory_space<vmem>>
    %dma_wait3A_316 = tpu.memref_squeeze %dma_wait3A_315 : memref<1x128xi32, #tpu.memory_space<vmem>> -> memref<128xi32, #tpu.memory_space<vmem>>
    %dma_wait3A_317 = arith.constant 0 : i32
    %dma_wait3A_318 = arith.constant 0 : i32
    %dma_wait3A_319 = tpu.memref_slice %arg3[%dma_wait3A_317, %dma_wait3A_318] : memref<50000x256xf32, #tpu.memory_space<hbm>> -> memref<50000x256xf32, #tpu.memory_space<hbm>>
    %dma_wait3A_320 = tpu.memref_slice %arg12[%dma_wait3A_309] : memref<3x!tpu.dma_semaphore, #tpu.memory_space<semaphore_mem>> -> memref<1x!tpu.dma_semaphore, #tpu.memory_space<semaphore_mem>>
    %dma_wait3A_321 = tpu.memref_squeeze %dma_wait3A_320 : memref<1x!tpu.dma_semaphore, #tpu.memory_space<semaphore_mem>> -> memref<!tpu.dma_semaphore, #tpu.memory_space<semaphore_mem>>
    tpu.wait_indirect_dma semaphore(%dma_wait3A_321 : memref<!tpu.dma_semaphore, #tpu.memory_space<semaphore_mem>>) src(%dma_wait3A_319 : memref<50000x256xf32, #tpu.memory_space<hbm>>) dst(%dma_wait3A_313 : memref<128x256xf32, #tpu.memory_space<vmem>>)
    %add3A_322 = arith.constant 512 : i32
    %add3A_323 = arith.addi %mul3A_2, %add3A_322 : i32
    %dma_start3A_324 = arith.constant 1 : i32
    %dma_start3A_325 = arith.constant 1 : i32
    %dma_start3A_326 = arith.constant 0 : i32
    %dma_start3A_327 = arith.constant 0 : i32
    %dma_start3A_328 = tpu.memref_slice %arg9[%dma_start3A_324, %dma_start3A_326, %dma_start3A_327] : memref<3x128x256xf32, #tpu.memory_space<vmem>> -> memref<1x128x256xf32, #tpu.memory_space<vmem>>
    %dma_start3A_329 = tpu.memref_squeeze %dma_start3A_328 : memref<1x128x256xf32, #tpu.memory_space<vmem>> -> memref<128x256xf32, #tpu.memory_space<vmem>>
    %dma_start3A_330 = arith.constant 0 : i32
    %dma_start3A_331 = tpu.memref_slice %arg6[%add3A_323, %dma_start3A_330] : memref<32768x256xf32, #tpu.memory_space<hbm>> -> memref<128x256xf32, #tpu.memory_space<hbm>>
    %dma_start3A_332 = tpu.memref_slice %arg13[%dma_start3A_325] : memref<3x!tpu.dma_semaphore, #tpu.memory_space<semaphore_mem>> -> memref<1x!tpu.dma_semaphore, #tpu.memory_space<semaphore_mem>>
    %dma_start3A_333 = tpu.memref_squeeze %dma_start3A_332 : memref<1x!tpu.dma_semaphore, #tpu.memory_space<semaphore_mem>> -> memref<!tpu.dma_semaphore, #tpu.memory_space<semaphore_mem>>
    %dma_start3A_334 = arith.constant 0 : i32
    %dma_start3A_335 = tpu.memref_slice %arg6[%add3A_323, %dma_start3A_334] : memref<32768x256xf32, #tpu.memory_space<hbm>> -> memref<128x256xf32, #tpu.memory_space<hbm>>
    %dma_start3A_336 = arith.constant 0 : i32
    %dma_start3A_337 = arith.constant 0 : i32
    %dma_start3A_338 = tpu.memref_slice %arg9[%dma_start3A_324, %dma_start3A_336, %dma_start3A_337] : memref<3x128x256xf32, #tpu.memory_space<vmem>> -> memref<1x128x256xf32, #tpu.memory_space<vmem>>
    %dma_start3A_339 = tpu.memref_squeeze %dma_start3A_338 : memref<1x128x256xf32, #tpu.memory_space<vmem>> -> memref<128x256xf32, #tpu.memory_space<vmem>>
    tpu.enqueue_dma source(%dma_start3A_339 : memref<128x256xf32, #tpu.memory_space<vmem>>) target(%dma_start3A_335 : memref<128x256xf32, #tpu.memory_space<hbm>>) target_semaphore(%dma_start3A_333 : memref<!tpu.dma_semaphore, #tpu.memory_space<semaphore_mem>>)
    %run_scoped3A_340 = arith.constant 4 : i32
    "tpu.region"() ({
      %run_scoped3A_528 = tpu.sem_alloc : memref<!tpu.dma_semaphore, #tpu.memory_space<semaphore_mem>>
      %dma_start3A_529 = arith.constant 0 : i32
      %dma_start3A_530 = tpu.memref_slice %arg8[%run_scoped3A_340, %dma_start3A_529] : memref<8x128xi32, #tpu.memory_space<vmem>> -> memref<1x128xi32, #tpu.memory_space<vmem>>
      %dma_start3A_531 = tpu.memref_squeeze %dma_start3A_530 : memref<1x128xi32, #tpu.memory_space<vmem>> -> memref<128xi32, #tpu.memory_space<vmem>>
      %dma_start3A_532 = arith.constant 0 : i32
      %dma_start3A_533 = tpu.memref_slice %arg11[%dma_start3A_532] : memref<50000xf32, #tpu.memory_space<vmem_shared>> -> memref<50000xf32, #tpu.memory_space<vmem_shared>>
      tpu.enqueue_indirect_dma source(%arg10 : memref<128xf32, #tpu.memory_space<vmem>>) target(%dma_start3A_533 : memref<50000xf32, #tpu.memory_space<vmem_shared>>) offsets(%dma_start3A_531 : memref<128xi32, #tpu.memory_space<vmem>>) semaphore(%run_scoped3A_528 : memref<!tpu.dma_semaphore, #tpu.memory_space<semaphore_mem>>) {add = true}
      %dma_wait3A_534 = arith.constant 0 : i32
      %dma_wait3A_535 = tpu.memref_slice %arg8[%run_scoped3A_340, %dma_wait3A_534] : memref<8x128xi32, #tpu.memory_space<vmem>> -> memref<1x128xi32, #tpu.memory_space<vmem>>
      %dma_wait3A_536 = tpu.memref_squeeze %dma_wait3A_535 : memref<1x128xi32, #tpu.memory_space<vmem>> -> memref<128xi32, #tpu.memory_space<vmem>>
      %dma_wait3A_537 = arith.constant 0 : i32
      %dma_wait3A_538 = tpu.memref_slice %arg11[%dma_wait3A_537] : memref<50000xf32, #tpu.memory_space<vmem_shared>> -> memref<50000xf32, #tpu.memory_space<vmem_shared>>
      tpu.wait_indirect_dma semaphore(%run_scoped3A_528 : memref<!tpu.dma_semaphore, #tpu.memory_space<semaphore_mem>>) src(%arg10 : memref<128xf32, #tpu.memory_space<vmem>>) dst(%dma_wait3A_538 : memref<50000xf32, #tpu.memory_space<vmem_shared>>)
      tpu.yield
    }) : () -> ()
    %dma_wait3A_341 = arith.constant 1 : i32
    %dma_wait3A_342 = arith.constant 1 : i32
    %dma_wait3A_343 = arith.constant 0 : i32
    %dma_wait3A_344 = arith.constant 0 : i32
    %dma_wait3A_345 = tpu.memref_slice %arg9[%dma_wait3A_341, %dma_wait3A_343, %dma_wait3A_344] : memref<3x128x256xf32, #tpu.memory_space<vmem>> -> memref<1x128x256xf32, #tpu.memory_space<vmem>>
    %dma_wait3A_346 = tpu.memref_squeeze %dma_wait3A_345 : memref<1x128x256xf32, #tpu.memory_space<vmem>> -> memref<128x256xf32, #tpu.memory_space<vmem>>
    %dma_wait3A_347 = arith.constant 0 : i32
    %dma_wait3A_348 = tpu.memref_slice %arg6[%add3A_323, %dma_wait3A_347] : memref<32768x256xf32, #tpu.memory_space<hbm>> -> memref<128x256xf32, #tpu.memory_space<hbm>>
    %dma_wait3A_349 = tpu.memref_slice %arg13[%dma_wait3A_342] : memref<3x!tpu.dma_semaphore, #tpu.memory_space<semaphore_mem>> -> memref<1x!tpu.dma_semaphore, #tpu.memory_space<semaphore_mem>>
    %dma_wait3A_350 = tpu.memref_squeeze %dma_wait3A_349 : memref<1x!tpu.dma_semaphore, #tpu.memory_space<semaphore_mem>> -> memref<!tpu.dma_semaphore, #tpu.memory_space<semaphore_mem>>
    %dma_wait3A_351 = arith.constant 0 : i32
    %dma_wait3A_352 = tpu.memref_slice %arg6[%add3A_323, %dma_wait3A_351] : memref<32768x256xf32, #tpu.memory_space<hbm>> -> memref<128x256xf32, #tpu.memory_space<hbm>>
    %dma_wait3A_353 = arith.constant 0 : i32
    %dma_wait3A_354 = arith.constant 0 : i32
    %dma_wait3A_355 = tpu.memref_slice %arg9[%dma_wait3A_341, %dma_wait3A_353, %dma_wait3A_354] : memref<3x128x256xf32, #tpu.memory_space<vmem>> -> memref<1x128x256xf32, #tpu.memory_space<vmem>>
    %dma_wait3A_356 = tpu.memref_squeeze %dma_wait3A_355 : memref<1x128x256xf32, #tpu.memory_space<vmem>> -> memref<128x256xf32, #tpu.memory_space<vmem>>
    tpu.wait_dma2 semaphore(%dma_wait3A_350 : memref<!tpu.dma_semaphore, #tpu.memory_space<semaphore_mem>>) src(%dma_wait3A_356 : memref<128x256xf32, #tpu.memory_space<vmem>>) dst(%dma_wait3A_352 : memref<128x256xf32, #tpu.memory_space<hbm>>)
    %dma_start3A_357 = arith.constant 7 : i32
    %dma_start3A_358 = arith.constant 1 : i32
    %dma_start3A_359 = arith.constant 1 : i32
    %dma_start3A_360 = arith.constant 0 : i32
    %dma_start3A_361 = arith.constant 0 : i32
    %dma_start3A_362 = tpu.memref_slice %arg9[%dma_start3A_358, %dma_start3A_360, %dma_start3A_361] : memref<3x128x256xf32, #tpu.memory_space<vmem>> -> memref<1x128x256xf32, #tpu.memory_space<vmem>>
    %dma_start3A_363 = tpu.memref_squeeze %dma_start3A_362 : memref<1x128x256xf32, #tpu.memory_space<vmem>> -> memref<128x256xf32, #tpu.memory_space<vmem>>
    %dma_start3A_364 = arith.constant 0 : i32
    %dma_start3A_365 = tpu.memref_slice %arg8[%dma_start3A_357, %dma_start3A_364] : memref<8x128xi32, #tpu.memory_space<vmem>> -> memref<1x128xi32, #tpu.memory_space<vmem>>
    %dma_start3A_366 = tpu.memref_squeeze %dma_start3A_365 : memref<1x128xi32, #tpu.memory_space<vmem>> -> memref<128xi32, #tpu.memory_space<vmem>>
    %dma_start3A_367 = arith.constant 0 : i32
    %dma_start3A_368 = arith.constant 0 : i32
    %dma_start3A_369 = tpu.memref_slice %arg3[%dma_start3A_367, %dma_start3A_368] : memref<50000x256xf32, #tpu.memory_space<hbm>> -> memref<50000x256xf32, #tpu.memory_space<hbm>>
    %dma_start3A_370 = tpu.memref_slice %arg12[%dma_start3A_359] : memref<3x!tpu.dma_semaphore, #tpu.memory_space<semaphore_mem>> -> memref<1x!tpu.dma_semaphore, #tpu.memory_space<semaphore_mem>>
    %dma_start3A_371 = tpu.memref_squeeze %dma_start3A_370 : memref<1x!tpu.dma_semaphore, #tpu.memory_space<semaphore_mem>> -> memref<!tpu.dma_semaphore, #tpu.memory_space<semaphore_mem>>
    tpu.enqueue_indirect_dma source(%dma_start3A_369 : memref<50000x256xf32, #tpu.memory_space<hbm>>) target(%dma_start3A_363 : memref<128x256xf32, #tpu.memory_space<vmem>>) offsets(%dma_start3A_366 : memref<128xi32, #tpu.memory_space<vmem>>) semaphore(%dma_start3A_371 : memref<!tpu.dma_semaphore, #tpu.memory_space<semaphore_mem>>)
    %dma_wait3A_372 = arith.constant 5 : i32
    %dma_wait3A_373 = arith.constant 2 : i32
    %dma_wait3A_374 = arith.constant 2 : i32
    %dma_wait3A_375 = arith.constant 0 : i32
    %dma_wait3A_376 = arith.constant 0 : i32
    %dma_wait3A_377 = tpu.memref_slice %arg9[%dma_wait3A_373, %dma_wait3A_375, %dma_wait3A_376] : memref<3x128x256xf32, #tpu.memory_space<vmem>> -> memref<1x128x256xf32, #tpu.memory_space<vmem>>
    %dma_wait3A_378 = tpu.memref_squeeze %dma_wait3A_377 : memref<1x128x256xf32, #tpu.memory_space<vmem>> -> memref<128x256xf32, #tpu.memory_space<vmem>>
    %dma_wait3A_379 = arith.constant 0 : i32
    %dma_wait3A_380 = tpu.memref_slice %arg8[%dma_wait3A_372, %dma_wait3A_379] : memref<8x128xi32, #tpu.memory_space<vmem>> -> memref<1x128xi32, #tpu.memory_space<vmem>>
    %dma_wait3A_381 = tpu.memref_squeeze %dma_wait3A_380 : memref<1x128xi32, #tpu.memory_space<vmem>> -> memref<128xi32, #tpu.memory_space<vmem>>
    %dma_wait3A_382 = arith.constant 0 : i32
    %dma_wait3A_383 = arith.constant 0 : i32
    %dma_wait3A_384 = tpu.memref_slice %arg3[%dma_wait3A_382, %dma_wait3A_383] : memref<50000x256xf32, #tpu.memory_space<hbm>> -> memref<50000x256xf32, #tpu.memory_space<hbm>>
    %dma_wait3A_385 = tpu.memref_slice %arg12[%dma_wait3A_374] : memref<3x!tpu.dma_semaphore, #tpu.memory_space<semaphore_mem>> -> memref<1x!tpu.dma_semaphore, #tpu.memory_space<semaphore_mem>>
    %dma_wait3A_386 = tpu.memref_squeeze %dma_wait3A_385 : memref<1x!tpu.dma_semaphore, #tpu.memory_space<semaphore_mem>> -> memref<!tpu.dma_semaphore, #tpu.memory_space<semaphore_mem>>
    tpu.wait_indirect_dma semaphore(%dma_wait3A_386 : memref<!tpu.dma_semaphore, #tpu.memory_space<semaphore_mem>>) src(%dma_wait3A_384 : memref<50000x256xf32, #tpu.memory_space<hbm>>) dst(%dma_wait3A_378 : memref<128x256xf32, #tpu.memory_space<vmem>>)
    %add3A_387 = arith.constant 640 : i32
    %add3A_388 = arith.addi %mul3A_2, %add3A_387 : i32
    %dma_start3A_389 = arith.constant 2 : i32
    %dma_start3A_390 = arith.constant 2 : i32
    %dma_start3A_391 = arith.constant 0 : i32
    %dma_start3A_392 = arith.constant 0 : i32
    %dma_start3A_393 = tpu.memref_slice %arg9[%dma_start3A_389, %dma_start3A_391, %dma_start3A_392] : memref<3x128x256xf32, #tpu.memory_space<vmem>> -> memref<1x128x256xf32, #tpu.memory_space<vmem>>
    %dma_start3A_394 = tpu.memref_squeeze %dma_start3A_393 : memref<1x128x256xf32, #tpu.memory_space<vmem>> -> memref<128x256xf32, #tpu.memory_space<vmem>>
    %dma_start3A_395 = arith.constant 0 : i32
    %dma_start3A_396 = tpu.memref_slice %arg6[%add3A_388, %dma_start3A_395] : memref<32768x256xf32, #tpu.memory_space<hbm>> -> memref<128x256xf32, #tpu.memory_space<hbm>>
    %dma_start3A_397 = tpu.memref_slice %arg13[%dma_start3A_390] : memref<3x!tpu.dma_semaphore, #tpu.memory_space<semaphore_mem>> -> memref<1x!tpu.dma_semaphore, #tpu.memory_space<semaphore_mem>>
    %dma_start3A_398 = tpu.memref_squeeze %dma_start3A_397 : memref<1x!tpu.dma_semaphore, #tpu.memory_space<semaphore_mem>> -> memref<!tpu.dma_semaphore, #tpu.memory_space<semaphore_mem>>
    %dma_start3A_399 = arith.constant 0 : i32
    %dma_start3A_400 = tpu.memref_slice %arg6[%add3A_388, %dma_start3A_399] : memref<32768x256xf32, #tpu.memory_space<hbm>> -> memref<128x256xf32, #tpu.memory_space<hbm>>
    %dma_start3A_401 = arith.constant 0 : i32
    %dma_start3A_402 = arith.constant 0 : i32
    %dma_start3A_403 = tpu.memref_slice %arg9[%dma_start3A_389, %dma_start3A_401, %dma_start3A_402] : memref<3x128x256xf32, #tpu.memory_space<vmem>> -> memref<1x128x256xf32, #tpu.memory_space<vmem>>
    %dma_start3A_404 = tpu.memref_squeeze %dma_start3A_403 : memref<1x128x256xf32, #tpu.memory_space<vmem>> -> memref<128x256xf32, #tpu.memory_space<vmem>>
    tpu.enqueue_dma source(%dma_start3A_404 : memref<128x256xf32, #tpu.memory_space<vmem>>) target(%dma_start3A_400 : memref<128x256xf32, #tpu.memory_space<hbm>>) target_semaphore(%dma_start3A_398 : memref<!tpu.dma_semaphore, #tpu.memory_space<semaphore_mem>>)
    %run_scoped3A_405 = arith.constant 5 : i32
    "tpu.region"() ({
      %run_scoped3A_528 = tpu.sem_alloc : memref<!tpu.dma_semaphore, #tpu.memory_space<semaphore_mem>>
      %dma_start3A_529 = arith.constant 0 : i32
      %dma_start3A_530 = tpu.memref_slice %arg8[%run_scoped3A_405, %dma_start3A_529] : memref<8x128xi32, #tpu.memory_space<vmem>> -> memref<1x128xi32, #tpu.memory_space<vmem>>
      %dma_start3A_531 = tpu.memref_squeeze %dma_start3A_530 : memref<1x128xi32, #tpu.memory_space<vmem>> -> memref<128xi32, #tpu.memory_space<vmem>>
      %dma_start3A_532 = arith.constant 0 : i32
      %dma_start3A_533 = tpu.memref_slice %arg11[%dma_start3A_532] : memref<50000xf32, #tpu.memory_space<vmem_shared>> -> memref<50000xf32, #tpu.memory_space<vmem_shared>>
      tpu.enqueue_indirect_dma source(%arg10 : memref<128xf32, #tpu.memory_space<vmem>>) target(%dma_start3A_533 : memref<50000xf32, #tpu.memory_space<vmem_shared>>) offsets(%dma_start3A_531 : memref<128xi32, #tpu.memory_space<vmem>>) semaphore(%run_scoped3A_528 : memref<!tpu.dma_semaphore, #tpu.memory_space<semaphore_mem>>) {add = true}
      %dma_wait3A_534 = arith.constant 0 : i32
      %dma_wait3A_535 = tpu.memref_slice %arg8[%run_scoped3A_405, %dma_wait3A_534] : memref<8x128xi32, #tpu.memory_space<vmem>> -> memref<1x128xi32, #tpu.memory_space<vmem>>
      %dma_wait3A_536 = tpu.memref_squeeze %dma_wait3A_535 : memref<1x128xi32, #tpu.memory_space<vmem>> -> memref<128xi32, #tpu.memory_space<vmem>>
      %dma_wait3A_537 = arith.constant 0 : i32
      %dma_wait3A_538 = tpu.memref_slice %arg11[%dma_wait3A_537] : memref<50000xf32, #tpu.memory_space<vmem_shared>> -> memref<50000xf32, #tpu.memory_space<vmem_shared>>
      tpu.wait_indirect_dma semaphore(%run_scoped3A_528 : memref<!tpu.dma_semaphore, #tpu.memory_space<semaphore_mem>>) src(%arg10 : memref<128xf32, #tpu.memory_space<vmem>>) dst(%dma_wait3A_538 : memref<50000xf32, #tpu.memory_space<vmem_shared>>)
      tpu.yield
    }) : () -> ()
    %dma_wait3A_406 = arith.constant 6 : i32
    %dma_wait3A_407 = arith.constant 0 : i32
    %dma_wait3A_408 = arith.constant 0 : i32
    %dma_wait3A_409 = arith.constant 0 : i32
    %dma_wait3A_410 = arith.constant 0 : i32
    %dma_wait3A_411 = tpu.memref_slice %arg9[%dma_wait3A_407, %dma_wait3A_409, %dma_wait3A_410] : memref<3x128x256xf32, #tpu.memory_space<vmem>> -> memref<1x128x256xf32, #tpu.memory_space<vmem>>
    %dma_wait3A_412 = tpu.memref_squeeze %dma_wait3A_411 : memref<1x128x256xf32, #tpu.memory_space<vmem>> -> memref<128x256xf32, #tpu.memory_space<vmem>>
    %dma_wait3A_413 = arith.constant 0 : i32
    %dma_wait3A_414 = tpu.memref_slice %arg8[%dma_wait3A_406, %dma_wait3A_413] : memref<8x128xi32, #tpu.memory_space<vmem>> -> memref<1x128xi32, #tpu.memory_space<vmem>>
    %dma_wait3A_415 = tpu.memref_squeeze %dma_wait3A_414 : memref<1x128xi32, #tpu.memory_space<vmem>> -> memref<128xi32, #tpu.memory_space<vmem>>
    %dma_wait3A_416 = arith.constant 0 : i32
    %dma_wait3A_417 = arith.constant 0 : i32
    %dma_wait3A_418 = tpu.memref_slice %arg3[%dma_wait3A_416, %dma_wait3A_417] : memref<50000x256xf32, #tpu.memory_space<hbm>> -> memref<50000x256xf32, #tpu.memory_space<hbm>>
    %dma_wait3A_419 = tpu.memref_slice %arg12[%dma_wait3A_408] : memref<3x!tpu.dma_semaphore, #tpu.memory_space<semaphore_mem>> -> memref<1x!tpu.dma_semaphore, #tpu.memory_space<semaphore_mem>>
    %dma_wait3A_420 = tpu.memref_squeeze %dma_wait3A_419 : memref<1x!tpu.dma_semaphore, #tpu.memory_space<semaphore_mem>> -> memref<!tpu.dma_semaphore, #tpu.memory_space<semaphore_mem>>
    tpu.wait_indirect_dma semaphore(%dma_wait3A_420 : memref<!tpu.dma_semaphore, #tpu.memory_space<semaphore_mem>>) src(%dma_wait3A_418 : memref<50000x256xf32, #tpu.memory_space<hbm>>) dst(%dma_wait3A_412 : memref<128x256xf32, #tpu.memory_space<vmem>>)
    %add3A_421 = arith.constant 768 : i32
    %add3A_422 = arith.addi %mul3A_2, %add3A_421 : i32
    %dma_start3A_423 = arith.constant 0 : i32
    %dma_start3A_424 = arith.constant 0 : i32
    %dma_start3A_425 = arith.constant 0 : i32
    %dma_start3A_426 = arith.constant 0 : i32
    %dma_start3A_427 = tpu.memref_slice %arg9[%dma_start3A_423, %dma_start3A_425, %dma_start3A_426] : memref<3x128x256xf32, #tpu.memory_space<vmem>> -> memref<1x128x256xf32, #tpu.memory_space<vmem>>
    %dma_start3A_428 = tpu.memref_squeeze %dma_start3A_427 : memref<1x128x256xf32, #tpu.memory_space<vmem>> -> memref<128x256xf32, #tpu.memory_space<vmem>>
    %dma_start3A_429 = arith.constant 0 : i32
    %dma_start3A_430 = tpu.memref_slice %arg6[%add3A_422, %dma_start3A_429] : memref<32768x256xf32, #tpu.memory_space<hbm>> -> memref<128x256xf32, #tpu.memory_space<hbm>>
    %dma_start3A_431 = tpu.memref_slice %arg13[%dma_start3A_424] : memref<3x!tpu.dma_semaphore, #tpu.memory_space<semaphore_mem>> -> memref<1x!tpu.dma_semaphore, #tpu.memory_space<semaphore_mem>>
    %dma_start3A_432 = tpu.memref_squeeze %dma_start3A_431 : memref<1x!tpu.dma_semaphore, #tpu.memory_space<semaphore_mem>> -> memref<!tpu.dma_semaphore, #tpu.memory_space<semaphore_mem>>
    %dma_start3A_433 = arith.constant 0 : i32
    %dma_start3A_434 = tpu.memref_slice %arg6[%add3A_422, %dma_start3A_433] : memref<32768x256xf32, #tpu.memory_space<hbm>> -> memref<128x256xf32, #tpu.memory_space<hbm>>
    %dma_start3A_435 = arith.constant 0 : i32
    %dma_start3A_436 = arith.constant 0 : i32
    %dma_start3A_437 = tpu.memref_slice %arg9[%dma_start3A_423, %dma_start3A_435, %dma_start3A_436] : memref<3x128x256xf32, #tpu.memory_space<vmem>> -> memref<1x128x256xf32, #tpu.memory_space<vmem>>
    %dma_start3A_438 = tpu.memref_squeeze %dma_start3A_437 : memref<1x128x256xf32, #tpu.memory_space<vmem>> -> memref<128x256xf32, #tpu.memory_space<vmem>>
    tpu.enqueue_dma source(%dma_start3A_438 : memref<128x256xf32, #tpu.memory_space<vmem>>) target(%dma_start3A_434 : memref<128x256xf32, #tpu.memory_space<hbm>>) target_semaphore(%dma_start3A_432 : memref<!tpu.dma_semaphore, #tpu.memory_space<semaphore_mem>>)
    %run_scoped3A_439 = arith.constant 6 : i32
    "tpu.region"() ({
      %run_scoped3A_528 = tpu.sem_alloc : memref<!tpu.dma_semaphore, #tpu.memory_space<semaphore_mem>>
      %dma_start3A_529 = arith.constant 0 : i32
      %dma_start3A_530 = tpu.memref_slice %arg8[%run_scoped3A_439, %dma_start3A_529] : memref<8x128xi32, #tpu.memory_space<vmem>> -> memref<1x128xi32, #tpu.memory_space<vmem>>
      %dma_start3A_531 = tpu.memref_squeeze %dma_start3A_530 : memref<1x128xi32, #tpu.memory_space<vmem>> -> memref<128xi32, #tpu.memory_space<vmem>>
      %dma_start3A_532 = arith.constant 0 : i32
      %dma_start3A_533 = tpu.memref_slice %arg11[%dma_start3A_532] : memref<50000xf32, #tpu.memory_space<vmem_shared>> -> memref<50000xf32, #tpu.memory_space<vmem_shared>>
      tpu.enqueue_indirect_dma source(%arg10 : memref<128xf32, #tpu.memory_space<vmem>>) target(%dma_start3A_533 : memref<50000xf32, #tpu.memory_space<vmem_shared>>) offsets(%dma_start3A_531 : memref<128xi32, #tpu.memory_space<vmem>>) semaphore(%run_scoped3A_528 : memref<!tpu.dma_semaphore, #tpu.memory_space<semaphore_mem>>) {add = true}
      %dma_wait3A_534 = arith.constant 0 : i32
      %dma_wait3A_535 = tpu.memref_slice %arg8[%run_scoped3A_439, %dma_wait3A_534] : memref<8x128xi32, #tpu.memory_space<vmem>> -> memref<1x128xi32, #tpu.memory_space<vmem>>
      %dma_wait3A_536 = tpu.memref_squeeze %dma_wait3A_535 : memref<1x128xi32, #tpu.memory_space<vmem>> -> memref<128xi32, #tpu.memory_space<vmem>>
      %dma_wait3A_537 = arith.constant 0 : i32
      %dma_wait3A_538 = tpu.memref_slice %arg11[%dma_wait3A_537] : memref<50000xf32, #tpu.memory_space<vmem_shared>> -> memref<50000xf32, #tpu.memory_space<vmem_shared>>
      tpu.wait_indirect_dma semaphore(%run_scoped3A_528 : memref<!tpu.dma_semaphore, #tpu.memory_space<semaphore_mem>>) src(%arg10 : memref<128xf32, #tpu.memory_space<vmem>>) dst(%dma_wait3A_538 : memref<50000xf32, #tpu.memory_space<vmem_shared>>)
      tpu.yield
    }) : () -> ()
    %dma_wait3A_440 = arith.constant 7 : i32
    %dma_wait3A_441 = arith.constant 1 : i32
    %dma_wait3A_442 = arith.constant 1 : i32
    %dma_wait3A_443 = arith.constant 0 : i32
    %dma_wait3A_444 = arith.constant 0 : i32
    %dma_wait3A_445 = tpu.memref_slice %arg9[%dma_wait3A_441, %dma_wait3A_443, %dma_wait3A_444] : memref<3x128x256xf32, #tpu.memory_space<vmem>> -> memref<1x128x256xf32, #tpu.memory_space<vmem>>
    %dma_wait3A_446 = tpu.memref_squeeze %dma_wait3A_445 : memref<1x128x256xf32, #tpu.memory_space<vmem>> -> memref<128x256xf32, #tpu.memory_space<vmem>>
    %dma_wait3A_447 = arith.constant 0 : i32
    %dma_wait3A_448 = tpu.memref_slice %arg8[%dma_wait3A_440, %dma_wait3A_447] : memref<8x128xi32, #tpu.memory_space<vmem>> -> memref<1x128xi32, #tpu.memory_space<vmem>>
    %dma_wait3A_449 = tpu.memref_squeeze %dma_wait3A_448 : memref<1x128xi32, #tpu.memory_space<vmem>> -> memref<128xi32, #tpu.memory_space<vmem>>
    %dma_wait3A_450 = arith.constant 0 : i32
    %dma_wait3A_451 = arith.constant 0 : i32
    %dma_wait3A_452 = tpu.memref_slice %arg3[%dma_wait3A_450, %dma_wait3A_451] : memref<50000x256xf32, #tpu.memory_space<hbm>> -> memref<50000x256xf32, #tpu.memory_space<hbm>>
    %dma_wait3A_453 = tpu.memref_slice %arg12[%dma_wait3A_442] : memref<3x!tpu.dma_semaphore, #tpu.memory_space<semaphore_mem>> -> memref<1x!tpu.dma_semaphore, #tpu.memory_space<semaphore_mem>>
    %dma_wait3A_454 = tpu.memref_squeeze %dma_wait3A_453 : memref<1x!tpu.dma_semaphore, #tpu.memory_space<semaphore_mem>> -> memref<!tpu.dma_semaphore, #tpu.memory_space<semaphore_mem>>
    tpu.wait_indirect_dma semaphore(%dma_wait3A_454 : memref<!tpu.dma_semaphore, #tpu.memory_space<semaphore_mem>>) src(%dma_wait3A_452 : memref<50000x256xf32, #tpu.memory_space<hbm>>) dst(%dma_wait3A_446 : memref<128x256xf32, #tpu.memory_space<vmem>>)
    %add3A_455 = arith.constant 896 : i32
    %add3A_456 = arith.addi %mul3A_2, %add3A_455 : i32
    %dma_start3A_457 = arith.constant 1 : i32
    %dma_start3A_458 = arith.constant 1 : i32
    %dma_start3A_459 = arith.constant 0 : i32
    %dma_start3A_460 = arith.constant 0 : i32
    %dma_start3A_461 = tpu.memref_slice %arg9[%dma_start3A_457, %dma_start3A_459, %dma_start3A_460] : memref<3x128x256xf32, #tpu.memory_space<vmem>> -> memref<1x128x256xf32, #tpu.memory_space<vmem>>
    %dma_start3A_462 = tpu.memref_squeeze %dma_start3A_461 : memref<1x128x256xf32, #tpu.memory_space<vmem>> -> memref<128x256xf32, #tpu.memory_space<vmem>>
    %dma_start3A_463 = arith.constant 0 : i32
    %dma_start3A_464 = tpu.memref_slice %arg6[%add3A_456, %dma_start3A_463] : memref<32768x256xf32, #tpu.memory_space<hbm>> -> memref<128x256xf32, #tpu.memory_space<hbm>>
    %dma_start3A_465 = tpu.memref_slice %arg13[%dma_start3A_458] : memref<3x!tpu.dma_semaphore, #tpu.memory_space<semaphore_mem>> -> memref<1x!tpu.dma_semaphore, #tpu.memory_space<semaphore_mem>>
    %dma_start3A_466 = tpu.memref_squeeze %dma_start3A_465 : memref<1x!tpu.dma_semaphore, #tpu.memory_space<semaphore_mem>> -> memref<!tpu.dma_semaphore, #tpu.memory_space<semaphore_mem>>
    %dma_start3A_467 = arith.constant 0 : i32
    %dma_start3A_468 = tpu.memref_slice %arg6[%add3A_456, %dma_start3A_467] : memref<32768x256xf32, #tpu.memory_space<hbm>> -> memref<128x256xf32, #tpu.memory_space<hbm>>
    %dma_start3A_469 = arith.constant 0 : i32
    %dma_start3A_470 = arith.constant 0 : i32
    %dma_start3A_471 = tpu.memref_slice %arg9[%dma_start3A_457, %dma_start3A_469, %dma_start3A_470] : memref<3x128x256xf32, #tpu.memory_space<vmem>> -> memref<1x128x256xf32, #tpu.memory_space<vmem>>
    %dma_start3A_472 = tpu.memref_squeeze %dma_start3A_471 : memref<1x128x256xf32, #tpu.memory_space<vmem>> -> memref<128x256xf32, #tpu.memory_space<vmem>>
    tpu.enqueue_dma source(%dma_start3A_472 : memref<128x256xf32, #tpu.memory_space<vmem>>) target(%dma_start3A_468 : memref<128x256xf32, #tpu.memory_space<hbm>>) target_semaphore(%dma_start3A_466 : memref<!tpu.dma_semaphore, #tpu.memory_space<semaphore_mem>>)
    %run_scoped3A_473 = arith.constant 7 : i32
    "tpu.region"() ({
      %run_scoped3A_528 = tpu.sem_alloc : memref<!tpu.dma_semaphore, #tpu.memory_space<semaphore_mem>>
      %dma_start3A_529 = arith.constant 0 : i32
      %dma_start3A_530 = tpu.memref_slice %arg8[%run_scoped3A_473, %dma_start3A_529] : memref<8x128xi32, #tpu.memory_space<vmem>> -> memref<1x128xi32, #tpu.memory_space<vmem>>
      %dma_start3A_531 = tpu.memref_squeeze %dma_start3A_530 : memref<1x128xi32, #tpu.memory_space<vmem>> -> memref<128xi32, #tpu.memory_space<vmem>>
      %dma_start3A_532 = arith.constant 0 : i32
      %dma_start3A_533 = tpu.memref_slice %arg11[%dma_start3A_532] : memref<50000xf32, #tpu.memory_space<vmem_shared>> -> memref<50000xf32, #tpu.memory_space<vmem_shared>>
      tpu.enqueue_indirect_dma source(%arg10 : memref<128xf32, #tpu.memory_space<vmem>>) target(%dma_start3A_533 : memref<50000xf32, #tpu.memory_space<vmem_shared>>) offsets(%dma_start3A_531 : memref<128xi32, #tpu.memory_space<vmem>>) semaphore(%run_scoped3A_528 : memref<!tpu.dma_semaphore, #tpu.memory_space<semaphore_mem>>) {add = true}
      %dma_wait3A_534 = arith.constant 0 : i32
      %dma_wait3A_535 = tpu.memref_slice %arg8[%run_scoped3A_473, %dma_wait3A_534] : memref<8x128xi32, #tpu.memory_space<vmem>> -> memref<1x128xi32, #tpu.memory_space<vmem>>
      %dma_wait3A_536 = tpu.memref_squeeze %dma_wait3A_535 : memref<1x128xi32, #tpu.memory_space<vmem>> -> memref<128xi32, #tpu.memory_space<vmem>>
      %dma_wait3A_537 = arith.constant 0 : i32
      %dma_wait3A_538 = tpu.memref_slice %arg11[%dma_wait3A_537] : memref<50000xf32, #tpu.memory_space<vmem_shared>> -> memref<50000xf32, #tpu.memory_space<vmem_shared>>
      tpu.wait_indirect_dma semaphore(%run_scoped3A_528 : memref<!tpu.dma_semaphore, #tpu.memory_space<semaphore_mem>>) src(%arg10 : memref<128xf32, #tpu.memory_space<vmem>>) dst(%dma_wait3A_538 : memref<50000xf32, #tpu.memory_space<vmem_shared>>)
      tpu.yield
    }) : () -> ()
    %dma_wait3A_474 = arith.constant 2 : i32
    %dma_wait3A_475 = arith.constant 2 : i32
    %dma_wait3A_476 = arith.constant 0 : i32
    %dma_wait3A_477 = arith.constant 0 : i32
    %dma_wait3A_478 = tpu.memref_slice %arg9[%dma_wait3A_474, %dma_wait3A_476, %dma_wait3A_477] : memref<3x128x256xf32, #tpu.memory_space<vmem>> -> memref<1x128x256xf32, #tpu.memory_space<vmem>>
    %dma_wait3A_479 = tpu.memref_squeeze %dma_wait3A_478 : memref<1x128x256xf32, #tpu.memory_space<vmem>> -> memref<128x256xf32, #tpu.memory_space<vmem>>
    %dma_wait3A_480 = arith.constant 0 : i32
    %dma_wait3A_481 = tpu.memref_slice %arg6[%add3A_388, %dma_wait3A_480] : memref<32768x256xf32, #tpu.memory_space<hbm>> -> memref<128x256xf32, #tpu.memory_space<hbm>>
    %dma_wait3A_482 = tpu.memref_slice %arg13[%dma_wait3A_475] : memref<3x!tpu.dma_semaphore, #tpu.memory_space<semaphore_mem>> -> memref<1x!tpu.dma_semaphore, #tpu.memory_space<semaphore_mem>>
    %dma_wait3A_483 = tpu.memref_squeeze %dma_wait3A_482 : memref<1x!tpu.dma_semaphore, #tpu.memory_space<semaphore_mem>> -> memref<!tpu.dma_semaphore, #tpu.memory_space<semaphore_mem>>
    %dma_wait3A_484 = arith.constant 0 : i32
    %dma_wait3A_485 = tpu.memref_slice %arg6[%add3A_388, %dma_wait3A_484] : memref<32768x256xf32, #tpu.memory_space<hbm>> -> memref<128x256xf32, #tpu.memory_space<hbm>>
    %dma_wait3A_486 = arith.constant 0 : i32
    %dma_wait3A_487 = arith.constant 0 : i32
    %dma_wait3A_488 = tpu.memref_slice %arg9[%dma_wait3A_474, %dma_wait3A_486, %dma_wait3A_487] : memref<3x128x256xf32, #tpu.memory_space<vmem>> -> memref<1x128x256xf32, #tpu.memory_space<vmem>>
    %dma_wait3A_489 = tpu.memref_squeeze %dma_wait3A_488 : memref<1x128x256xf32, #tpu.memory_space<vmem>> -> memref<128x256xf32, #tpu.memory_space<vmem>>
    tpu.wait_dma2 semaphore(%dma_wait3A_483 : memref<!tpu.dma_semaphore, #tpu.memory_space<semaphore_mem>>) src(%dma_wait3A_489 : memref<128x256xf32, #tpu.memory_space<vmem>>) dst(%dma_wait3A_485 : memref<128x256xf32, #tpu.memory_space<hbm>>)
    %dma_wait3A_490 = arith.constant 0 : i32
    %dma_wait3A_491 = arith.constant 0 : i32
    %dma_wait3A_492 = arith.constant 0 : i32
    %dma_wait3A_493 = arith.constant 0 : i32
    %dma_wait3A_494 = tpu.memref_slice %arg9[%dma_wait3A_490, %dma_wait3A_492, %dma_wait3A_493] : memref<3x128x256xf32, #tpu.memory_space<vmem>> -> memref<1x128x256xf32, #tpu.memory_space<vmem>>
    %dma_wait3A_495 = tpu.memref_squeeze %dma_wait3A_494 : memref<1x128x256xf32, #tpu.memory_space<vmem>> -> memref<128x256xf32, #tpu.memory_space<vmem>>
    %dma_wait3A_496 = arith.constant 0 : i32
    %dma_wait3A_497 = tpu.memref_slice %arg6[%add3A_422, %dma_wait3A_496] : memref<32768x256xf32, #tpu.memory_space<hbm>> -> memref<128x256xf32, #tpu.memory_space<hbm>>
    %dma_wait3A_498 = tpu.memref_slice %arg13[%dma_wait3A_491] : memref<3x!tpu.dma_semaphore, #tpu.memory_space<semaphore_mem>> -> memref<1x!tpu.dma_semaphore, #tpu.memory_space<semaphore_mem>>
    %dma_wait3A_499 = tpu.memref_squeeze %dma_wait3A_498 : memref<1x!tpu.dma_semaphore, #tpu.memory_space<semaphore_mem>> -> memref<!tpu.dma_semaphore, #tpu.memory_space<semaphore_mem>>
    %dma_wait3A_500 = arith.constant 0 : i32
    %dma_wait3A_501 = tpu.memref_slice %arg6[%add3A_422, %dma_wait3A_500] : memref<32768x256xf32, #tpu.memory_space<hbm>> -> memref<128x256xf32, #tpu.memory_space<hbm>>
    %dma_wait3A_502 = arith.constant 0 : i32
    %dma_wait3A_503 = arith.constant 0 : i32
    %dma_wait3A_504 = tpu.memref_slice %arg9[%dma_wait3A_490, %dma_wait3A_502, %dma_wait3A_503] : memref<3x128x256xf32, #tpu.memory_space<vmem>> -> memref<1x128x256xf32, #tpu.memory_space<vmem>>
    %dma_wait3A_505 = tpu.memref_squeeze %dma_wait3A_504 : memref<1x128x256xf32, #tpu.memory_space<vmem>> -> memref<128x256xf32, #tpu.memory_space<vmem>>
    tpu.wait_dma2 semaphore(%dma_wait3A_499 : memref<!tpu.dma_semaphore, #tpu.memory_space<semaphore_mem>>) src(%dma_wait3A_505 : memref<128x256xf32, #tpu.memory_space<vmem>>) dst(%dma_wait3A_501 : memref<128x256xf32, #tpu.memory_space<hbm>>)
    %dma_wait3A_506 = arith.constant 1 : i32
    %dma_wait3A_507 = arith.constant 1 : i32
    %dma_wait3A_508 = arith.constant 0 : i32
    %dma_wait3A_509 = arith.constant 0 : i32
    %dma_wait3A_510 = tpu.memref_slice %arg9[%dma_wait3A_506, %dma_wait3A_508, %dma_wait3A_509] : memref<3x128x256xf32, #tpu.memory_space<vmem>> -> memref<1x128x256xf32, #tpu.memory_space<vmem>>
    %dma_wait3A_511 = tpu.memref_squeeze %dma_wait3A_510 : memref<1x128x256xf32, #tpu.memory_space<vmem>> -> memref<128x256xf32, #tpu.memory_space<vmem>>
    %dma_wait3A_512 = arith.constant 0 : i32
    %dma_wait3A_513 = tpu.memref_slice %arg6[%add3A_456, %dma_wait3A_512] : memref<32768x256xf32, #tpu.memory_space<hbm>> -> memref<128x256xf32, #tpu.memory_space<hbm>>
    %dma_wait3A_514 = tpu.memref_slice %arg13[%dma_wait3A_507] : memref<3x!tpu.dma_semaphore, #tpu.memory_space<semaphore_mem>> -> memref<1x!tpu.dma_semaphore, #tpu.memory_space<semaphore_mem>>
    %dma_wait3A_515 = tpu.memref_squeeze %dma_wait3A_514 : memref<1x!tpu.dma_semaphore, #tpu.memory_space<semaphore_mem>> -> memref<!tpu.dma_semaphore, #tpu.memory_space<semaphore_mem>>
    %dma_wait3A_516 = arith.constant 0 : i32
    %dma_wait3A_517 = tpu.memref_slice %arg6[%add3A_456, %dma_wait3A_516] : memref<32768x256xf32, #tpu.memory_space<hbm>> -> memref<128x256xf32, #tpu.memory_space<hbm>>
    %dma_wait3A_518 = arith.constant 0 : i32
    %dma_wait3A_519 = arith.constant 0 : i32
    %dma_wait3A_520 = tpu.memref_slice %arg9[%dma_wait3A_506, %dma_wait3A_518, %dma_wait3A_519] : memref<3x128x256xf32, #tpu.memory_space<vmem>> -> memref<1x128x256xf32, #tpu.memory_space<vmem>>
    %dma_wait3A_521 = tpu.memref_squeeze %dma_wait3A_520 : memref<1x128x256xf32, #tpu.memory_space<vmem>> -> memref<128x256xf32, #tpu.memory_space<vmem>>
    tpu.wait_dma2 semaphore(%dma_wait3A_515 : memref<!tpu.dma_semaphore, #tpu.memory_space<semaphore_mem>>) src(%dma_wait3A_521 : memref<128x256xf32, #tpu.memory_space<vmem>>) dst(%dma_wait3A_517 : memref<128x256xf32, #tpu.memory_space<hbm>>)
    %barrier3A_522 = arith.constant 0 : index
    tpu.barrier barrier_id(%barrier3A_522)
    %eq3A_523 = arith.constant 0 : i32
    %eq3A_524 = arith.cmpi eq, %arg1, %eq3A_523 : i32
    %convert_element_type3A_525 = arith.extui %eq3A_524 : i1 to i32
    %cond3A_526 = arith.constant 0 : i32
    %cond3A_527 = arith.cmpi ne, %convert_element_type3A_525, %cond3A_526 : i32
    scf.if %cond3A_527 {
      "tpu.region"() ({
        %run_scoped3A_528 = tpu.sem_alloc : memref<!tpu.dma_semaphore, #tpu.memory_space<semaphore_mem>>
        %dma_start3A_529 = arith.constant 0 : i32
        %dma_start3A_530 = tpu.memref_slice %arg7[%arg0, %dma_start3A_529] : memref<2x50000xf32, #tpu.memory_space<hbm>> -> memref<1x50000xf32, #tpu.memory_space<hbm>>
        %dma_start3A_531 = tpu.memref_squeeze %dma_start3A_530 : memref<1x50000xf32, #tpu.memory_space<hbm>> -> memref<50000xf32, #tpu.memory_space<hbm>>
        tpu.enqueue_dma source(%arg11 : memref<50000xf32, #tpu.memory_space<vmem_shared>>) target(%dma_start3A_531 : memref<50000xf32, #tpu.memory_space<hbm>>) target_semaphore(%run_scoped3A_528 : memref<!tpu.dma_semaphore, #tpu.memory_space<semaphore_mem>>)
        %dma_wait3A_532 = arith.constant 0 : i32
        %dma_wait3A_533 = tpu.memref_slice %arg7[%arg0, %dma_wait3A_532] : memref<2x50000xf32, #tpu.memory_space<hbm>> -> memref<1x50000xf32, #tpu.memory_space<hbm>>
        %dma_wait3A_534 = tpu.memref_squeeze %dma_wait3A_533 : memref<1x50000xf32, #tpu.memory_space<hbm>> -> memref<50000xf32, #tpu.memory_space<hbm>>
        tpu.wait_dma2 semaphore(%run_scoped3A_528 : memref<!tpu.dma_semaphore, #tpu.memory_space<semaphore_mem>>) src(%arg11 : memref<50000xf32, #tpu.memory_space<vmem_shared>>) dst(%dma_wait3A_534 : memref<50000xf32, #tpu.memory_space<hbm>>)
        tpu.yield
      }) : () -> ()
    } else {
    }
    return
  }
}

module attributes {stable_mosaic.version = 14 : i64} {
  func.func @_mega_body(%arg0: i32, %arg1: memref<4096x256xf32, #tpu.memory_space<vmem>>, %arg2: memref<512x256xf32, #tpu.memory_space<vmem>>, %arg3: memref<8192x256xf32, #tpu.memory_space<vmem>>, %arg4: memref<1x8192xf32, #tpu.memory_space<vmem>>, %arg5: memref<2x8192xf32, #tpu.memory_space<vmem>>, %arg6: memref<4096x512xf32, #tpu.memory_space<vmem>>, %arg7: memref<4096x256xf32, #tpu.memory_space<vmem>>, %arg8: memref<1x256xf32, #tpu.memory_space<vmem>>, %arg9: memref<1x8192xf32, #tpu.memory_space<vmem>>, %arg10: memref<1x1xf32, #tpu.memory_space<smem>>, %arg11: memref<1x1xf32, #tpu.memory_space<smem>>, %arg12: memref<1x512xf32, #tpu.memory_space<vmem>>, %arg13: memref<1x1xf32, #tpu.memory_space<smem>>, %arg14: memref<1x1xf32, #tpu.memory_space<smem>>, %arg15: memref<1x1xf32, #tpu.memory_space<smem>>, %arg16: memref<1x256xf32, #tpu.memory_space<vmem>>, %arg17: memref<1x57344xf32, #tpu.memory_space<vmem>>) attributes {dimension_semantics = [#tpu.dimension_semantics<arbitrary>], iteration_bounds = array<i64: 22>, scalar_prefetch = 0 : i64, scratch_operands = 6 : i64, tpu.core_type = #tpu.core_type<tc>, window_params = [{transform_indices = @transform_0, window_bounds = array<i64: 4096, 256>}, {pipeline_mode = #tpu.pipeline_mode<synchronous>, transform_indices = @transform_1, window_bounds = array<i64: 512, 256>}, {transform_indices = @transform_2, window_bounds = array<i64: 8192, 256>}, {transform_indices = @transform_3, window_bounds = array<i64: 1, 8192>}, {transform_indices = @transform_4, window_bounds = array<i64: 2, 8192>}, {transform_indices = @transform_5, window_bounds = array<i64: 4096, 512>}, {transform_indices = @transform_6, window_bounds = array<i64: 4096, 256>}, {pipeline_mode = #tpu.pipeline_mode<synchronous>, transform_indices = @transform_7, window_bounds = array<i64: 1, 256>}, {transform_indices = @transform_8, window_bounds = array<i64: 1, 8192>}, {transform_indices = @transform_9, window_bounds = array<i64: 1, 1>}, {transform_indices = @transform_10, window_bounds = array<i64: 1, 1>}]} {
    %lt3A = arith.constant 8 : i32
    %lt3A_0 = arith.cmpi slt, %arg0, %lt3A : i32
    %convert_element_type3A = arith.extui %lt3A_0 : i1 to i32
    %cond3A = arith.constant 0 : i32
    %cond3A_1 = arith.cmpi ne, %convert_element_type3A, %cond3A : i32
    scf.if %cond3A_1 {
      %get3A = arith.constant 0 : index
      %get3A_17 = arith.constant 0 : index
      %get3A_18 = vector.load %arg1[%get3A, %get3A_17] : memref<4096x256xf32, #tpu.memory_space<vmem>>, vector<4096x256xf32>
      %get3A_19 = arith.constant 0 : index
      %get3A_20 = arith.constant 0 : index
      %get3A_21 = vector.load %arg2[%get3A_19, %get3A_20] : memref<512x256xf32, #tpu.memory_space<vmem>>, vector<512x256xf32>
      %eq3A_22 = arith.constant 0 : i32
      %eq3A_23 = arith.cmpi eq, %arg0, %eq3A_22 : i32
      %convert_element_type3A_24 = arith.extui %eq3A_23 : i1 to i32
      %cond3A_25 = arith.constant 0 : i32
      %cond3A_26 = arith.cmpi ne, %convert_element_type3A_24, %cond3A_25 : i32
      scf.if %cond3A_26 {
        %dot_general3A_89 = arith.constant dense<0.000000e+00> : vector<512x512xf32>
        %dot_general3A_90 = tpu.matmul %get3A_21, %get3A_21, %dot_general3A_89 {dimension_numbers = #tpu.dot_dimension_numbers<[1], [1], [0], [0], [0, 0, 1, 0], [], []>, transpose_lhs_hint = false} : vector<512x256xf32>, vector<512x256xf32>, vector<512x512xf32> -> vector<512x512xf32>
        %mul3A_91 = arith.mulf %get3A_21, %get3A_21 : vector<512x256xf32>
        %reduce_sum3A_92 = arith.constant dense<0.000000e+00> : vector<512xf32>
        %reduce_sum3A_93 = vector.multi_reduction <add>, %mul3A_91, %reduce_sum3A_92 [1] : vector<512x256xf32> to vector<512xf32>
        %reduce_sum3A_94 = arith.constant dense<0.000000e+00> : vector<512xf32>
        %reduce_sum3A_95 = vector.multi_reduction <add>, %get3A_21, %reduce_sum3A_94 [1] : vector<512x256xf32> to vector<512xf32>
        %broadcast_in_dim3A_96 = vector.shape_cast %reduce_sum3A_93 : vector<512xf32> to vector<512x1xf32>
        %broadcast_in_dim3A_97 = vector.shape_cast %reduce_sum3A_93 : vector<512xf32> to vector<1x512xf32>
        %add3A_98 = vector.broadcast %broadcast_in_dim3A_96 : vector<512x1xf32> to vector<512x512xf32>
        %add3A_99 = vector.broadcast %broadcast_in_dim3A_97 : vector<1x512xf32> to vector<512x512xf32>
        %add3A_100 = arith.addf %add3A_98, %add3A_99 : vector<512x512xf32>
        %mul3A_101 = arith.constant 2.000000e+00 : f32
        %mul3A_102 = vector.broadcast %mul3A_101 : f32 to vector<512x512xf32>
        %mul3A_103 = arith.mulf %mul3A_102, %dot_general3A_90 : vector<512x512xf32>
        %sub3A_104 = arith.subf %add3A_100, %mul3A_103 : vector<512x512xf32>
        %broadcast_in_dim3A_105 = vector.shape_cast %reduce_sum3A_95 : vector<512xf32> to vector<512x1xf32>
        %broadcast_in_dim3A_106 = vector.shape_cast %reduce_sum3A_95 : vector<512xf32> to vector<1x512xf32>
        %sub3A_107 = vector.broadcast %broadcast_in_dim3A_105 : vector<512x1xf32> to vector<512x512xf32>
        %sub3A_108 = vector.broadcast %broadcast_in_dim3A_106 : vector<1x512xf32> to vector<512x512xf32>
        %sub3A_109 = arith.subf %sub3A_107, %sub3A_108 : vector<512x512xf32>
        %mul3A_110 = arith.constant 2.000000e-06 : f32
        %mul3A_111 = vector.broadcast %mul3A_110 : f32 to vector<512x512xf32>
        %mul3A_112 = arith.mulf %mul3A_111, %sub3A_109 : vector<512x512xf32>
        %add3A_113 = arith.addf %sub3A_104, %mul3A_112 : vector<512x512xf32>
        %add3A_114 = arith.constant 2.560000e-10 : f32
        %add3A_115 = vector.broadcast %add3A_114 : f32 to vector<512x512xf32>
        %add3A_116 = arith.addf %add3A_113, %add3A_115 : vector<512x512xf32>
        %max3A = arith.constant 0.000000e+00 : f32
        %max3A_117 = vector.broadcast %max3A : f32 to vector<512x512xf32>
        %max3A_118 = arith.maximumf %add3A_116, %max3A_117 : vector<512x512xf32>
        %sqrt3A = math.sqrt %max3A_118 : vector<512x512xf32>
        %iota3A_119 = tpu.iota {dimensions = array<i32: 0>} : vector<512x512xi32>
        %iota3A_120 = tpu.iota {dimensions = array<i32: 1>} : vector<512x512xi32>
        %eq3A_121 = arith.cmpi eq, %iota3A_119, %iota3A_120 : vector<512x512xi32>
        %sub3A_122 = arith.constant 1.000000e+00 : f32
        %sub3A_123 = vector.broadcast %sub3A_122 : f32 to vector<512x512xf32>
        %sub3A_124 = arith.subf %sub3A_123, %sqrt3A : vector<512x512xf32>
        %max3A_125 = arith.constant 0.000000e+00 : f32
        %max3A_126 = vector.broadcast %max3A_125 : f32 to vector<512x512xf32>
        %max3A_127 = arith.maximumf %max3A_126, %sub3A_124 : vector<512x512xf32>
        %select_n3A_128 = arith.select %eq3A_121, %sqrt3A, %max3A_127 : vector<512x512xi1>, vector<512x512xf32>
        %reduce_sum3A_129 = vector.shape_cast %select_n3A_128 : vector<512x512xf32> to vector<1x512x512xf32>
        %reduce_sum3A_130 = arith.constant dense<0.000000e+00> : vector<1xf32>
        %reduce_sum3A_131 = vector.multi_reduction <add>, %reduce_sum3A_129, %reduce_sum3A_130 [1, 2] : vector<1x512x512xf32> to vector<1xf32>
        %reduce_sum3A_132 = vector.shape_cast %reduce_sum3A_131 : vector<1xf32> to vector<1x1x1xf32>
        %reduce_sum3A_133 = vector.extract %reduce_sum3A_132[0, 0, 0] : f32 from vector<1x1x1xf32>
        %div3A = arith.constant 2.621440e+05 : f32
        %div3A_134 = arith.divf %reduce_sum3A_133, %div3A : f32
        %swap3A_135 = arith.constant 0 : index
        %swap3A_136 = arith.constant 0 : index
        %swap3A_137 = memref.load %arg11[%swap3A_135, %swap3A_136] : memref<1x1xf32, #tpu.memory_space<smem>>
        memref.store %div3A_134, %arg11[%swap3A_135, %swap3A_136] : memref<1x1xf32, #tpu.memory_space<smem>>
      } else {
      }
      %mul3A = arith.mulf %get3A_18, %get3A_18 : vector<4096x256xf32>
      %reduce_sum3A = arith.constant dense<0.000000e+00> : vector<4096xf32>
      %reduce_sum3A_27 = vector.multi_reduction <add>, %mul3A, %reduce_sum3A [1] : vector<4096x256xf32> to vector<4096xf32>
      %broadcast_in_dim3A = vector.shape_cast %reduce_sum3A_27 : vector<4096xf32> to vector<4096x1xf32>
      %mul3A_28 = arith.mulf %get3A_21, %get3A_21 : vector<512x256xf32>
      %reduce_sum3A_29 = arith.constant dense<0.000000e+00> : vector<512xf32>
      %reduce_sum3A_30 = vector.multi_reduction <add>, %mul3A_28, %reduce_sum3A_29 [1] : vector<512x256xf32> to vector<512xf32>
      %dot_general3A = arith.constant dense<0.000000e+00> : vector<4096x512xf32>
      %dot_general3A_31 = tpu.matmul %get3A_18, %get3A_21, %dot_general3A {dimension_numbers = #tpu.dot_dimension_numbers<[1], [1], [0], [0], [0, 0, 1, 0], [], []>, transpose_lhs_hint = false} : vector<4096x256xf32>, vector<512x256xf32>, vector<4096x512xf32> -> vector<4096x512xf32>
      %broadcast_in_dim3A_32 = vector.shape_cast %reduce_sum3A_30 : vector<512xf32> to vector<1x512xf32>
      %add3A = vector.broadcast %broadcast_in_dim3A : vector<4096x1xf32> to vector<4096x512xf32>
      %add3A_33 = vector.broadcast %broadcast_in_dim3A_32 : vector<1x512xf32> to vector<4096x512xf32>
      %add3A_34 = arith.addf %add3A, %add3A_33 : vector<4096x512xf32>
      %mul3A_35 = arith.constant 2.000000e+00 : f32
      %mul3A_36 = vector.broadcast %mul3A_35 : f32 to vector<4096x512xf32>
      %mul3A_37 = arith.mulf %mul3A_36, %dot_general3A_31 : vector<4096x512xf32>
      %sub3A = arith.subf %add3A_34, %mul3A_37 : vector<4096x512xf32>
      %reduce_min3A = arith.constant dense<0x7F800000> : vector<4096xf32>
      %reduce_min3A_38 = vector.multi_reduction <minimumf>, %sub3A, %reduce_min3A [1] : vector<4096x512xf32> to vector<4096xf32>
      %broadcast_in_dim3A_39 = vector.shape_cast %reduce_min3A_38 : vector<4096xf32> to vector<4096x1xf32>
      %iota3A = tpu.iota {dimensions = array<i32: 1>} : vector<4096x512xi32>
      %eq3A_40 = vector.broadcast %broadcast_in_dim3A_39 : vector<4096x1xf32> to vector<4096x512xf32>
      %eq3A_41 = arith.cmpf oeq, %sub3A, %eq3A_40 : vector<4096x512xf32>
      %jit3A = arith.constant 512 : i32
      %broadcast_in_dim3A_42 = vector.broadcast %jit3A : i32 to vector<4096x512xi32>
      %select_n3A = arith.select %eq3A_41, %iota3A, %broadcast_in_dim3A_42 : vector<4096x512xi1>, vector<4096x512xi32>
      %reduce_min3A_43 = arith.constant dense<2147483647> : vector<4096xi32>
      %reduce_min3A_44 = vector.multi_reduction <minsi>, %select_n3A, %reduce_min3A_43 [1] : vector<4096x512xi32> to vector<4096xi32>
      %broadcast_in_dim3A_45 = vector.shape_cast %reduce_min3A_44 : vector<4096xi32> to vector<4096x1xi32>
      %eq3A_46 = vector.broadcast %broadcast_in_dim3A_45 : vector<4096x1xi32> to vector<4096x512xi32>
      %eq3A_47 = arith.cmpi eq, %iota3A, %eq3A_46 : vector<4096x512xi32>
      %convert_element_type3A_48 = arith.extui %eq3A_47 : vector<4096x512xi1> to vector<4096x512xi32>
      %convert_element_type3A_49 = arith.sitofp %convert_element_type3A_48 : vector<4096x512xi32> to vector<4096x512xf32>
      %swap3A = arith.constant 0 : index
      %swap3A_50 = arith.constant 0 : index
      %swap3A_51 = vector.load %arg6[%swap3A, %swap3A_50] : memref<4096x512xf32, #tpu.memory_space<vmem>>, vector<4096x512xf32>
      tpu.vector_store %arg6[%swap3A, %swap3A_50], %convert_element_type3A_49 {strides = array<i32>} : memref<4096x512xf32, #tpu.memory_space<vmem>>, vector<4096x512xf32>,
      %dot_general3A_52 = arith.constant dense<0.000000e+00> : vector<4096x256xf32>
      %dot_general3A_53 = tpu.matmul %convert_element_type3A_49, %get3A_21, %dot_general3A_52 {dimension_numbers = #tpu.dot_dimension_numbers<[1], [0], [0], [1], [0, 0, 1, 1], [], []>, transpose_lhs_hint = false} : vector<4096x512xf32>, vector<512x256xf32>, vector<4096x256xf32> -> vector<4096x256xf32>
      %swap3A_54 = arith.constant 0 : index
      %swap3A_55 = arith.constant 0 : index
      %swap3A_56 = vector.load %arg7[%swap3A_54, %swap3A_55] : memref<4096x256xf32, #tpu.memory_space<vmem>>, vector<4096x256xf32>
      tpu.vector_store %arg7[%swap3A_54, %swap3A_55], %dot_general3A_53 {strides = array<i32>} : memref<4096x256xf32, #tpu.memory_space<vmem>>, vector<4096x256xf32>,
      %eq3A_57 = arith.constant 0 : i32
      %eq3A_58 = arith.cmpi eq, %arg0, %eq3A_57 : i32
      %convert_element_type3A_59 = arith.extui %eq3A_58 : i1 to i32
      %cond3A_60 = arith.constant 0 : i32
      %cond3A_61 = arith.cmpi ne, %convert_element_type3A_59, %cond3A_60 : i32
      scf.if %cond3A_61 {
        %broadcast_in_dim3A_89 = arith.constant 0.000000e+00 : f32
        %broadcast_in_dim3A_90 = vector.broadcast %broadcast_in_dim3A_89 : f32 to vector<1x512xf32>
        %swap3A_91 = arith.constant 0 : index
        %swap3A_92 = arith.constant 0 : index
        %swap3A_93 = vector.load %arg12[%swap3A_91, %swap3A_92] : memref<1x512xf32, #tpu.memory_space<vmem>>, vector<1x512xf32>
        tpu.vector_store %arg12[%swap3A_91, %swap3A_92], %broadcast_in_dim3A_90 {strides = array<i32>} : memref<1x512xf32, #tpu.memory_space<vmem>>, vector<1x512xf32>,
        %swap3A_94 = arith.constant 0.000000e+00 : f32
        %swap3A_95 = arith.constant 0 : index
        %swap3A_96 = arith.constant 0 : index
        %swap3A_97 = memref.load %arg13[%swap3A_95, %swap3A_96] : memref<1x1xf32, #tpu.memory_space<smem>>
        memref.store %swap3A_94, %arg13[%swap3A_95, %swap3A_96] : memref<1x1xf32, #tpu.memory_space<smem>>
      } else {
      }
      %get3A_62 = arith.constant 0 : index
      %get3A_63 = arith.constant 0 : index
      %get3A_64 = vector.load %arg12[%get3A_62, %get3A_63] : memref<1x512xf32, #tpu.memory_space<vmem>>, vector<1x512xf32>
      %reduce_sum3A_65 = arith.constant dense<0.000000e+00> : vector<512xf32>
      %reduce_sum3A_66 = vector.multi_reduction <add>, %convert_element_type3A_49, %reduce_sum3A_65 [0] : vector<4096x512xf32> to vector<512xf32>
      %broadcast_in_dim3A_67 = vector.shape_cast %reduce_sum3A_66 : vector<512xf32> to vector<1x512xf32>
      %add3A_68 = arith.addf %get3A_64, %broadcast_in_dim3A_67 : vector<1x512xf32>
      %swap3A_69 = arith.constant 0 : index
      %swap3A_70 = arith.constant 0 : index
      %swap3A_71 = vector.load %arg12[%swap3A_69, %swap3A_70] : memref<1x512xf32, #tpu.memory_space<vmem>>, vector<1x512xf32>
      tpu.vector_store %arg12[%swap3A_69, %swap3A_70], %add3A_68 {strides = array<i32>} : memref<1x512xf32, #tpu.memory_space<vmem>>, vector<1x512xf32>,
      %get3A_72 = arith.constant 0 : index
      %get3A_73 = arith.constant 0 : index
      %get3A_74 = memref.load %arg13[%get3A_72, %get3A_73] : memref<1x1xf32, #tpu.memory_space<smem>>
      %reduce_sum3A_75 = vector.shape_cast %broadcast_in_dim3A_39 : vector<4096x1xf32> to vector<1x4096x1xf32>
      %reduce_sum3A_76 = arith.constant dense<0.000000e+00> : vector<1xf32>
      %reduce_sum3A_77 = vector.multi_reduction <add>, %reduce_sum3A_75, %reduce_sum3A_76 [1, 2] : vector<1x4096x1xf32> to vector<1xf32>
      %reduce_sum3A_78 = vector.shape_cast %reduce_sum3A_77 : vector<1xf32> to vector<1x1x1xf32>
      %reduce_sum3A_79 = vector.extract %reduce_sum3A_78[0, 0, 0] : f32 from vector<1x1x1xf32>
      %add3A_80 = arith.addf %get3A_74, %reduce_sum3A_79 : f32
      %swap3A_81 = arith.constant 0 : index
      %swap3A_82 = arith.constant 0 : index
      %swap3A_83 = memref.load %arg13[%swap3A_81, %swap3A_82] : memref<1x1xf32, #tpu.memory_space<smem>>
      memref.store %add3A_80, %arg13[%swap3A_81, %swap3A_82] : memref<1x1xf32, #tpu.memory_space<smem>>
      %eq3A_84 = arith.constant 7 : i32
      %eq3A_85 = arith.cmpi eq, %arg0, %eq3A_84 : i32
      %convert_element_type3A_86 = arith.extui %eq3A_85 : i1 to i32
      %cond3A_87 = arith.constant 0 : i32
      %cond3A_88 = arith.cmpi ne, %convert_element_type3A_86, %cond3A_87 : i32
      scf.if %cond3A_88 {
        %get3A_89 = arith.constant 0 : index
        %get3A_90 = arith.constant 0 : index
        %get3A_91 = memref.load %arg13[%get3A_89, %get3A_90] : memref<1x1xf32, #tpu.memory_space<smem>>
        %div3A = arith.constant 0x4B000000 : f32
        %div3A_92 = arith.divf %get3A_91, %div3A : f32
        %mul3A_93 = arith.constant 2.500000e-01 : f32
        %mul3A_94 = arith.mulf %mul3A_93, %div3A_92 : f32
        %add3A_95 = arith.addf %div3A_92, %mul3A_94 : f32
        %swap3A_96 = arith.constant 0 : index
        %swap3A_97 = arith.constant 0 : index
        %swap3A_98 = memref.load %arg10[%swap3A_96, %swap3A_97] : memref<1x1xf32, #tpu.memory_space<smem>>
        memref.store %add3A_95, %arg10[%swap3A_96, %swap3A_97] : memref<1x1xf32, #tpu.memory_space<smem>>
      } else {
      }
    } else {
    }
    %eq3A = arith.constant 8 : i32
    %eq3A_2 = arith.cmpi eq, %arg0, %eq3A : i32
    %convert_element_type3A_3 = arith.extui %eq3A_2 : i1 to i32
    %cond3A_4 = arith.constant 0 : i32
    %cond3A_5 = arith.cmpi ne, %convert_element_type3A_3, %cond3A_4 : i32
    scf.if %cond3A_5 {
      %get3A = arith.constant 0 : index
      %get3A_17 = arith.constant 0 : index
      %get3A_18 = vector.load %arg12[%get3A, %get3A_17] : memref<1x512xf32, #tpu.memory_space<vmem>>, vector<1x512xf32>
      %get3A_19 = arith.constant 0 : index
      %get3A_20 = arith.constant 0 : index
      %get3A_21 = vector.load %arg2[%get3A_19, %get3A_20] : memref<512x256xf32, #tpu.memory_space<vmem>>, vector<512x256xf32>
      %dot_general3A = arith.constant dense<0.000000e+00> : vector<1x256xf32>
      %dot_general3A_22 = tpu.matmul %get3A_18, %get3A_21, %dot_general3A {dimension_numbers = #tpu.dot_dimension_numbers<[1], [0], [0], [1], [0, 0, 1, 1], [], []>, transpose_lhs_hint = false} : vector<1x512xf32>, vector<512x256xf32>, vector<1x256xf32> -> vector<1x256xf32>
      %div3A = arith.constant 3.276800e+04 : f32
      %div3A_23 = vector.broadcast %div3A : f32 to vector<1x256xf32>
      %div3A_24 = arith.divf %dot_general3A_22, %div3A_23 : vector<1x256xf32>
      %swap3A = arith.constant 0 : index
      %swap3A_25 = arith.constant 0 : index
      %swap3A_26 = vector.load %arg16[%swap3A, %swap3A_25] : memref<1x256xf32, #tpu.memory_space<vmem>>, vector<1x256xf32>
      tpu.vector_store %arg16[%swap3A, %swap3A_25], %div3A_24 {strides = array<i32>} : memref<1x256xf32, #tpu.memory_space<vmem>>, vector<1x256xf32>,
      %get3A_27 = arith.constant 0 : index
      %get3A_28 = arith.constant 0 : index
      %get3A_29 = vector.load %arg16[%get3A_27, %get3A_28] : memref<1x256xf32, #tpu.memory_space<vmem>>, vector<1x256xf32>
      %swap3A_30 = arith.constant 0 : index
      %swap3A_31 = arith.constant 0 : index
      %swap3A_32 = vector.load %arg8[%swap3A_30, %swap3A_31] : memref<1x256xf32, #tpu.memory_space<vmem>>, vector<1x256xf32>
      tpu.vector_store %arg8[%swap3A_30, %swap3A_31], %get3A_29 {strides = array<i32>} : memref<1x256xf32, #tpu.memory_space<vmem>>, vector<1x256xf32>,
      %swap3A_33 = arith.constant 0xFF800000 : f32
      %swap3A_34 = arith.constant 0 : index
      %swap3A_35 = arith.constant 0 : index
      %swap3A_36 = memref.load %arg14[%swap3A_34, %swap3A_35] : memref<1x1xf32, #tpu.memory_space<smem>>
      memref.store %swap3A_33, %arg14[%swap3A_34, %swap3A_35] : memref<1x1xf32, #tpu.memory_space<smem>>
      %swap3A_37 = arith.constant 0.000000e+00 : f32
      %swap3A_38 = arith.constant 0 : index
      %swap3A_39 = arith.constant 0 : index
      %swap3A_40 = memref.load %arg15[%swap3A_38, %swap3A_39] : memref<1x1xf32, #tpu.memory_space<smem>>
      memref.store %swap3A_37, %arg15[%swap3A_38, %swap3A_39] : memref<1x1xf32, #tpu.memory_space<smem>>
    } else {
    }
    %ge3A = arith.constant 8 : i32
    %ge3A_6 = arith.cmpi sge, %arg0, %ge3A : i32
    %lt3A_7 = arith.constant 15 : i32
    %lt3A_8 = arith.cmpi slt, %arg0, %lt3A_7 : i32
    %and3A = arith.andi %ge3A_6, %lt3A_8 : i1
    %convert_element_type3A_9 = arith.extui %and3A : i1 to i32
    %cond3A_10 = arith.constant 0 : i32
    %cond3A_11 = arith.cmpi ne, %convert_element_type3A_9, %cond3A_10 : i32
    scf.if %cond3A_11 {
      %sub3A = arith.constant 8 : i32
      %sub3A_17 = arith.subi %arg0, %sub3A : i32
      %get3A = arith.constant 0 : index
      %get3A_18 = arith.constant 0 : index
      %get3A_19 = vector.load %arg3[%get3A, %get3A_18] : memref<8192x256xf32, #tpu.memory_space<vmem>>, vector<8192x256xf32>
      %get3A_20 = arith.constant 0 : index
      %get3A_21 = arith.constant 0 : index
      %get3A_22 = vector.load %arg16[%get3A_20, %get3A_21] : memref<1x256xf32, #tpu.memory_space<vmem>>, vector<1x256xf32>
      %dot_general3A = arith.constant dense<0.000000e+00> : vector<1x8192xf32>
      %dot_general3A_23 = tpu.matmul %get3A_22, %get3A_19, %dot_general3A {dimension_numbers = #tpu.dot_dimension_numbers<[1], [1], [0], [0], [0, 0, 1, 0], [], []>, transpose_lhs_hint = false} : vector<1x256xf32>, vector<8192x256xf32>, vector<1x8192xf32> -> vector<1x8192xf32>
      %get3A_24 = arith.constant 0 : index
      %get3A_25 = arith.constant 0 : index
      %get3A_26 = vector.load %arg4[%get3A_24, %get3A_25] : memref<1x8192xf32, #tpu.memory_space<vmem>>, vector<1x8192xf32>
      %add3A = arith.addf %dot_general3A_23, %get3A_26 : vector<1x8192xf32>
      %mul3A = arith.constant 8192 : i32
      %mul3A_27 = arith.muli %sub3A_17, %mul3A : i32
      %swap3A = arith.constant 0 : index
      %swap3A_28 = arith.index_cast %mul3A_27 : i32 to index
      %swap3A_29 = vector.load %arg17[%swap3A, %swap3A_28] : memref<1x57344xf32, #tpu.memory_space<vmem>>, vector<1x8192xf32>
      tpu.vector_store %arg17[%swap3A, %swap3A_28], %add3A {strides = array<i32>} : memref<1x57344xf32, #tpu.memory_space<vmem>>, vector<1x8192xf32>,
      %iota3A = tpu.iota {dimensions = array<i32: 1>} : vector<1x8192xi32>
      %mul3A_30 = arith.constant 8192 : i32
      %mul3A_31 = arith.muli %sub3A_17, %mul3A_30 : i32
      %add3A_32 = vector.broadcast %mul3A_31 : i32 to vector<1x8192xi32>
      %add3A_33 = arith.addi %iota3A, %add3A_32 : vector<1x8192xi32>
      %lt3A_34 = arith.constant 50000 : i32
      %lt3A_35 = vector.broadcast %lt3A_34 : i32 to vector<1x8192xi32>
      %lt3A_36 = arith.cmpi slt, %add3A_33, %lt3A_35 : vector<1x8192xi32>
      %jit3A = arith.constant 0xFF800000 : f32
      %broadcast_in_dim3A = vector.broadcast %jit3A : f32 to vector<1x8192xf32>
      %select_n3A = arith.select %lt3A_36, %add3A, %broadcast_in_dim3A : vector<1x8192xi1>, vector<1x8192xf32>
      %reduce_max3A = vector.shape_cast %select_n3A : vector<1x8192xf32> to vector<1x1x8192xf32>
      %reduce_max3A_37 = arith.constant dense<0xFF800000> : vector<1xf32>
      %reduce_max3A_38 = vector.multi_reduction <maximumf>, %reduce_max3A, %reduce_max3A_37 [1, 2] : vector<1x1x8192xf32> to vector<1xf32>
      %reduce_max3A_39 = vector.shape_cast %reduce_max3A_38 : vector<1xf32> to vector<1x1x1xf32>
      %reduce_max3A_40 = vector.extract %reduce_max3A_39[0, 0, 0] : f32 from vector<1x1x1xf32>
      %get3A_41 = arith.constant 0 : index
      %get3A_42 = arith.constant 0 : index
      %get3A_43 = memref.load %arg14[%get3A_41, %get3A_42] : memref<1x1xf32, #tpu.memory_space<smem>>
      %max3A = arith.maximumf %get3A_43, %reduce_max3A_40 : f32
      %sub3A_44 = vector.broadcast %max3A : f32 to vector<1x8192xf32>
      %sub3A_45 = arith.subf %add3A, %sub3A_44 : vector<1x8192xf32>
      %exp3A = math.exp %sub3A_45 : vector<1x8192xf32>
      %jit3A_46 = arith.constant 0.000000e+00 : f32
      %broadcast_in_dim3A_47 = vector.broadcast %jit3A_46 : f32 to vector<1x8192xf32>
      %select_n3A_48 = arith.select %lt3A_36, %exp3A, %broadcast_in_dim3A_47 : vector<1x8192xi1>, vector<1x8192xf32>
      %reduce_sum3A = vector.shape_cast %select_n3A_48 : vector<1x8192xf32> to vector<1x1x8192xf32>
      %reduce_sum3A_49 = arith.constant dense<0.000000e+00> : vector<1xf32>
      %reduce_sum3A_50 = vector.multi_reduction <add>, %reduce_sum3A, %reduce_sum3A_49 [1, 2] : vector<1x1x8192xf32> to vector<1xf32>
      %reduce_sum3A_51 = vector.shape_cast %reduce_sum3A_50 : vector<1xf32> to vector<1x1x1xf32>
      %reduce_sum3A_52 = vector.extract %reduce_sum3A_51[0, 0, 0] : f32 from vector<1x1x1xf32>
      %get3A_53 = arith.constant 0 : index
      %get3A_54 = arith.constant 0 : index
      %get3A_55 = memref.load %arg15[%get3A_53, %get3A_54] : memref<1x1xf32, #tpu.memory_space<smem>>
      %sub3A_56 = arith.subf %get3A_43, %max3A : f32
      %exp3A_57 = math.exp %sub3A_56 : f32
      %mul3A_58 = arith.mulf %get3A_55, %exp3A_57 : f32
      %add3A_59 = arith.addf %mul3A_58, %reduce_sum3A_52 : f32
      %swap3A_60 = arith.constant 0 : index
      %swap3A_61 = arith.constant 0 : index
      %swap3A_62 = memref.load %arg15[%swap3A_60, %swap3A_61] : memref<1x1xf32, #tpu.memory_space<smem>>
      memref.store %add3A_59, %arg15[%swap3A_60, %swap3A_61] : memref<1x1xf32, #tpu.memory_space<smem>>
      %swap3A_63 = arith.constant 0 : index
      %swap3A_64 = arith.constant 0 : index
      %swap3A_65 = memref.load %arg14[%swap3A_63, %swap3A_64] : memref<1x1xf32, #tpu.memory_space<smem>>
      memref.store %max3A, %arg14[%swap3A_63, %swap3A_64] : memref<1x1xf32, #tpu.memory_space<smem>>
    } else {
    }
    %ge3A_12 = arith.constant 15 : i32
    %ge3A_13 = arith.cmpi sge, %arg0, %ge3A_12 : i32
    %convert_element_type3A_14 = arith.extui %ge3A_13 : i1 to i32
    %cond3A_15 = arith.constant 0 : i32
    %cond3A_16 = arith.cmpi ne, %convert_element_type3A_14, %cond3A_15 : i32
    scf.if %cond3A_16 {
      %sub3A = arith.constant 8 : i32
      %sub3A_17 = arith.subi %arg0, %sub3A : i32
      %sub3A_18 = arith.constant 7 : i32
      %sub3A_19 = arith.subi %sub3A_17, %sub3A_18 : i32
      %mul3A = arith.constant 8192 : i32
      %mul3A_20 = arith.muli %sub3A_19, %mul3A : i32
      %get3A = arith.constant 0 : index
      %get3A_21 = arith.index_cast %mul3A_20 : i32 to index
      %get3A_22 = vector.load %arg17[%get3A, %get3A_21] : memref<1x57344xf32, #tpu.memory_space<vmem>>, vector<1x8192xf32>
      %get3A_23 = arith.constant 0 : index
      %get3A_24 = arith.constant 0 : index
      %get3A_25 = memref.load %arg14[%get3A_23, %get3A_24] : memref<1x1xf32, #tpu.memory_space<smem>>
      %sub3A_26 = vector.broadcast %get3A_25 : f32 to vector<1x8192xf32>
      %sub3A_27 = arith.subf %get3A_22, %sub3A_26 : vector<1x8192xf32>
      %exp3A = math.exp %sub3A_27 : vector<1x8192xf32>
      %get3A_28 = arith.constant 0 : index
      %get3A_29 = arith.constant 0 : index
      %get3A_30 = memref.load %arg15[%get3A_28, %get3A_29] : memref<1x1xf32, #tpu.memory_space<smem>>
      %div3A = vector.broadcast %get3A_30 : f32 to vector<1x8192xf32>
      %div3A_31 = arith.divf %exp3A, %div3A : vector<1x8192xf32>
      %get3A_32 = arith.constant 0 : index
      %get3A_33 = arith.constant 0 : index
      %get3A_34 = vector.load %arg5[%get3A_32, %get3A_33] : memref<2x8192xf32, #tpu.memory_space<vmem>>, vector<2x8192xf32>
      %reduce_sum3A = arith.constant dense<0.000000e+00> : vector<8192xf32>
      %reduce_sum3A_35 = vector.multi_reduction <add>, %get3A_34, %reduce_sum3A [0] : vector<2x8192xf32> to vector<8192xf32>
      %broadcast_in_dim3A = vector.shape_cast %reduce_sum3A_35 : vector<8192xf32> to vector<1x8192xf32>
      %add3A = arith.constant 9.99999997E-7 : f32
      %add3A_36 = vector.broadcast %add3A : f32 to vector<1x8192xf32>
      %add3A_37 = arith.addf %div3A_31, %add3A_36 : vector<1x8192xf32>
      %log3A = math.log %add3A_37 : vector<1x8192xf32>
      %mul3A_38 = arith.mulf %log3A, %broadcast_in_dim3A : vector<1x8192xf32>
      %swap3A = arith.constant 0 : index
      %swap3A_39 = arith.constant 0 : index
      %swap3A_40 = vector.load %arg9[%swap3A, %swap3A_39] : memref<1x8192xf32, #tpu.memory_space<vmem>>, vector<1x8192xf32>
      tpu.vector_store %arg9[%swap3A, %swap3A_39], %mul3A_38 {strides = array<i32>} : memref<1x8192xf32, #tpu.memory_space<vmem>>, vector<1x8192xf32>,
    } else {
    }
    return
  }
  func.func @transform_0(%arg0: i32) -> (i32, i32) {
    %min3A = arith.constant 7 : i32
    %min3A_0 = arith.minsi %arg0, %min3A : i32
    %c0_i32 = arith.constant 0 : i32
    %c0_i32_1 = arith.constant 0 : i32
    return %min3A_0, %c0_i32 : i32, i32
  }
  func.func @transform_1(%arg0: i32) -> (i32, i32) {
    %c0_i32 = arith.constant 0 : i32
    %c0_i32_0 = arith.constant 0 : i32
    %c0_i32_1 = arith.constant 0 : i32
    return %c0_i32, %c0_i32_0 : i32, i32
  }
  func.func @transform_2(%arg0: i32) -> (i32, i32) {
    %sub3A = arith.constant 8 : i32
    %sub3A_0 = arith.subi %arg0, %sub3A : i32
    %jit3A = arith.constant 0 : i32
    %jit3A_1 = arith.constant 6 : i32
    %max3A = arith.maxsi %jit3A, %sub3A_0 : i32
    %min3A = arith.minsi %jit3A_1, %max3A : i32
    %c0_i32 = arith.constant 0 : i32
    %c0_i32_2 = arith.constant 0 : i32
    return %min3A, %c0_i32 : i32, i32
  }
  func.func @transform_3(%arg0: i32) -> (i32, i32) {
    %sub3A = arith.constant 8 : i32
    %sub3A_0 = arith.subi %arg0, %sub3A : i32
    %jit3A = arith.constant 0 : i32
    %jit3A_1 = arith.constant 6 : i32
    %max3A = arith.maxsi %jit3A, %sub3A_0 : i32
    %min3A = arith.minsi %jit3A_1, %max3A : i32
    %c0_i32 = arith.constant 0 : i32
    %c0_i32_2 = arith.constant 0 : i32
    return %c0_i32, %min3A : i32, i32
  }
  func.func @transform_4(%arg0: i32) -> (i32, i32) {
    %sub3A = arith.constant 8 : i32
    %sub3A_0 = arith.subi %arg0, %sub3A : i32
    %sub3A_1 = arith.constant 7 : i32
    %sub3A_2 = arith.subi %sub3A_0, %sub3A_1 : i32
    %jit3A = arith.constant 0 : i32
    %jit3A_3 = arith.constant 6 : i32
    %max3A = arith.maxsi %jit3A, %sub3A_2 : i32
    %min3A = arith.minsi %jit3A_3, %max3A : i32
    %c0_i32 = arith.constant 0 : i32
    %c0_i32_4 = arith.constant 0 : i32
    return %c0_i32, %min3A : i32, i32
  }
  func.func @transform_5(%arg0: i32) -> (i32, i32) {
    %min3A = arith.constant 7 : i32
    %min3A_0 = arith.minsi %arg0, %min3A : i32
    %c0_i32 = arith.constant 0 : i32
    %c0_i32_1 = arith.constant 0 : i32
    return %min3A_0, %c0_i32 : i32, i32
  }
  func.func @transform_6(%arg0: i32) -> (i32, i32) {
    %min3A = arith.constant 7 : i32
    %min3A_0 = arith.minsi %arg0, %min3A : i32
    %c0_i32 = arith.constant 0 : i32
    %c0_i32_1 = arith.constant 0 : i32
    return %min3A_0, %c0_i32 : i32, i32
  }
  func.func @transform_7(%arg0: i32) -> (i32, i32) {
    %c0_i32 = arith.constant 0 : i32
    %c0_i32_0 = arith.constant 0 : i32
    %c0_i32_1 = arith.constant 0 : i32
    return %c0_i32, %c0_i32_0 : i32, i32
  }
  func.func @transform_8(%arg0: i32) -> (i32, i32) {
    %sub3A = arith.constant 8 : i32
    %sub3A_0 = arith.subi %arg0, %sub3A : i32
    %sub3A_1 = arith.constant 7 : i32
    %sub3A_2 = arith.subi %sub3A_0, %sub3A_1 : i32
    %jit3A = arith.constant 0 : i32
    %jit3A_3 = arith.constant 6 : i32
    %max3A = arith.maxsi %jit3A, %sub3A_2 : i32
    %min3A = arith.minsi %jit3A_3, %max3A : i32
    %c0_i32 = arith.constant 0 : i32
    %c0_i32_4 = arith.constant 0 : i32
    return %c0_i32, %min3A : i32, i32
  }
  func.func @transform_9(%arg0: i32) -> (i32, i32) {
    %c0_i32 = arith.constant 0 : i32
    %c0_i32_0 = arith.constant 0 : i32
    %c0_i32_1 = arith.constant 0 : i32
    return %c0_i32, %c0_i32_0 : i32, i32
  }
  func.func @transform_10(%arg0: i32) -> (i32, i32) {
    %c0_i32 = arith.constant 0 : i32
    %c0_i32_0 = arith.constant 0 : i32
    %c0_i32_1 = arith.constant 0 : i32
    return %c0_i32, %c0_i32_0 : i32, i32
  }
}

</mosaic_0001>

<sc_bundles>
// kernel: kernel.4.cloned.1.call-start
scs
__scs_entry_jumppad:
0x0: {  	(pc) =	sbr.rel $0x88, $3  }
0x1: {  	(tag) =	ssettag $0x0;
	lr =	simm.s32 $0x1  }
0x2: {  	[smem:$0x3F9C] =	sst lr;
	_ =	strace $0xD0000000  }
0x3: {  	_ = 	snop  }
0x4: {  	_ = 	snop  }
0x5: {  	_ = 	snop  }
0x6: {  	_ = 	snop  }
0x7: {  	_ = 	snop  }
__scs_overlays_trampoline_lowered:
0x8: {  	[smem:$0x3FAB] =	sst s0  }
0x9: {  	[smem:$0x3FAC] =	sst s1  }
0xa: {  	[smem:$0x3FAD] =	sst s2  }
0xb: {  	[smem:$0x3FAE] =	sst s3  }
0xc: {  	[smem:$0x3FAF] =	sst s4  }
0xd: {  	[smem:$0x3FB0] =	sst s5  }
0xe: {  	[smem:$0x3FB1] =	sst s6  }
0xf: {  	[smem:$0x3FB2] =	sst s7  }
0x10: {  	[smem:$0x3FB3] =	sst s8  }
0x11: {  	[smem:$0x3FB4] =	sst s9;
	s0 =	simm.s32 @!p0 $0x0  }
0x12: {  	s1 =	sld [smem:$0x3F9A];
	s0 =	simm.s32 @p0 $0x1  }
0x13: {  	[smem:$0x3FB5] =	sst s0;
	s0 =	simm.s32 @!p1 $0x0  }
0x14: {  	s2 =	sld [smem:$0x3F99];
	s0 =	simm.s32 @p1 $0x1  }
0x15: {  	[smem:$0x3FB6] =	sst s0;
	s0 =	simm.s32 @!p2 $0x0  }
0x16: {  	s3 =	sld [smem:$0x3FDB];
	s0 =	simm.s32 @p2 $0x1  }
0x17: {  	s4 =	simm.s32 $0x1BF5;
	[smem:$0x3FB8] =	sst s0  }
0x18: {  	s0 =	sld [smem:$0x3F9B];
	_ =	swait.ge [sflag:s4], $0x0  }
0x19: {  	s7 =	sld [smem:$0x3F9C]  }
0x1a: {  	s8 =	sadd.s32 $0xFFFFE003, lr  }
0x1b: {  	s9 =	sadd.s32 $0xFFFFFEF7, lr;
	s5 =	simm.s32 $0xFFFFFFFF;
	p2 =	slt.u32 s8, $0xFFFFF086  }
0x1c: {  	p1 =	slt.u32 s9, $0xF7A;
	s5 =	simm.s32 @!p2 $0x0  }
0x1d: {  	s5 =	simm.s32 @p1 $0x1;
	p0 =	seq.s32 s7, s2  }
0x1e: {  	s7 =	smul.u32 @!p0 $0xF7A, s2;
	p2 =	seq.s32 @!p0 s5, $0x0  }
0x1f: {  	s9 =	smul.u32 $0xF7A, s1;
	s8 =	simm.s32 @!p0 $0x1BF5;
	p2 =	por !p2, p0  }
0x20: {  	[sflag:s8] =	ssyncset.s32 @!p0 $0xFFFFF086;
	s6 =	sadd.s32 @!p0 s3, s7;
	s7 =	simm.s32 @!p0 $0x108  }
0x21: {  	s3 =	sadd.s32 s3, s9;
	s6 =	sadd.s32 @!p0 $0x88, s6;
	s7 =	simm.s32 @p2 $0x1082  }
0x22: {  	[simem:s7], [sflag:s8] =	dma.local @!p0 [hbm:s6], $0xF7A  }
0x23: {  	s9 =	sor.u32 $0xD0000000, s2;
	s6 =	simm.s32 $0x108;
	_ =	swait.ge @!p0 [sflag:s8], $0x0  }
0x24: {  	s3 =	sadd.s32 $0x88, s3;
	s6 =	simm.s32 @!p1 $0x1082;
	[sflag:s4] =	ssyncset.s32 $0xFFFFF086  }
0x25: {  	[simem:s6], [sflag:s4] =	dma.local [hbm:s3], $0xF7A  }
0x26: {  	[smem:$0x3F9C] =	sst s1;
	(tag) =	ssettag s2;
	_ =	strace s9  }
0x27: {  	s1 =	sld [smem:$0x3FAC]  }
0x28: {  	s2 =	sld [smem:$0x3FAD]  }
0x29: {  	s4 =	sld [smem:$0x3FAF]  }
0x2a: {  	p0 =	seq.s32 s5, $0x0;
	s5 =	sld [smem:$0x3FB0]  }
0x2b: {  	s6 =	sld [smem:$0x3FB1]  }
0x2c: {  	s7 =	sld [smem:$0x3FB2]  }
0x2d: {  	s3 =	simm.s32 $0x108;
	s8 =	sld [smem:$0x3FB3]  }
0x2e: {  	s3 =	simm.s32 @!p0 $0x1082;
	s9 =	sld [smem:$0x3FB4]  }
0x2f: {  	lr =	sadd.s32 s0, s3;
	s0 =	sld [smem:$0x3FAB]  }
0x30: {  	s3 =	sld [smem:$0x3FAE]  }
0x31: {  	[smem:$0x3FB7] =	sst s10  }
0x32: {  	s10 =	sld [smem:$0x3FB5];
	_ =	sdelay $0x3  }
0x33: {  	p0 =	seq.s32 s10, $0x1;
	s10 =	sld [smem:$0x3FB7];
	_ =	sdelay $0x3  }
0x34: {  	[smem:$0x3FB7] =	sst s10  }
0x35: {  	s10 =	sld [smem:$0x3FB6];
	_ =	sdelay $0x3  }
0x36: {  	p1 =	seq.s32 s10, $0x1;
	s10 =	sld [smem:$0x3FB7];
	_ =	sdelay $0x3  }
0x37: {  	[smem:$0x3FB7] =	sst s10  }
0x38: {  	s10 =	sld [smem:$0x3FB8]  }
0x39: {  	_ = 	snop;
	(pc) =	sbr.ind lr, $3  }
0x3a: {  	_ = 	snop  }
0x3b: {  	_ = 	snop  }
0x3c: {  	p2 =	seq.s32 s10, $0x1;
	s10 =	sld [smem:$0x3FB7]  }
0x3d: {  	_ =	shalt  }
0x3e: {  	_ =	shalt  }
0x3f: {  	_ =	shalt  }
0x40: {  	_ =	shalt  }
0x41: {  	_ =	shalt  }
0x42: {  	_ =	shalt  }
0x43: {  	_ =	shalt  }
0x44: {  	_ =	shalt  }
0x45: {  	_ =	shalt  }
0x46: {  	_ =	shalt  }
0x47: {  	_ =	shalt  }
0x48: {  	_ =	shalt  }
0x49: {  	_ =	shalt  }
0x4a: {  	_ =	shalt  }
0x4b: {  	_ =	shalt  }
0x4c: {  	_ =	shalt  }
0x4d: {  	_ =	shalt  }
0x4e: {  	_ =	shalt  }
0x4f: {  	_ =	shalt  }
0x50: {  	_ =	shalt  }
0x51: {  	_ =	shalt  }
0x52: {  	_ =	shalt  }
0x53: {  	_ =	shalt  }
0x54: {  	_ =	shalt  }
0x55: {  	_ =	shalt  }
0x56: {  	_ =	shalt  }
0x57: {  	_ =	shalt  }
0x58: {  	_ =	shalt  }
0x59: {  	_ =	shalt  }
0x5a: {  	_ =	shalt  }
0x5b: {  	_ =	shalt  }
0x5c: {  	_ =	shalt  }
0x5d: {  	_ =	shalt  }
0x5e: {  	_ =	shalt  }
0x5f: {  	_ =	shalt  }
0x60: {  	_ =	shalt  }
0x61: {  	_ =	shalt  }
0x62: {  	_ =	shalt  }
0x63: {  	_ =	shalt  }
0x64: {  	_ =	shalt  }
0x65: {  	_ =	shalt  }
0x66: {  	_ =	shalt  }
0x67: {  	_ =	shalt  }
0x68: {  	_ =	shalt  }
0x69: {  	_ =	shalt  }
0x6a: {  	_ =	shalt  }
0x6b: {  	_ =	shalt  }
0x6c: {  	_ =	shalt  }
0x6d: {  	_ =	shalt  }
0x6e: {  	_ =	shalt  }
0x6f: {  	_ =	shalt  }
0x70: {  	_ =	shalt  }
0x71: {  	_ =	shalt  }
0x72: {  	_ =	shalt  }
0x73: {  	_ =	shalt  }
0x74: {  	_ =	shalt  }
0x75: {  	_ =	shalt  }
0x76: {  	_ =	shalt  }
0x77: {  	_ =	shalt  }
0x78: {  	_ =	shalt  }
0x79: {  	_ =	shalt  }
0x7a: {  	_ =	shalt  }
0x7b: {  	_ =	shalt  }
0x7c: {  	_ =	shalt  }
0x7d: {  	_ =	shalt  }
0x7e: {  	_ =	shalt  }
0x7f: {  	_ =	shalt  }
0x80: {  	_ =	shalt  }
0x81: {  	_ =	shalt  }
0x82: {  	_ =	shalt  }
0x83: {  	_ =	shalt  }
0x84: {  	_ =	shalt  }
0x85: {  	_ =	shalt  }
0x86: {  	_ =	shalt  }
0x87: {  	_ =	shalt  }
.Lfunc_end0:
.L_simem_size_0:
called_computation_lowered:
.L_overlay_start_0:
0x88: {  	s2 =	sld [smem:$0x3FD9]  }
0x89: {  	s3 =	sld [smem:$0x3FFE];
	_ =	sdelay $0x1  }
0x8a: {  	s1 =	srdreg.scid  }
0x8b: {  	s0 =	sand.u32 $0x1, s1  }
0x8c: {  	s14 =	sshll.u32 s0, $0xA;
	s2 =	sadd.s32 s3, s2  }
0x8d: {  	s2 =	sadd.s32 s2, s14  }
0x8e: {  	[smem:$0x3FC3] =	sst s2  }
0x8f: {  	_ = 	snop  }
0x90: {  	s2 =	sld [smem:$0x3FD0];
	_ =	sdelay $0x1  }
0x91: {  	s15 =	sld [smem:$0x3FC9]  }
0x92: {  	s5 =	simm.s32 $0xA;
	s6 =	simm.s32 $0x10;
	s4 =	sld [smem:$0x3FC8]  }
0x93: {  	[smem:s6], [sflag:s5] =	dma.local [hbm:s2], $0x1  }
0x94: {  	_ =	swait.eq [sflag:s5], $0x1  }
0x95: {  	[sflag:s5] =	ssyncset.done $0x0  }
0x96: {  	s16 =	sld [smem:$0x11];
	[sflag:s5] =	ssyncadd.s32 $0xFFFFFFFF  }
0x97: {  	s17 =	sld [smem:$0x15];
	(tm) =	ssettm $0x1  }
0x98: {  	s18 =	sld [smem:$0x3FFB];
	_ =	sdelay $0x3  }
0x99: {  	_ =	strace s18  }
0x9a: {  	s6 =	sld [smem:$0x3FFC];
	_ =	sdelay $0x3  }
0x9b: {  	_ =	strace s6  }
0x9c: {  	s6 =	sld [smem:$0x3FFD];
	_ =	sdelay $0x3  }
0x9d: {  	_ =	strace s6  }
0x9e: {  	_ =	strace $0x8FFFFFFF  }
0x9f: {  	s19 =	sld [smem:$0x3FDB];
	_ =	sdelay $0x1  }
0xa0: {  	s7 =	simm.s32 $_scs_section_size  }
0xa1: {  	s8 =	simm.s32 $_size__tile_overlayer_lowered;
	s9 =	simm.s32 $_tile_overlayer_lowered  }
0xa2: {  	s22 =	simm.s32 $0x1BFF;
	s21 =	sshll.u32 s9, $0x1;
	s6 =	sadd.s32 s7, s19  }
0xa3: {  	s10 =	simm.s32 $0x0;
	s20 =	sshll.u32 s8, $0x1;
	s8 =	sadd.s32 s21, s6  }
0xa4: {  	[timem:s10], [sflag:s22] =	dma.local [hbm:s8], s20  }
0xa5: {  	_ =	swait.ge [sflag:s22], s20  }
0xa6: {  	s7 =	ssub.s32 $0x0, s20;
	[sflag:s22] =	ssyncset.done $0x0  }
0xa7: {  	[sflag:s22] =	ssyncadd.s32 s7;
	_ =	sdelay $0x1  }
0xa8: {  	s23 =	simm.s32 $0x1B8B  }
0xa9: {  	_ =	swait.ge [sflag:s23], $0x1  }
0xaa: {  	[sflag:s23] =	ssyncset.done $0x0  }
0xab: {  	s25 =	simm.s32 $0x1B8E;
	s24 =	sld [smem:$0x3FFE];
	[sflag:s23] =	ssyncadd.s32 $0xFFFFFFFF  }
0xac: {  	s26 =	simm.s32 $execute0_lowered;
	[smem:$0x3FD2] =	sst s25  }
0xad: {  	s8 =	sshll.u32 s26, $0x1;
	_ =	strace $0x80000046;
	[dreg:$0x1] =	wrdreg $0xFFFFFFFF  }
0xae: {  	s28 =	simm.s32 $_size_execute0_lowered;
	s6 =	sadd.s32 s6, s8;
	[dreg:$0x0] =	wrdreg $0x0  }
0xaf: {  	s8 =	sshll.u32 s28, $0x1;
	[dreg:$0x2] =	wrdreg s6  }
0xb0: {  	[dreg:$0x3] =	wrdreg s8  }
0xb1: {  	[dreg:$0x4] =	wrdreg $0xC0  }
0xb2: {  	_ =	task [dreg:s10], $0x5FFFF  }
0xb3: {  	[dreg:$0x1] =	wrdreg $0xFFFFFFFF  }
0xb4: {  	[dreg:$0x0] =	wrdreg $0x60  }
0xb5: {  	[dreg:$0x2] =	wrdreg s15  }
0xb6: {  	[dreg:$0x3] =	wrdreg s4  }
0xb7: {  	[dreg:$0x4] =	wrdreg s16  }
0xb8: {  	[dreg:$0x5] =	wrdreg s17  }
0xb9: {  	[dreg:$0x6] =	wrdreg s24  }
0xba: {  	[dreg:$0x7] =	wrdreg $0x184800  }
0xbb: {  	[dreg:$0x8] =	wrdreg $0x9  }
0xbc: {  	_ =	task.clear_ibuf [dreg:s10], $0x9FFFF;
	_ =	strace $0x90000046  }
0xbd: {  	s29 =	simm.s32 $0x9;
	_ =	strace $0x80000048  }
0xbe: {  	_ =	swait.ge [sflag:s29], $0x1  }
0xbf: {  	[sflag:s29] =	ssyncadd.s32 $0xFFFFFFFF  }
0xc0: {  	_ =	strace $0x90000048  }
0xc1: {  	_ =	sfence  }
0xc2: {  	s30 =	sld [smem:$0x0];
	_ =	sdelay $0x2  }
0xc3: {  	s31 =	sshll.u32 s1, $0xD;
	s1 =	sshrl.u32 s1, $0x2  }
0xc4: {  	s3 =	sand.u32 $0x4000, s31;
	s1 =	sadd.s32 s1, s30  }
0xc5: {  	s0 =	sor.u32 s3, s0;
	s1 =	sshll.u32 s1, $0x11  }
0xc6: {  	s0 =	sor.u32 s1, s0  }
0xc7: {  	s0 =	sadd.s32 $0x8F2B, s0  }
0xc8: {  	[sflag:s0] =	ssyncadd.remote.s32 $0x1  }
0xc9: {  	_ =	sfence.sel $0xFFFF  }
0xca: {  	[dreg:$0x0] =	wrdreg $0xFFFFFFFF;
	(pc) =	sbr.abs _section_cstart, $3  }
0xcb: {  	[dreg:$0x1] =	wrdreg $0xFFFFFFFF  }
0xcc: {  	_ =	task.clear_ibuf [dreg:s10], $0x2FFFF;
	_ =	strace $0x9FFFFFFF  }
0xcd: {  	(tm) =	ssettm $0x7FFFFFFF  }
tec
execute0_lowered:
.L_overlay_start_1:
0x0: {  	(tag) =	ssettag $0x1  }
0x1: {  	s1 =	rddreg [dreg:$0x0]  }
0x2: {  	s0 =	rddreg [dreg:$0x1]  }
0x3: {  	s2 =	rddreg [dreg:$0x2]  }
0x4: {  	s11 =	rddreg [dreg:$0x3]  }
0x5: {  	s12 =	srdreg.scid;
	s4 =	rddreg [dreg:$0x4]  }
0x6: {  	s5 =	stileid.u32;
	s3 =	simm.s32 $0x0;
	s24 =	simm.s32 $0x100  }
0x7: {  	s25 =	simm.s32 $0x180;
	s26 =	simm.s32 $0x200;
	[dreg:$0x7] =	wrdreg s2  }
0x8: {  	s29 =	simm.s32 $0x280;
	s30 =	simm.s32 $0x300;
	[dreg:$0x8] =	wrdreg s11  }
0x9: {  	s31 =	simm.s32 $0x380;
	s9 =	simm.s32 $0x80;
	s2 =	rddreg [dreg:$0x5]  }
0xa: {  	s28 =	simm.s32 $0x15C00;
	s6 =	sand.u32 $0x1, s12;
	[smem:$0x7FF] =	sst s3  }
0xb: {  	s7 =	sshll.u32 s5, $0xB;
	_ =	strace $0x80000047;
	[dreg:$0x13] =	wrdreg s24  }
0xc: {  	p0 =	sne.s32 s5, $0x0;
	s11 =	simm.s32 $0x12C00;
	[dreg:$0x14] =	wrdreg s25  }
0xd: {  	s12 =	simm.s32 $0x13400;
	s8 =	sshll.u32 s6, $0xA;
	[dreg:$0x15] =	wrdreg s26  }
0xe: {  	s16 =	sshll.u32 s6, $0x4;
	[dreg:$0x16] =	wrdreg s29;
	s7 =	sor.u32 s8, s7  }
0xf: {  	[dreg:$0x17] =	wrdreg s30;
	s8 =	sshll.u32 s7, $0x5;
	s7 =	sshrl.u32 s7, $0x3  }
0x10: {  	[dreg:$0x18] =	wrdreg s31;
	s8 =	sadd.s32 s8, s4;
	s1 =	sadd.s32 s1, s7  }
0x11: {  	s6 =	ssub.s32 $0x2, s6;
	[dreg:$0x9] =	wrdreg s1;
	s13 =	sadd.s32 $0xC00, s8  }
0x12: {  	s25 =	simm.s32 $0x16400;
	s14 =	sadd.s32 $0x1C00, s8;
	[dreg:$0xa] =	wrdreg s13  }
0x13: {  	s20 =	sshrl.u32 s6, $0x1;
	s15 =	sadd.s32 $0x2C00, s8;
	[dreg:$0xb] =	wrdreg s14  }
0x14: {  	s6 =	ssub.s32 s6, s20;
	s17 =	sadd.s32 $0x3C00, s8;
	[dreg:$0xc] =	wrdreg s15  }
0x15: {  	s20 =	simm.s32 $0x4;
	s18 =	sadd.s32 $0x4C00, s8;
	[dreg:$0xd] =	wrdreg s17  }
0x16: {  	s4 =	sadd.s32 s16, s4;
	s19 =	sadd.s32 $0x5C00, s8;
	[dreg:$0xe] =	wrdreg s18  }
0x17: {  	s7 =	simm.s32 $0x7;
	s21 =	sadd.s32 $0x6C00, s8;
	[dreg:$0xf] =	wrdreg s19  }
0x18: {  	s16 =	simm.s32 $0x15400;
	s22 =	sadd.s32 $0x7C00, s8;
	[dreg:$0x10] =	wrdreg s21  }
0x19: {  	s23 =	sadd.s32 $0x100C00, s4;
	s4 =	smax.u32 s6, $0x1;
	[dreg:$0x11] =	wrdreg s22  }
0x1a: {  	s1 =	sshrl.u32 @!p0 s2, $0x3;
	s6 =	simm.s32 $0x18400;
	[dreg:$0x12] =	wrdreg s23  }
0x1b: {  	v2 =	vlaneseq.u32;
	[dreg:$0x19] =	wrdreg s1;
	s18 =	simm.s32 $0x1;
	s21 =	simm.s32 $0x2  }
0x1c: {  	vm0 =	vmmov $0xffff;
	v1 =	vshrl.u32 v2, $0x3;
	s22 =	simm.s32 $0x5;
	s23 =	simm.s32 $0x10C00;
	s13 =	simm.s32 $0x13C00  }
0x1d: {  	v0 =	vand.u32 $0x7, v2;
	v2 =	vor.u32 $0x8, v2;
	v1 =	vmul.u32 $0x8, v1;
	s14 =	simm.s32 $0x14400;
	s15 =	simm.s32 $0x14C00;
	s17 =	simm.s32 $0x17C00  }
.LBB2_1:
0x1e: {  	s26 =	rddreg [dreg:$0x7]  }
0x1f: {  	s1 =	simm.s32 @!p0 $0x1C07;
	s2 =	rddreg [dreg:$0x19]  }
0x20: {  	[spmem:s2], [sflag:s1] =	dma.local @!p0 [hbm:s26], $0x1870  }
0x21: {  	s1 =	simm.s32 @!p0 $0x7  }
0x22: {  	_ =	swait.ge @!p0 [sflag:s1], $0x1870  }
0x23: {  	[sflag:s1] =	ssyncset.done @!p0 $0x0  }
0x24: {  	s29 =	rddreg [dreg:$0x8];
	[sflag:s1] =	ssyncadd.s32 @!p0 $0xFFFFE790  }
0x25: {  	[tilespmem:s6], [sflag:$0x7] =	stream.linear.gather [hbm4b:s29+s3], $0x80, $0x38;
	[tilespmem:$0x190B8] =	vst v63  }
0x26: {  	_ =	swait.ge [sflag:s7], $0x80  }
0x27: {  	[sflag:s7] =	ssyncset.done $0x0  }
0x28: {  	s1 =	rddreg [dreg:$0x9];
	[sflag:s7] =	ssyncadd.s32 $0xFFFFFF80  }
0x29: {  	[tilespmem:s3], [sflag:$0x7] =	stream.linear.gather [hbm4b:s1+s3], $0x400, $0x38;
	[tilespmem:$0x190B8] =	vst v63  }
0x2a: {  	_ =	swait.ge [sflag:s7], $0x400  }
0x2b: {  	[sflag:s7] =	ssyncset.done $0x0  }
0x2c: {  	[sflag:s7] =	ssyncadd.s32 $0xFFFFFC00  }
0x2d: {  	[bflag:$0x0] =	sbarrier.arrive $0xFFFF  }
0x2e: {  	v3 =	vld [tilespmem:$0x0];
	_ =	sdelay $0x4  }
0x2f: {  	v4 =	vshll.u32 v3, $0x1  }
0x30: {  	v3 =	vand.u32 $0x7, v3;
	v4 =	vand.u32 $0xFFFFFFF0, v4  }
0x31: {  	v3 =	vor.u32 v3, v4  }
0x32: {  	v4 =	vperm.xlane v3, v0;
	_ =	sdelay $0x1  }
0x33: {  	v3 =	vperm.xlane v3, v2;
	v4 =	vadd.s32 v1, v4;
	_ =	sdelay $0x1  }
0x34: {  	v3 =	vadd.s32 v1, v3;
	_ =	sdelay $0x1  }
0x35: {  	s2 =	simm.s32 $0x400  }
0x36: {  	[tilespmem:s2], [sflag:$0x1] =	stream.indirect_vreg.gather [hbm4b:s0+s3], $0x80, v4, vm0, $0xb8;
	[tilespmem:$0x190B8] =	vst v63  }
0x37: {  	s5 =	simm.s32 $0xC00  }
0x38: {  	[tilespmem:s5], [sflag:$0x1] =	stream.indirect_vreg.gather [hbm4b:s0+s3], $0x80, v3, vm0, $0xb8;
	[tilespmem:$0x190B8] =	vst v63  }
0x39: {  	v3 =	vld [tilespmem:$0x10];
	_ =	sdelay $0x4  }
0x3a: {  	v57 =	vshll.u32 v3, $0x1  }
0x3b: {  	v3 =	vand.u32 $0x7, v3;
	v4 =	vand.u32 $0xFFFFFFF0, v57  }
0x3c: {  	v3 =	vor.u32 v3, v4  }
0x3d: {  	v4 =	vperm.xlane v3, v0;
	_ =	sdelay $0x1  }
0x3e: {  	v3 =	vperm.xlane v3, v2;
	v4 =	vadd.s32 v1, v4;
	_ =	sdelay $0x1  }
0x3f: {  	v3 =	vadd.s32 v1, v3;
	_ =	sdelay $0x1  }
0x40: {  	s8 =	simm.s32 $0x1400  }
0x41: {  	[tilespmem:s8], [sflag:$0x1] =	stream.indirect_vreg.gather [hbm4b:s0+s3], $0x80, v4, vm0, $0xb8;
	[tilespmem:$0x190B8] =	vst v63  }
0x42: {  	s10 =	simm.s32 $0x1C00  }
0x43: {  	[tilespmem:s10], [sflag:$0x1] =	stream.indirect_vreg.gather [hbm4b:s0+s3], $0x80, v3, vm0, $0xb8;
	[tilespmem:$0x190B8] =	vst v63  }
0x44: {  	v3 =	vld [tilespmem:$0x20];
	_ =	sdelay $0x4  }
0x45: {  	v58 =	vshll.u32 v3, $0x1  }
0x46: {  	v3 =	vand.u32 $0x7, v3;
	v4 =	vand.u32 $0xFFFFFFF0, v58  }
0x47: {  	v3 =	vor.u32 v3, v4  }
0x48: {  	v4 =	vperm.xlane v3, v0;
	_ =	sdelay $0x1  }
0x49: {  	v3 =	vperm.xlane v3, v2;
	v4 =	vadd.s32 v1, v4;
	_ =	sdelay $0x1  }
0x4a: {  	v3 =	vadd.s32 v1, v3;
	_ =	sdelay $0x1  }
0x4b: {  	s19 =	simm.s32 $0x2400  }
0x4c: {  	[tilespmem:s19], [sflag:$0x1] =	stream.indirect_vreg.gather [hbm4b:s0+s3], $0x80, v4, vm0, $0xb8;
	[tilespmem:$0x190B8] =	vst v63  }
0x4d: {  	s26 =	simm.s32 $0x2C00  }
0x4e: {  	[tilespmem:s26], [sflag:$0x1] =	stream.indirect_vreg.gather [hbm4b:s0+s3], $0x80, v3, vm0, $0xb8;
	[tilespmem:$0x190B8] =	vst v63  }
0x4f: {  	v3 =	vld [tilespmem:$0x30];
	_ =	sdelay $0x4  }
0x50: {  	v59 =	vshll.u32 v3, $0x1  }
0x51: {  	v3 =	vand.u32 $0x7, v3;
	v4 =	vand.u32 $0xFFFFFFF0, v59  }
0x52: {  	v3 =	vor.u32 v3, v4  }
0x53: {  	v4 =	vperm.xlane v3, v0;
	_ =	sdelay $0x1  }
0x54: {  	v3 =	vperm.xlane v3, v2;
	v4 =	vadd.s32 v1, v4;
	_ =	sdelay $0x1  }
0x55: {  	v3 =	vadd.s32 v1, v3;
	_ =	sdelay $0x1  }
0x56: {  	s29 =	simm.s32 $0x3400  }
0x57: {  	[tilespmem:s29], [sflag:$0x1] =	stream.indirect_vreg.gather [hbm4b:s0+s3], $0x80, v4, vm0, $0xb8;
	[tilespmem:$0x190B8] =	vst v63  }
0x58: {  	s31 =	simm.s32 $0x3C00  }
0x59: {  	[tilespmem:s31], [sflag:$0x1] =	stream.indirect_vreg.gather [hbm4b:s0+s3], $0x80, v3, vm0, $0xb8;
	[tilespmem:$0x190B8] =	vst v63  }
0x5a: {  	v3 =	vld [tilespmem:$0x40];
	_ =	sdelay $0x4  }
0x5b: {  	v60 =	vshll.u32 v3, $0x1  }
0x5c: {  	v3 =	vand.u32 $0x7, v3;
	v4 =	vand.u32 $0xFFFFFFF0, v60  }
0x5d: {  	v3 =	vor.u32 v3, v4  }
0x5e: {  	v4 =	vperm.xlane v3, v0;
	_ =	sdelay $0x1  }
0x5f: {  	v3 =	vperm.xlane v3, v2;
	v4 =	vadd.s32 v1, v4;
	_ =	sdelay $0x1  }
0x60: {  	v3 =	vadd.s32 v1, v3;
	_ =	sdelay $0x1  }
0x61: {  	s8 =	simm.s32 $0x4400  }
0x62: {  	[tilespmem:s8], [sflag:$0x1] =	stream.indirect_vreg.gather [hbm4b:s0+s3], $0x80, v4, vm0, $0xb8;
	[tilespmem:$0x190B8] =	vst v63  }
0x63: {  	s10 =	simm.s32 $0x4C00  }
0x64: {  	[tilespmem:s10], [sflag:$0x1] =	stream.indirect_vreg.gather [hbm4b:s0+s3], $0x80, v3, vm0, $0xb8;
	[tilespmem:$0x190B8] =	vst v63  }
0x65: {  	v3 =	vld [tilespmem:$0x50];
	_ =	sdelay $0x4  }
0x66: {  	v61 =	vshll.u32 v3, $0x1  }
0x67: {  	v3 =	vand.u32 $0x7, v3;
	v4 =	vand.u32 $0xFFFFFFF0, v61  }
0x68: {  	v3 =	vor.u32 v3, v4  }
0x69: {  	v4 =	vperm.xlane v3, v0;
	_ =	sdelay $0x1  }
0x6a: {  	v3 =	vperm.xlane v3, v2;
	v4 =	vadd.s32 v1, v4;
	_ =	sdelay $0x1  }
0x6b: {  	v3 =	vadd.s32 v1, v3;
	_ =	sdelay $0x1  }
0x6c: {  	s19 =	simm.s32 $0x5400  }
0x6d: {  	[tilespmem:s19], [sflag:$0x1] =	stream.indirect_vreg.gather [hbm4b:s0+s3], $0x80, v4, vm0, $0xb8;
	[tilespmem:$0x190B8] =	vst v63  }
0x6e: {  	s26 =	simm.s32 $0x5C00  }
0x6f: {  	[tilespmem:s26], [sflag:$0x1] =	stream.indirect_vreg.gather [hbm4b:s0+s3], $0x80, v3, vm0, $0xb8;
	[tilespmem:$0x190B8] =	vst v63  }
0x70: {  	v3 =	vld [tilespmem:$0x60];
	_ =	sdelay $0x4  }
0x71: {  	v62 =	vshll.u32 v3, $0x1  }
0x72: {  	v3 =	vand.u32 $0x7, v3;
	v4 =	vand.u32 $0xFFFFFFF0, v62  }
0x73: {  	v3 =	vor.u32 v3, v4  }
0x74: {  	v4 =	vperm.xlane v3, v0;
	_ =	sdelay $0x1  }
0x75: {  	v3 =	vperm.xlane v3, v2;
	v4 =	vadd.s32 v1, v4;
	_ =	sdelay $0x1  }
0x76: {  	v3 =	vadd.s32 v1, v3;
	_ =	sdelay $0x1  }
0x77: {  	s29 =	simm.s32 $0x6400  }
0x78: {  	[tilespmem:s29], [sflag:$0x1] =	stream.indirect_vreg.gather [hbm4b:s0+s3], $0x80, v4, vm0, $0xb8;
	[tilespmem:$0x190B8] =	vst v63  }
0x79: {  	s31 =	simm.s32 $0x6C00  }
0x7a: {  	[tilespmem:s31], [sflag:$0x1] =	stream.indirect_vreg.gather [hbm4b:s0+s3], $0x80, v3, vm0, $0xb8;
	[tilespmem:$0x190B8] =	vst v63  }
0x7b: {  	v3 =	vld [tilespmem:$0x70];
	_ =	sdelay $0x4  }
0x7c: {  	v63 =	vshll.u32 v3, $0x1  }
0x7d: {  	v3 =	vand.u32 $0x7, v3;
	v4 =	vand.u32 $0xFFFFFFF0, v63  }
0x7e: {  	v3 =	vor.u32 v3, v4  }
0x7f: {  	v4 =	vperm.xlane v3, v0;
	_ =	sdelay $0x1  }
0x80: {  	v3 =	vperm.xlane v3, v2;
	v4 =	vadd.s32 v1, v4;
	_ =	sdelay $0x1  }
0x81: {  	v3 =	vadd.s32 v1, v3;
	_ =	sdelay $0x1  }
0x82: {  	s8 =	simm.s32 $0x7400  }
0x83: {  	[tilespmem:s8], [sflag:$0x1] =	stream.indirect_vreg.gather [hbm4b:s0+s3], $0x80, v4, vm0, $0xb8;
	[tilespmem:$0x190B8] =	vst v63  }
0x84: {  	s10 =	simm.s32 $0x7C00  }
0x85: {  	[tilespmem:s10], [sflag:$0x1] =	stream.indirect_vreg.gather [hbm4b:s0+s3], $0x80, v3, vm0, $0xb8;
	[tilespmem:$0x190B8] =	vst v63  }
0x86: {  	v3 =	vld [tilespmem:$0x80];
	_ =	sdelay $0x4  }
0x87: {  	v8 =	vshll.u32 v3, $0x1  }
0x88: {  	v3 =	vand.u32 $0x7, v3;
	v4 =	vand.u32 $0xFFFFFFF0, v8  }
0x89: {  	v3 =	vor.u32 v3, v4  }
0x8a: {  	v4 =	vperm.xlane v3, v0;
	_ =	sdelay $0x1  }
0x8b: {  	v3 =	vperm.xlane v3, v2;
	v4 =	vadd.s32 v1, v4;
	_ =	sdelay $0x1  }
0x8c: {  	v3 =	vadd.s32 v1, v3;
	_ =	sdelay $0x1  }
0x8d: {  	s1 =	simm.s32 $0x8400  }
0x8e: {  	[tilespmem:s1], [sflag:$0x2] =	stream.indirect_vreg.gather [hbm4b:s0+s3], $0x80, v4, vm0, $0xb8;
	[tilespmem:$0x190B8] =	vst v63  }
0x8f: {  	s8 =	simm.s32 $0x8C00  }
0x90: {  	[tilespmem:s8], [sflag:$0x2] =	stream.indirect_vreg.gather [hbm4b:s0+s3], $0x80, v3, vm0, $0xb8;
	[tilespmem:$0x190B8] =	vst v63  }
0x91: {  	v3 =	vld [tilespmem:$0x90];
	_ =	sdelay $0x4  }
0x92: {  	v9 =	vshll.u32 v3, $0x1  }
0x93: {  	v3 =	vand.u32 $0x7, v3;
	v4 =	vand.u32 $0xFFFFFFF0, v9  }
0x94: {  	v3 =	vor.u32 v3, v4  }
0x95: {  	v4 =	vperm.xlane v3, v0;
	_ =	sdelay $0x1  }
0x96: {  	v3 =	vperm.xlane v3, v2;
	v4 =	vadd.s32 v1, v4;
	_ =	sdelay $0x1  }
0x97: {  	v3 =	vadd.s32 v1, v3;
	_ =	sdelay $0x1  }
0x98: {  	s19 =	simm.s32 $0x9400  }
0x99: {  	[tilespmem:s19], [sflag:$0x2] =	stream.indirect_vreg.gather [hbm4b:s0+s3], $0x80, v4, vm0, $0xb8;
	[tilespmem:$0x190B8] =	vst v63  }
0x9a: {  	s26 =	simm.s32 $0x9C00  }
0x9b: {  	[tilespmem:s26], [sflag:$0x2] =	stream.indirect_vreg.gather [hbm4b:s0+s3], $0x80, v3, vm0, $0xb8;
	[tilespmem:$0x190B8] =	vst v63  }
0x9c: {  	v3 =	vld [tilespmem:$0xA0];
	_ =	sdelay $0x4  }
0x9d: {  	v10 =	vshll.u32 v3, $0x1  }
0x9e: {  	v3 =	vand.u32 $0x7, v3;
	v4 =	vand.u32 $0xFFFFFFF0, v10  }
0x9f: {  	v3 =	vor.u32 v3, v4  }
0xa0: {  	v4 =	vperm.xlane v3, v0;
	_ =	sdelay $0x1  }
0xa1: {  	v3 =	vperm.xlane v3, v2;
	v4 =	vadd.s32 v1, v4;
	_ =	sdelay $0x1  }
0xa2: {  	v3 =	vadd.s32 v1, v3;
	_ =	sdelay $0x1  }
0xa3: {  	s29 =	simm.s32 $0xA400  }
0xa4: {  	[tilespmem:s29], [sflag:$0x2] =	stream.indirect_vreg.gather [hbm4b:s0+s3], $0x80, v4, vm0, $0xb8;
	[tilespmem:$0x190B8] =	vst v63  }
0xa5: {  	s31 =	simm.s32 $0xAC00  }
0xa6: {  	[tilespmem:s31], [sflag:$0x2] =	stream.indirect_vreg.gather [hbm4b:s0+s3], $0x80, v3, vm0, $0xb8;
	[tilespmem:$0x190B8] =	vst v63  }
0xa7: {  	v3 =	vld [tilespmem:$0xB0];
	_ =	sdelay $0x4  }
0xa8: {  	v11 =	vshll.u32 v3, $0x1  }
0xa9: {  	v3 =	vand.u32 $0x7, v3;
	v4 =	vand.u32 $0xFFFFFFF0, v11  }
0xaa: {  	v3 =	vor.u32 v3, v4  }
0xab: {  	v4 =	vperm.xlane v3, v0;
	_ =	sdelay $0x1  }
0xac: {  	v3 =	vperm.xlane v3, v2;
	v4 =	vadd.s32 v1, v4;
	_ =	sdelay $0x1  }
0xad: {  	v3 =	vadd.s32 v1, v3;
	_ =	sdelay $0x1  }
0xae: {  	s10 =	simm.s32 $0xB400  }
0xaf: {  	[tilespmem:s10], [sflag:$0x2] =	stream.indirect_vreg.gather [hbm4b:s0+s3], $0x80, v4, vm0, $0xb8;
	[tilespmem:$0x190B8] =	vst v63  }
0xb0: {  	s19 =	simm.s32 $0xBC00  }
0xb1: {  	[tilespmem:s19], [sflag:$0x2] =	stream.indirect_vreg.gather [hbm4b:s0+s3], $0x80, v3, vm0, $0xb8;
	[tilespmem:$0x190B8] =	vst v63  }
0xb2: {  	v3 =	vld [tilespmem:$0xC0];
	_ =	sdelay $0x4  }
0xb3: {  	v12 =	vshll.u32 v3, $0x1  }
0xb4: {  	v3 =	vand.u32 $0x7, v3;
	v4 =	vand.u32 $0xFFFFFFF0, v12  }
0xb5: {  	v3 =	vor.u32 v3, v4  }
0xb6: {  	v4 =	vperm.xlane v3, v0;
	_ =	sdelay $0x1  }
0xb7: {  	v3 =	vperm.xlane v3, v2;
	v4 =	vadd.s32 v1, v4;
	_ =	sdelay $0x1  }
0xb8: {  	v3 =	vadd.s32 v1, v3;
	_ =	sdelay $0x1  }
0xb9: {  	s26 =	simm.s32 $0xC400  }
0xba: {  	[tilespmem:s26], [sflag:$0x2] =	stream.indirect_vreg.gather [hbm4b:s0+s3], $0x80, v4, vm0, $0xb8;
	[tilespmem:$0x190B8] =	vst v63  }
0xbb: {  	s29 =	simm.s32 $0xCC00  }
0xbc: {  	[tilespmem:s29], [sflag:$0x2] =	stream.indirect_vreg.gather [hbm4b:s0+s3], $0x80, v3, vm0, $0xb8;
	[tilespmem:$0x190B8] =	vst v63  }
0xbd: {  	v3 =	vld [tilespmem:$0xD0];
	_ =	sdelay $0x4  }
0xbe: {  	v13 =	vshll.u32 v3, $0x1  }
0xbf: {  	v3 =	vand.u32 $0x7, v3;
	v4 =	vand.u32 $0xFFFFFFF0, v13  }
0xc0: {  	v3 =	vor.u32 v3, v4  }
0xc1: {  	v4 =	vperm.xlane v3, v0;
	_ =	sdelay $0x1  }
0xc2: {  	v3 =	vperm.xlane v3, v2;
	v4 =	vadd.s32 v1, v4;
	_ =	sdelay $0x1  }
0xc3: {  	v3 =	vadd.s32 v1, v3;
	_ =	sdelay $0x1  }
0xc4: {  	s31 =	simm.s32 $0xD400  }
0xc5: {  	[tilespmem:s31], [sflag:$0x2] =	stream.indirect_vreg.gather [hbm4b:s0+s3], $0x80, v4, vm0, $0xb8;
	[tilespmem:$0x190B8] =	vst v63  }
0xc6: {  	s10 =	simm.s32 $0xDC00  }
0xc7: {  	[tilespmem:s10], [sflag:$0x2] =	stream.indirect_vreg.gather [hbm4b:s0+s3], $0x80, v3, vm0, $0xb8;
	[tilespmem:$0x190B8] =	vst v63  }
0xc8: {  	v3 =	vld [tilespmem:$0xE0];
	_ =	sdelay $0x4  }
0xc9: {  	v14 =	vshll.u32 v3, $0x1  }
0xca: {  	v3 =	vand.u32 $0x7, v3;
	v4 =	vand.u32 $0xFFFFFFF0, v14  }
0xcb: {  	v3 =	vor.u32 v3, v4  }
0xcc: {  	v4 =	vperm.xlane v3, v0;
	_ =	sdelay $0x1  }
0xcd: {  	v3 =	vperm.xlane v3, v2;
	v4 =	vadd.s32 v1, v4;
	_ =	sdelay $0x1  }
0xce: {  	v3 =	vadd.s32 v1, v3;
	_ =	sdelay $0x1  }
0xcf: {  	s19 =	simm.s32 $0xE400  }
0xd0: {  	[tilespmem:s19], [sflag:$0x2] =	stream.indirect_vreg.gather [hbm4b:s0+s3], $0x80, v4, vm0, $0xb8;
	[tilespmem:$0x190B8] =	vst v63  }
0xd1: {  	s26 =	simm.s32 $0xEC00  }
0xd2: {  	[tilespmem:s26], [sflag:$0x2] =	stream.indirect_vreg.gather [hbm4b:s0+s3], $0x80, v3, vm0, $0xb8;
	[tilespmem:$0x190B8] =	vst v63  }
0xd3: {  	v3 =	vld [tilespmem:$0xF0];
	_ =	sdelay $0x4  }
0xd4: {  	v15 =	vshll.u32 v3, $0x1  }
0xd5: {  	v3 =	vand.u32 $0x7, v3;
	v4 =	vand.u32 $0xFFFFFFF0, v15  }
0xd6: {  	v3 =	vor.u32 v3, v4  }
0xd7: {  	v4 =	vperm.xlane v3, v0;
	_ =	sdelay $0x1  }
0xd8: {  	v3 =	vperm.xlane v3, v2;
	v4 =	vadd.s32 v1, v4;
	_ =	sdelay $0x1  }
0xd9: {  	v3 =	vadd.s32 v1, v3;
	_ =	sdelay $0x1  }
0xda: {  	s29 =	simm.s32 $0xF400  }
0xdb: {  	[tilespmem:s29], [sflag:$0x2] =	stream.indirect_vreg.gather [hbm4b:s0+s3], $0x80, v4, vm0, $0xb8;
	[tilespmem:$0x190B8] =	vst v63  }
0xdc: {  	s31 =	simm.s32 $0xFC00  }
0xdd: {  	[tilespmem:s31], [sflag:$0x2] =	stream.indirect_vreg.gather [hbm4b:s0+s3], $0x80, v3, vm0, $0xb8;
	[tilespmem:$0x190B8] =	vst v63  }
0xde: {  	v3 =	vld [tilespmem:$0x100];
	_ =	sdelay $0x4  }
0xdf: {  	v16 =	vshll.u32 v3, $0x1  }
0xe0: {  	v3 =	vand.u32 $0x7, v3;
	v4 =	vand.u32 $0xFFFFFFF0, v16  }
0xe1: {  	v3 =	vor.u32 v3, v4  }
0xe2: {  	v4 =	vperm.xlane v3, v0;
	_ =	sdelay $0x1  }
0xe3: {  	v3 =	vperm.xlane v3, v2;
	v4 =	vadd.s32 v1, v4;
	_ =	sdelay $0x1  }
0xe4: {  	v3 =	vadd.s32 v1, v3;
	_ =	sdelay $0x1  }
0xe5: {  	s10 =	simm.s32 $0x10400  }
0xe6: {  	[tilespmem:s10], [sflag:$0x3] =	stream.indirect_vreg.gather [hbm4b:s0+s3], $0x80, v4, vm0, $0xb8;
	[tilespmem:$0x190B8] =	vst v63  }
0xe7: {  	_ = 	snop  }
0xe8: {  	[tilespmem:s23], [sflag:$0x3] =	stream.indirect_vreg.gather [hbm4b:s0+s3], $0x80, v3, vm0, $0xb8;
	[tilespmem:$0x190B8] =	vst v63  }
0xe9: {  	v3 =	vld [tilespmem:$0x110];
	_ =	sdelay $0x4  }
0xea: {  	v17 =	vshll.u32 v3, $0x1  }
0xeb: {  	v3 =	vand.u32 $0x7, v3;
	v4 =	vand.u32 $0xFFFFFFF0, v17  }
0xec: {  	v3 =	vor.u32 v3, v4  }
0xed: {  	v4 =	vperm.xlane v3, v0;
	_ =	sdelay $0x1  }
0xee: {  	v3 =	vperm.xlane v3, v2;
	v4 =	vadd.s32 v1, v4;
	_ =	sdelay $0x1  }
0xef: {  	v3 =	vadd.s32 v1, v3;
	_ =	sdelay $0x1  }
0xf0: {  	s8 =	simm.s32 $0x11400  }
0xf1: {  	[tilespmem:s8], [sflag:$0x3] =	stream.indirect_vreg.gather [hbm4b:s0+s3], $0x80, v4, vm0, $0xb8;
	[tilespmem:$0x190B8] =	vst v63  }
0xf2: {  	s10 =	simm.s32 $0x11C00  }
0xf3: {  	[tilespmem:s10], [sflag:$0x3] =	stream.indirect_vreg.gather [hbm4b:s0+s3], $0x80, v3, vm0, $0xb8;
	[tilespmem:$0x190B8] =	vst v63  }
0xf4: {  	v3 =	vld [tilespmem:$0x120];
	_ =	sdelay $0x4  }
0xf5: {  	v18 =	vshll.u32 v3, $0x1  }
0xf6: {  	v3 =	vand.u32 $0x7, v3;
	v4 =	vand.u32 $0xFFFFFFF0, v18  }
0xf7: {  	v3 =	vor.u32 v3, v4  }
0xf8: {  	v4 =	vperm.xlane v3, v0;
	_ =	sdelay $0x1  }
0xf9: {  	v3 =	vperm.xlane v3, v2;
	v4 =	vadd.s32 v1, v4;
	_ =	sdelay $0x1  }
0xfa: {  	v3 =	vadd.s32 v1, v3;
	_ =	sdelay $0x1  }
0xfb: {  	s10 =	simm.s32 $0x12400  }
0xfc: {  	[tilespmem:s10], [sflag:$0x3] =	stream.indirect_vreg.gather [hbm4b:s0+s3], $0x80, v4, vm0, $0xb8;
	[tilespmem:$0x190B8] =	vst v63  }
0xfd: {  	_ = 	snop  }
0xfe: {  	[tilespmem:s11], [sflag:$0x3] =	stream.indirect_vreg.gather [hbm4b:s0+s3], $0x80, v3, vm0, $0xb8;
	[tilespmem:$0x190B8] =	vst v63  }
0xff: {  	v3 =	vld [tilespmem:$0x130];
	_ =	sdelay $0x4  }
0x100: {  	v19 =	vshll.u32 v3, $0x1  }
0x101: {  	v3 =	vand.u32 $0x7, v3;
	v4 =	vand.u32 $0xFFFFFFF0, v19  }
0x102: {  	v3 =	vor.u32 v3, v4  }
0x103: {  	v4 =	vperm.xlane v3, v0;
	_ =	sdelay $0x1  }
0x104: {  	v3 =	vperm.xlane v3, v2;
	v4 =	vadd.s32 v1, v4;
	_ =	sdelay $0x1  }
0x105: {  	v3 =	vadd.s32 v1, v3;
	_ =	sdelay $0x2  }
0x106: {  	[tilespmem:s12], [sflag:$0x3] =	stream.indirect_vreg.gather [hbm4b:s0+s3], $0x80, v4, vm0, $0xb8;
	[tilespmem:$0x190B8] =	vst v63  }
0x107: {  	_ = 	snop  }
0x108: {  	[tilespmem:s13], [sflag:$0x3] =	stream.indirect_vreg.gather [hbm4b:s0+s3], $0x80, v3, vm0, $0xb8;
	[tilespmem:$0x190B8] =	vst v63  }
0x109: {  	v3 =	vld [tilespmem:$0x140];
	_ =	sdelay $0x4  }
0x10a: {  	v20 =	vshll.u32 v3, $0x1  }
0x10b: {  	v3 =	vand.u32 $0x7, v3;
	v4 =	vand.u32 $0xFFFFFFF0, v20  }
0x10c: {  	v3 =	vor.u32 v3, v4  }
0x10d: {  	v4 =	vperm.xlane v3, v0;
	_ =	sdelay $0x1  }
0x10e: {  	v3 =	vperm.xlane v3, v2;
	v4 =	vadd.s32 v1, v4;
	_ =	sdelay $0x1  }
0x10f: {  	v3 =	vadd.s32 v1, v3;
	_ =	sdelay $0x2  }
0x110: {  	[tilespmem:s14], [sflag:$0x3] =	stream.indirect_vreg.gather [hbm4b:s0+s3], $0x80, v4, vm0, $0xb8;
	[tilespmem:$0x190B8] =	vst v63  }
0x111: {  	_ = 	snop  }
0x112: {  	[tilespmem:s15], [sflag:$0x3] =	stream.indirect_vreg.gather [hbm4b:s0+s3], $0x80, v3, vm0, $0xb8;
	[tilespmem:$0x190B8] =	vst v63  }
0x113: {  	v3 =	vld [tilespmem:$0x150];
	_ =	sdelay $0x4  }
0x114: {  	v21 =	vshll.u32 v3, $0x1  }
0x115: {  	v3 =	vand.u32 $0x7, v3;
	v4 =	vand.u32 $0xFFFFFFF0, v21  }
0x116: {  	v3 =	vor.u32 v3, v4  }
0x117: {  	v4 =	vperm.xlane v3, v0;
	_ =	sdelay $0x1  }
0x118: {  	v3 =	vperm.xlane v3, v2;
	v4 =	vadd.s32 v1, v4;
	_ =	sdelay $0x1  }
0x119: {  	v3 =	vadd.s32 v1, v3;
	_ =	sdelay $0x2  }
0x11a: {  	[tilespmem:s16], [sflag:$0x3] =	stream.indirect_vreg.gather [hbm4b:s0+s3], $0x80, v4, vm0, $0xb8;
	[tilespmem:$0x190B8] =	vst v63  }
0x11b: {  	_ = 	snop  }
0x11c: {  	[tilespmem:s28], [sflag:$0x3] =	stream.indirect_vreg.gather [hbm4b:s0+s3], $0x80, v3, vm0, $0xb8;
	[tilespmem:$0x190B8] =	vst v63  }
0x11d: {  	v3 =	vld [tilespmem:$0x160];
	_ =	sdelay $0x4  }
0x11e: {  	v22 =	vshll.u32 v3, $0x1  }
0x11f: {  	v3 =	vand.u32 $0x7, v3;
	v4 =	vand.u32 $0xFFFFFFF0, v22  }
0x120: {  	v3 =	vor.u32 v3, v4  }
0x121: {  	v4 =	vperm.xlane v3, v0;
	_ =	sdelay $0x1  }
0x122: {  	v3 =	vperm.xlane v3, v2;
	v4 =	vadd.s32 v1, v4;
	_ =	sdelay $0x1  }
0x123: {  	v3 =	vadd.s32 v1, v3;
	_ =	sdelay $0x2  }
0x124: {  	[tilespmem:s25], [sflag:$0x3] =	stream.indirect_vreg.gather [hbm4b:s0+s3], $0x80, v4, vm0, $0xb8;
	[tilespmem:$0x190B8] =	vst v63  }
0x125: {  	s26 =	simm.s32 $0x16C00  }
0x126: {  	[tilespmem:s26], [sflag:$0x3] =	stream.indirect_vreg.gather [hbm4b:s0+s3], $0x80, v3, vm0, $0xb8;
	[tilespmem:$0x190B8] =	vst v63  }
0x127: {  	v3 =	vld [tilespmem:$0x170];
	_ =	sdelay $0x4  }
0x128: {  	v23 =	vshll.u32 v3, $0x1  }
0x129: {  	v3 =	vand.u32 $0x7, v3;
	v4 =	vand.u32 $0xFFFFFFF0, v23  }
0x12a: {  	v3 =	vor.u32 v3, v4  }
0x12b: {  	v4 =	vperm.xlane v3, v0;
	_ =	sdelay $0x1  }
0x12c: {  	v3 =	vperm.xlane v3, v2;
	v4 =	vadd.s32 v1, v4;
	_ =	sdelay $0x1  }
0x12d: {  	v3 =	vadd.s32 v1, v3;
	_ =	sdelay $0x1  }
0x12e: {  	s31 =	simm.s32 $0x17400  }
0x12f: {  	[tilespmem:s31], [sflag:$0x3] =	stream.indirect_vreg.gather [hbm4b:s0+s3], $0x80, v4, vm0, $0xb8;
	[tilespmem:$0x190B8] =	vst v63  }
0x130: {  	_ = 	snop  }
0x131: {  	[tilespmem:s17], [sflag:$0x3] =	stream.indirect_vreg.gather [hbm4b:s0+s3], $0x80, v3, vm0, $0xb8;
	[tilespmem:$0x190B8] =	vst v63  }
0x132: {  	_ =	swait.ge [sflag:s18], $0x8000  }
0x133: {  	[sflag:s18] =	ssyncset.done $0x0  }
0x134: {  	s2 =	simm.s32 $0x400;
	s19 =	rddreg [dreg:$0xa];
	[sflag:s18] =	ssyncadd.s32 $0xFFFF8000  }
0x135: {  	[hbm4b:s19+s3] =	stream.linear.scatter [tilespmem:s2], [sflag:$0x4], $0x8000, $0x38;
	[tilespmem:$0x190B8] =	vst v63  }
0x136: {  	s19 =	rddreg [dreg:$0x5]  }
0x137: {  	[spmem:s19] =	stream.indirect.scatter.add.f32 [tilespmem:s6], [sflag:$0x7], $0x1, s3, s9, $0xb8;
	[tilespmem:$0x190B8] =	vst v63  }
0x138: {  	_ =	swait.ge [sflag:s7], $0x80  }
0x139: {  	[sflag:s7] =	ssyncset.done $0x0  }
0x13a: {  	[sflag:s7] =	ssyncadd.s32 $0xFFFFFF80  }
0x13b: {  	_ =	swait.ge [sflag:s20], $0x8000  }
0x13c: {  	[sflag:s20] =	ssyncset.done $0x0  }
0x13d: {  	[sflag:s20] =	ssyncadd.s32 $0xFFFF8000  }
0x13e: {  	v3 =	vld [tilespmem:$0x180];
	_ =	sdelay $0x4  }
0x13f: {  	v24 =	vshll.u32 v3, $0x1  }
0x140: {  	v3 =	vand.u32 $0x7, v3;
	v4 =	vand.u32 $0xFFFFFFF0, v24  }
0x141: {  	v3 =	vor.u32 v3, v4  }
0x142: {  	v4 =	vperm.xlane v3, v0;
	_ =	sdelay $0x1  }
0x143: {  	v3 =	vperm.xlane v3, v2;
	v4 =	vadd.s32 v1, v4;
	_ =	sdelay $0x1  }
0x144: {  	v3 =	vadd.s32 v1, v3;
	_ =	sdelay $0x2  }
0x145: {  	[tilespmem:s2], [sflag:$0x1] =	stream.indirect_vreg.gather [hbm4b:s0+s3], $0x80, v4, vm0, $0xb8;
	[tilespmem:$0x190B8] =	vst v63  }
0x146: {  	s5 =	simm.s32 $0xC00  }
0x147: {  	[tilespmem:s5], [sflag:$0x1] =	stream.indirect_vreg.gather [hbm4b:s0+s3], $0x80, v3, vm0, $0xb8;
	[tilespmem:$0x190B8] =	vst v63  }
0x148: {  	v3 =	vld [tilespmem:$0x190];
	_ =	sdelay $0x4  }
0x149: {  	v25 =	vshll.u32 v3, $0x1  }
0x14a: {  	v3 =	vand.u32 $0x7, v3;
	v4 =	vand.u32 $0xFFFFFFF0, v25  }
0x14b: {  	v3 =	vor.u32 v3, v4  }
0x14c: {  	v4 =	vperm.xlane v3, v0;
	_ =	sdelay $0x1  }
0x14d: {  	v3 =	vperm.xlane v3, v2;
	v4 =	vadd.s32 v1, v4;
	_ =	sdelay $0x1  }
0x14e: {  	v3 =	vadd.s32 v1, v3;
	_ =	sdelay $0x1  }
0x14f: {  	s5 =	simm.s32 $0x1400  }
0x150: {  	[tilespmem:s5], [sflag:$0x1] =	stream.indirect_vreg.gather [hbm4b:s0+s3], $0x80, v4, vm0, $0xb8;
	[tilespmem:$0x190B8] =	vst v63  }
0x151: {  	s24 =	simm.s32 $0x1C00  }
0x152: {  	[tilespmem:s24], [sflag:$0x1] =	stream.indirect_vreg.gather [hbm4b:s0+s3], $0x80, v3, vm0, $0xb8;
	[tilespmem:$0x190B8] =	vst v63  }
0x153: {  	v3 =	vld [tilespmem:$0x1A0];
	_ =	sdelay $0x4  }
0x154: {  	v26 =	vshll.u32 v3, $0x1  }
0x155: {  	v3 =	vand.u32 $0x7, v3;
	v4 =	vand.u32 $0xFFFFFFF0, v26  }
0x156: {  	v3 =	vor.u32 v3, v4  }
0x157: {  	v4 =	vperm.xlane v3, v0;
	_ =	sdelay $0x1  }
0x158: {  	v3 =	vperm.xlane v3, v2;
	v4 =	vadd.s32 v1, v4;
	_ =	sdelay $0x1  }
0x159: {  	v3 =	vadd.s32 v1, v3;
	_ =	sdelay $0x1  }
0x15a: {  	s24 =	simm.s32 $0x2400  }
0x15b: {  	[tilespmem:s24], [sflag:$0x1] =	stream.indirect_vreg.gather [hbm4b:s0+s3], $0x80, v4, vm0, $0xb8;
	[tilespmem:$0x190B8] =	vst v63  }
0x15c: {  	s30 =	simm.s32 $0x2C00  }
0x15d: {  	[tilespmem:s30], [sflag:$0x1] =	stream.indirect_vreg.gather [hbm4b:s0+s3], $0x80, v3, vm0, $0xb8;
	[tilespmem:$0x190B8] =	vst v63  }
0x15e: {  	v3 =	vld [tilespmem:$0x1B0];
	_ =	sdelay $0x4  }
0x15f: {  	v27 =	vshll.u32 v3, $0x1  }
0x160: {  	v3 =	vand.u32 $0x7, v3;
	v4 =	vand.u32 $0xFFFFFFF0, v27  }
0x161: {  	v3 =	vor.u32 v3, v4  }
0x162: {  	v4 =	vperm.xlane v3, v0;
	_ =	sdelay $0x1  }
0x163: {  	v3 =	vperm.xlane v3, v2;
	v4 =	vadd.s32 v1, v4;
	_ =	sdelay $0x1  }
0x164: {  	v3 =	vadd.s32 v1, v3;
	_ =	sdelay $0x1  }
0x165: {  	s29 =	simm.s32 $0x3400  }
0x166: {  	[tilespmem:s29], [sflag:$0x1] =	stream.indirect_vreg.gather [hbm4b:s0+s3], $0x80, v4, vm0, $0xb8;
	[tilespmem:$0x190B8] =	vst v63  }
0x167: {  	s30 =	simm.s32 $0x3C00  }
0x168: {  	[tilespmem:s30], [sflag:$0x1] =	stream.indirect_vreg.gather [hbm4b:s0+s3], $0x80, v3, vm0, $0xb8;
	[tilespmem:$0x190B8] =	vst v63  }
0x169: {  	v3 =	vld [tilespmem:$0x1C0];
	_ =	sdelay $0x4  }
0x16a: {  	v28 =	vshll.u32 v3, $0x1  }
0x16b: {  	v3 =	vand.u32 $0x7, v3;
	v4 =	vand.u32 $0xFFFFFFF0, v28  }
0x16c: {  	v3 =	vor.u32 v3, v4  }
0x16d: {  	v4 =	vperm.xlane v3, v0;
	_ =	sdelay $0x1  }
0x16e: {  	v3 =	vperm.xlane v3, v2;
	v4 =	vadd.s32 v1, v4;
	_ =	sdelay $0x1  }
0x16f: {  	v3 =	vadd.s32 v1, v3;
	_ =	sdelay $0x1  }
0x170: {  	s5 =	simm.s32 $0x4400  }
0x171: {  	[tilespmem:s5], [sflag:$0x1] =	stream.indirect_vreg.gather [hbm4b:s0+s3], $0x80, v4, vm0, $0xb8;
	[tilespmem:$0x190B8] =	vst v63  }
0x172: {  	s24 =	simm.s32 $0x4C00  }
0x173: {  	[tilespmem:s24], [sflag:$0x1] =	stream.indirect_vreg.gather [hbm4b:s0+s3], $0x80, v3, vm0, $0xb8;
	[tilespmem:$0x190B8] =	vst v63  }
0x174: {  	v3 =	vld [tilespmem:$0x1D0];
	_ =	sdelay $0x4  }
0x175: {  	v29 =	vshll.u32 v3, $0x1  }
0x176: {  	v3 =	vand.u32 $0x7, v3;
	v4 =	vand.u32 $0xFFFFFFF0, v29  }
0x177: {  	v3 =	vor.u32 v3, v4  }
0x178: {  	v4 =	vperm.xlane v3, v0;
	_ =	sdelay $0x1  }
0x179: {  	v3 =	vperm.xlane v3, v2;
	v4 =	vadd.s32 v1, v4;
	_ =	sdelay $0x1  }
0x17a: {  	v3 =	vadd.s32 v1, v3;
	_ =	sdelay $0x1  }
0x17b: {  	s29 =	simm.s32 $0x5400  }
0x17c: {  	[tilespmem:s29], [sflag:$0x1] =	stream.indirect_vreg.gather [hbm4b:s0+s3], $0x80, v4, vm0, $0xb8;
	[tilespmem:$0x190B8] =	vst v63  }
0x17d: {  	s30 =	simm.s32 $0x5C00  }
0x17e: {  	[tilespmem:s30], [sflag:$0x1] =	stream.indirect_vreg.gather [hbm4b:s0+s3], $0x80, v3, vm0, $0xb8;
	[tilespmem:$0x190B8] =	vst v63  }
0x17f: {  	v3 =	vld [tilespmem:$0x1E0];
	_ =	sdelay $0x4  }
0x180: {  	v30 =	vshll.u32 v3, $0x1  }
0x181: {  	v3 =	vand.u32 $0x7, v3;
	v4 =	vand.u32 $0xFFFFFFF0, v30  }
0x182: {  	v3 =	vor.u32 v3, v4  }
0x183: {  	v4 =	vperm.xlane v3, v0;
	_ =	sdelay $0x1  }
0x184: {  	v3 =	vperm.xlane v3, v2;
	v4 =	vadd.s32 v1, v4;
	_ =	sdelay $0x1  }
0x185: {  	v3 =	vadd.s32 v1, v3;
	_ =	sdelay $0x1  }
0x186: {  	s5 =	simm.s32 $0x6400  }
0x187: {  	[tilespmem:s5], [sflag:$0x1] =	stream.indirect_vreg.gather [hbm4b:s0+s3], $0x80, v4, vm0, $0xb8;
	[tilespmem:$0x190B8] =	vst v63  }
0x188: {  	s24 =	simm.s32 $0x6C00  }
0x189: {  	[tilespmem:s24], [sflag:$0x1] =	stream.indirect_vreg.gather [hbm4b:s0+s3], $0x80, v3, vm0, $0xb8;
	[tilespmem:$0x190B8] =	vst v63  }
0x18a: {  	v3 =	vld [tilespmem:$0x1F0];
	_ =	sdelay $0x4  }
0x18b: {  	v31 =	vshll.u32 v3, $0x1  }
0x18c: {  	v3 =	vand.u32 $0x7, v3;
	v4 =	vand.u32 $0xFFFFFFF0, v31  }
0x18d: {  	v3 =	vor.u32 v3, v4  }
0x18e: {  	v4 =	vperm.xlane v3, v0;
	_ =	sdelay $0x1  }
0x18f: {  	v3 =	vperm.xlane v3, v2;
	v4 =	vadd.s32 v1, v4;
	_ =	sdelay $0x1  }
0x190: {  	v3 =	vadd.s32 v1, v3;
	_ =	sdelay $0x1  }
0x191: {  	s29 =	simm.s32 $0x7400  }
0x192: {  	[tilespmem:s29], [sflag:$0x1] =	stream.indirect_vreg.gather [hbm4b:s0+s3], $0x80, v4, vm0, $0xb8;
	[tilespmem:$0x190B8] =	vst v63  }
0x193: {  	s30 =	simm.s32 $0x7C00  }
0x194: {  	[tilespmem:s30], [sflag:$0x1] =	stream.indirect_vreg.gather [hbm4b:s0+s3], $0x80, v3, vm0, $0xb8;
	[tilespmem:$0x190B8] =	vst v63  }
0x195: {  	_ =	swait.ge [sflag:s21], $0x8000  }
0x196: {  	[sflag:s21] =	ssyncset.done $0x0  }
0x197: {  	s5 =	rddreg [dreg:$0xb];
	[sflag:s21] =	ssyncadd.s32 $0xFFFF8000  }
0x198: {  	[hbm4b:s5+s3] =	stream.linear.scatter [tilespmem:s1], [sflag:$0x5], $0x8000, $0x38;
	[tilespmem:$0x190B8] =	vst v63  }
0x199: {  	_ = 	snop  }
0x19a: {  	[spmem:s19] =	stream.indirect.scatter.add.f32 [tilespmem:s6], [sflag:$0x7], $0x1, s9, s9, $0xb8;
	[tilespmem:$0x190B8] =	vst v63  }
0x19b: {  	_ =	swait.ge [sflag:s7], $0x80  }
0x19c: {  	[sflag:s7] =	ssyncset.done $0x0  }
0x19d: {  	[sflag:s7] =	ssyncadd.s32 $0xFFFFFF80  }
0x19e: {  	_ =	swait.ge [sflag:s22], $0x8000  }
0x19f: {  	[sflag:s22] =	ssyncset.done $0x0  }
0x1a0: {  	[sflag:s22] =	ssyncadd.s32 $0xFFFF8000  }
0x1a1: {  	v3 =	vld [tilespmem:$0x200];
	_ =	sdelay $0x4  }
0x1a2: {  	v32 =	vshll.u32 v3, $0x1  }
0x1a3: {  	v3 =	vand.u32 $0x7, v3;
	v4 =	vand.u32 $0xFFFFFFF0, v32  }
0x1a4: {  	v3 =	vor.u32 v3, v4  }
0x1a5: {  	v4 =	vperm.xlane v3, v0;
	_ =	sdelay $0x1  }
0x1a6: {  	v3 =	vperm.xlane v3, v2;
	v4 =	vadd.s32 v1, v4;
	_ =	sdelay $0x1  }
0x1a7: {  	v3 =	vadd.s32 v1, v3;
	_ =	sdelay $0x2  }
0x1a8: {  	[tilespmem:s1], [sflag:$0x2] =	stream.indirect_vreg.gather [hbm4b:s0+s3], $0x80, v4, vm0, $0xb8;
	[tilespmem:$0x190B8] =	vst v63  }
0x1a9: {  	s24 =	simm.s32 $0x8C00  }
0x1aa: {  	[tilespmem:s24], [sflag:$0x2] =	stream.indirect_vreg.gather [hbm4b:s0+s3], $0x80, v3, vm0, $0xb8;
	[tilespmem:$0x190B8] =	vst v63  }
0x1ab: {  	v3 =	vld [tilespmem:$0x210];
	_ =	sdelay $0x4  }
0x1ac: {  	v33 =	vshll.u32 v3, $0x1  }
0x1ad: {  	v3 =	vand.u32 $0x7, v3;
	v4 =	vand.u32 $0xFFFFFFF0, v33  }
0x1ae: {  	v3 =	vor.u32 v3, v4  }
0x1af: {  	v4 =	vperm.xlane v3, v0;
	_ =	sdelay $0x1  }
0x1b0: {  	v3 =	vperm.xlane v3, v2;
	v4 =	vadd.s32 v1, v4;
	_ =	sdelay $0x1  }
0x1b1: {  	v3 =	vadd.s32 v1, v3;
	_ =	sdelay $0x1  }
0x1b2: {  	s29 =	simm.s32 $0x9400  }
0x1b3: {  	[tilespmem:s29], [sflag:$0x2] =	stream.indirect_vreg.gather [hbm4b:s0+s3], $0x80, v4, vm0, $0xb8;
	[tilespmem:$0x190B8] =	vst v63  }
0x1b4: {  	s30 =	simm.s32 $0x9C00  }
0x1b5: {  	[tilespmem:s30], [sflag:$0x2] =	stream.indirect_vreg.gather [hbm4b:s0+s3], $0x80, v3, vm0, $0xb8;
	[tilespmem:$0x190B8] =	vst v63  }
0x1b6: {  	v3 =	vld [tilespmem:$0x220];
	_ =	sdelay $0x4  }
0x1b7: {  	v34 =	vshll.u32 v3, $0x1  }
0x1b8: {  	v3 =	vand.u32 $0x7, v3;
	v4 =	vand.u32 $0xFFFFFFF0, v34  }
0x1b9: {  	v3 =	vor.u32 v3, v4  }
0x1ba: {  	v4 =	vperm.xlane v3, v0;
	_ =	sdelay $0x1  }
0x1bb: {  	v3 =	vperm.xlane v3, v2;
	v4 =	vadd.s32 v1, v4;
	_ =	sdelay $0x1  }
0x1bc: {  	v3 =	vadd.s32 v1, v3;
	_ =	sdelay $0x1  }
0x1bd: {  	s5 =	simm.s32 $0xA400  }
0x1be: {  	[tilespmem:s5], [sflag:$0x2] =	stream.indirect_vreg.gather [hbm4b:s0+s3], $0x80, v4, vm0, $0xb8;
	[tilespmem:$0x190B8] =	vst v63  }
0x1bf: {  	s24 =	simm.s32 $0xAC00  }
0x1c0: {  	[tilespmem:s24], [sflag:$0x2] =	stream.indirect_vreg.gather [hbm4b:s0+s3], $0x80, v3, vm0, $0xb8;
	[tilespmem:$0x190B8] =	vst v63  }
0x1c1: {  	v3 =	vld [tilespmem:$0x230];
	_ =	sdelay $0x4  }
0x1c2: {  	v35 =	vshll.u32 v3, $0x1  }
0x1c3: {  	v3 =	vand.u32 $0x7, v3;
	v4 =	vand.u32 $0xFFFFFFF0, v35  }
0x1c4: {  	v3 =	vor.u32 v3, v4  }
0x1c5: {  	v4 =	vperm.xlane v3, v0;
	_ =	sdelay $0x1  }
0x1c6: {  	v3 =	vperm.xlane v3, v2;
	v4 =	vadd.s32 v1, v4;
	_ =	sdelay $0x1  }
0x1c7: {  	v3 =	vadd.s32 v1, v3;
	_ =	sdelay $0x1  }
0x1c8: {  	s29 =	simm.s32 $0xB400  }
0x1c9: {  	[tilespmem:s29], [sflag:$0x2] =	stream.indirect_vreg.gather [hbm4b:s0+s3], $0x80, v4, vm0, $0xb8;
	[tilespmem:$0x190B8] =	vst v63  }
0x1ca: {  	s30 =	simm.s32 $0xBC00  }
0x1cb: {  	[tilespmem:s30], [sflag:$0x2] =	stream.indirect_vreg.gather [hbm4b:s0+s3], $0x80, v3, vm0, $0xb8;
	[tilespmem:$0x190B8] =	vst v63  }
0x1cc: {  	v3 =	vld [tilespmem:$0x240];
	_ =	sdelay $0x4  }
0x1cd: {  	v36 =	vshll.u32 v3, $0x1  }
0x1ce: {  	v3 =	vand.u32 $0x7, v3;
	v4 =	vand.u32 $0xFFFFFFF0, v36  }
0x1cf: {  	v3 =	vor.u32 v3, v4  }
0x1d0: {  	v4 =	vperm.xlane v3, v0;
	_ =	sdelay $0x1  }
0x1d1: {  	v3 =	vperm.xlane v3, v2;
	v4 =	vadd.s32 v1, v4;
	_ =	sdelay $0x1  }
0x1d2: {  	v3 =	vadd.s32 v1, v3;
	_ =	sdelay $0x1  }
0x1d3: {  	s5 =	simm.s32 $0xC400  }
0x1d4: {  	[tilespmem:s5], [sflag:$0x2] =	stream.indirect_vreg.gather [hbm4b:s0+s3], $0x80, v4, vm0, $0xb8;
	[tilespmem:$0x190B8] =	vst v63  }
0x1d5: {  	s24 =	simm.s32 $0xCC00  }
0x1d6: {  	[tilespmem:s24], [sflag:$0x2] =	stream.indirect_vreg.gather [hbm4b:s0+s3], $0x80, v3, vm0, $0xb8;
	[tilespmem:$0x190B8] =	vst v63  }
0x1d7: {  	v3 =	vld [tilespmem:$0x250];
	_ =	sdelay $0x4  }
0x1d8: {  	v37 =	vshll.u32 v3, $0x1  }
0x1d9: {  	v3 =	vand.u32 $0x7, v3;
	v4 =	vand.u32 $0xFFFFFFF0, v37  }
0x1da: {  	v3 =	vor.u32 v3, v4  }
0x1db: {  	v4 =	vperm.xlane v3, v0;
	_ =	sdelay $0x1  }
0x1dc: {  	v3 =	vperm.xlane v3, v2;
	v4 =	vadd.s32 v1, v4;
	_ =	sdelay $0x1  }
0x1dd: {  	v3 =	vadd.s32 v1, v3;
	_ =	sdelay $0x1  }
0x1de: {  	s29 =	simm.s32 $0xD400  }
0x1df: {  	[tilespmem:s29], [sflag:$0x2] =	stream.indirect_vreg.gather [hbm4b:s0+s3], $0x80, v4, vm0, $0xb8;
	[tilespmem:$0x190B8] =	vst v63  }
0x1e0: {  	s30 =	simm.s32 $0xDC00  }
0x1e1: {  	[tilespmem:s30], [sflag:$0x2] =	stream.indirect_vreg.gather [hbm4b:s0+s3], $0x80, v3, vm0, $0xb8;
	[tilespmem:$0x190B8] =	vst v63  }
0x1e2: {  	v3 =	vld [tilespmem:$0x260];
	_ =	sdelay $0x4  }
0x1e3: {  	v38 =	vshll.u32 v3, $0x1  }
0x1e4: {  	v3 =	vand.u32 $0x7, v3;
	v4 =	vand.u32 $0xFFFFFFF0, v38  }
0x1e5: {  	v3 =	vor.u32 v3, v4  }
0x1e6: {  	v4 =	vperm.xlane v3, v0;
	_ =	sdelay $0x1  }
0x1e7: {  	v3 =	vperm.xlane v3, v2;
	v4 =	vadd.s32 v1, v4;
	_ =	sdelay $0x1  }
0x1e8: {  	v3 =	vadd.s32 v1, v3;
	_ =	sdelay $0x1  }
0x1e9: {  	s5 =	simm.s32 $0xE400  }
0x1ea: {  	[tilespmem:s5], [sflag:$0x2] =	stream.indirect_vreg.gather [hbm4b:s0+s3], $0x80, v4, vm0, $0xb8;
	[tilespmem:$0x190B8] =	vst v63  }
0x1eb: {  	s24 =	simm.s32 $0xEC00  }
0x1ec: {  	[tilespmem:s24], [sflag:$0x2] =	stream.indirect_vreg.gather [hbm4b:s0+s3], $0x80, v3, vm0, $0xb8;
	[tilespmem:$0x190B8] =	vst v63  }
0x1ed: {  	v3 =	vld [tilespmem:$0x270];
	_ =	sdelay $0x4  }
0x1ee: {  	v39 =	vshll.u32 v3, $0x1  }
0x1ef: {  	v3 =	vand.u32 $0x7, v3;
	v4 =	vand.u32 $0xFFFFFFF0, v39  }
0x1f0: {  	v3 =	vor.u32 v3, v4  }
0x1f1: {  	v4 =	vperm.xlane v3, v0;
	_ =	sdelay $0x1  }
0x1f2: {  	v3 =	vperm.xlane v3, v2;
	v4 =	vadd.s32 v1, v4;
	_ =	sdelay $0x1  }
0x1f3: {  	v3 =	vadd.s32 v1, v3;
	_ =	sdelay $0x1  }
0x1f4: {  	s29 =	simm.s32 $0xF400  }
0x1f5: {  	[tilespmem:s29], [sflag:$0x2] =	stream.indirect_vreg.gather [hbm4b:s0+s3], $0x80, v4, vm0, $0xb8;
	[tilespmem:$0x190B8] =	vst v63  }
0x1f6: {  	s30 =	simm.s32 $0xFC00;
	s24 =	simm.s32 $0x3  }
0x1f7: {  	[tilespmem:s30], [sflag:$0x2] =	stream.indirect_vreg.gather [hbm4b:s0+s3], $0x80, v3, vm0, $0xb8;
	[tilespmem:$0x190B8] =	vst v63  }
0x1f8: {  	_ =	swait.ge [sflag:s24], $0x8000  }
0x1f9: {  	[sflag:s24] =	ssyncset.done $0x0  }
0x1fa: {  	s5 =	simm.s32 $0x10400;
	s29 =	rddreg [dreg:$0xc];
	[sflag:s24] =	ssyncadd.s32 $0xFFFF8000  }
0x1fb: {  	[hbm4b:s29+s3] =	stream.linear.scatter [tilespmem:s5], [sflag:$0x6], $0x8000, $0x38;
	[tilespmem:$0x190B8] =	vst v63  }
0x1fc: {  	s2 =	rddreg [dreg:$0x13]  }
0x1fd: {  	[spmem:s19] =	stream.indirect.scatter.add.f32 [tilespmem:s6], [sflag:$0x7], $0x1, s2, s9, $0xb8;
	[tilespmem:$0x190B8] =	vst v63  }
0x1fe: {  	_ =	swait.ge [sflag:s7], $0x80  }
0x1ff: {  	[sflag:s7] =	ssyncset.done $0x0  }
0x200: {  	s2 =	simm.s32 $0x6;
	[sflag:s7] =	ssyncadd.s32 $0xFFFFFF80  }
0x201: {  	_ =	swait.ge [sflag:s2], $0x8000  }
0x202: {  	[sflag:s2] =	ssyncset.done $0x0  }
0x203: {  	[sflag:s2] =	ssyncadd.s32 $0xFFFF8000  }
0x204: {  	v3 =	vld [tilespmem:$0x280];
	_ =	sdelay $0x4  }
0x205: {  	v40 =	vshll.u32 v3, $0x1  }
0x206: {  	v3 =	vand.u32 $0x7, v3;
	v4 =	vand.u32 $0xFFFFFFF0, v40  }
0x207: {  	v3 =	vor.u32 v3, v4  }
0x208: {  	v4 =	vperm.xlane v3, v0;
	_ =	sdelay $0x1  }
0x209: {  	v3 =	vperm.xlane v3, v2;
	v4 =	vadd.s32 v1, v4;
	_ =	sdelay $0x1  }
0x20a: {  	v3 =	vadd.s32 v1, v3;
	_ =	sdelay $0x2  }
0x20b: {  	[tilespmem:s5], [sflag:$0x3] =	stream.indirect_vreg.gather [hbm4b:s0+s3], $0x80, v4, vm0, $0xb8;
	[tilespmem:$0x190B8] =	vst v63  }
0x20c: {  	_ = 	snop  }
0x20d: {  	[tilespmem:s23], [sflag:$0x3] =	stream.indirect_vreg.gather [hbm4b:s0+s3], $0x80, v3, vm0, $0xb8;
	[tilespmem:$0x190B8] =	vst v63  }
0x20e: {  	v3 =	vld [tilespmem:$0x290];
	_ =	sdelay $0x4  }
0x20f: {  	v41 =	vshll.u32 v3, $0x1  }
0x210: {  	v3 =	vand.u32 $0x7, v3;
	v4 =	vand.u32 $0xFFFFFFF0, v41  }
0x211: {  	v3 =	vor.u32 v3, v4  }
0x212: {  	v4 =	vperm.xlane v3, v0;
	_ =	sdelay $0x1  }
0x213: {  	v3 =	vperm.xlane v3, v2;
	v4 =	vadd.s32 v1, v4;
	_ =	sdelay $0x1  }
0x214: {  	v3 =	vadd.s32 v1, v3;
	_ =	sdelay $0x2  }
0x215: {  	[tilespmem:s8], [sflag:$0x3] =	stream.indirect_vreg.gather [hbm4b:s0+s3], $0x80, v4, vm0, $0xb8;
	[tilespmem:$0x190B8] =	vst v63  }
0x216: {  	s30 =	simm.s32 $0x11C00  }
0x217: {  	[tilespmem:s30], [sflag:$0x3] =	stream.indirect_vreg.gather [hbm4b:s0+s3], $0x80, v3, vm0, $0xb8;
	[tilespmem:$0x190B8] =	vst v63  }
0x218: {  	v3 =	vld [tilespmem:$0x2A0];
	_ =	sdelay $0x4  }
0x219: {  	v42 =	vshll.u32 v3, $0x1  }
0x21a: {  	v3 =	vand.u32 $0x7, v3;
	v4 =	vand.u32 $0xFFFFFFF0, v42  }
0x21b: {  	v3 =	vor.u32 v3, v4  }
0x21c: {  	v4 =	vperm.xlane v3, v0;
	_ =	sdelay $0x1  }
0x21d: {  	v3 =	vperm.xlane v3, v2;
	v4 =	vadd.s32 v1, v4;
	_ =	sdelay $0x1  }
0x21e: {  	v3 =	vadd.s32 v1, v3;
	_ =	sdelay $0x2  }
0x21f: {  	[tilespmem:s10], [sflag:$0x3] =	stream.indirect_vreg.gather [hbm4b:s0+s3], $0x80, v4, vm0, $0xb8;
	[tilespmem:$0x190B8] =	vst v63  }
0x220: {  	_ = 	snop  }
0x221: {  	[tilespmem:s11], [sflag:$0x3] =	stream.indirect_vreg.gather [hbm4b:s0+s3], $0x80, v3, vm0, $0xb8;
	[tilespmem:$0x190B8] =	vst v63  }
0x222: {  	v3 =	vld [tilespmem:$0x2B0];
	_ =	sdelay $0x4  }
0x223: {  	v43 =	vshll.u32 v3, $0x1  }
0x224: {  	v3 =	vand.u32 $0x7, v3;
	v4 =	vand.u32 $0xFFFFFFF0, v43  }
0x225: {  	v3 =	vor.u32 v3, v4  }
0x226: {  	v4 =	vperm.xlane v3, v0;
	_ =	sdelay $0x1  }
0x227: {  	v3 =	vperm.xlane v3, v2;
	v4 =	vadd.s32 v1, v4;
	_ =	sdelay $0x1  }
0x228: {  	v3 =	vadd.s32 v1, v3;
	_ =	sdelay $0x2  }
0x229: {  	[tilespmem:s12], [sflag:$0x3] =	stream.indirect_vreg.gather [hbm4b:s0+s3], $0x80, v4, vm0, $0xb8;
	[tilespmem:$0x190B8] =	vst v63  }
0x22a: {  	_ = 	snop  }
0x22b: {  	[tilespmem:s13], [sflag:$0x3] =	stream.indirect_vreg.gather [hbm4b:s0+s3], $0x80, v3, vm0, $0xb8;
	[tilespmem:$0x190B8] =	vst v63  }
0x22c: {  	v3 =	vld [tilespmem:$0x2C0];
	_ =	sdelay $0x4  }
0x22d: {  	v44 =	vshll.u32 v3, $0x1  }
0x22e: {  	v3 =	vand.u32 $0x7, v3;
	v4 =	vand.u32 $0xFFFFFFF0, v44  }
0x22f: {  	v3 =	vor.u32 v3, v4  }
0x230: {  	v4 =	vperm.xlane v3, v0;
	_ =	sdelay $0x1  }
0x231: {  	v3 =	vperm.xlane v3, v2;
	v4 =	vadd.s32 v1, v4;
	_ =	sdelay $0x1  }
0x232: {  	v3 =	vadd.s32 v1, v3;
	_ =	sdelay $0x2  }
0x233: {  	[tilespmem:s14], [sflag:$0x3] =	stream.indirect_vreg.gather [hbm4b:s0+s3], $0x80, v4, vm0, $0xb8;
	[tilespmem:$0x190B8] =	vst v63  }
0x234: {  	_ = 	snop  }
0x235: {  	[tilespmem:s15], [sflag:$0x3] =	stream.indirect_vreg.gather [hbm4b:s0+s3], $0x80, v3, vm0, $0xb8;
	[tilespmem:$0x190B8] =	vst v63  }
0x236: {  	v3 =	vld [tilespmem:$0x2D0];
	_ =	sdelay $0x4  }
0x237: {  	v45 =	vshll.u32 v3, $0x1  }
0x238: {  	v3 =	vand.u32 $0x7, v3;
	v4 =	vand.u32 $0xFFFFFFF0, v45  }
0x239: {  	v3 =	vor.u32 v3, v4  }
0x23a: {  	v4 =	vperm.xlane v3, v0;
	_ =	sdelay $0x1  }
0x23b: {  	v3 =	vperm.xlane v3, v2;
	v4 =	vadd.s32 v1, v4;
	_ =	sdelay $0x1  }
0x23c: {  	v3 =	vadd.s32 v1, v3;
	_ =	sdelay $0x2  }
0x23d: {  	[tilespmem:s16], [sflag:$0x3] =	stream.indirect_vreg.gather [hbm4b:s0+s3], $0x80, v4, vm0, $0xb8;
	[tilespmem:$0x190B8] =	vst v63  }
0x23e: {  	_ = 	snop  }
0x23f: {  	[tilespmem:s28], [sflag:$0x3] =	stream.indirect_vreg.gather [hbm4b:s0+s3], $0x80, v3, vm0, $0xb8;
	[tilespmem:$0x190B8] =	vst v63  }
0x240: {  	v3 =	vld [tilespmem:$0x2E0];
	_ =	sdelay $0x4  }
0x241: {  	v46 =	vshll.u32 v3, $0x1  }
0x242: {  	v3 =	vand.u32 $0x7, v3;
	v4 =	vand.u32 $0xFFFFFFF0, v46  }
0x243: {  	v3 =	vor.u32 v3, v4  }
0x244: {  	v4 =	vperm.xlane v3, v0;
	_ =	sdelay $0x1  }
0x245: {  	v3 =	vperm.xlane v3, v2;
	v4 =	vadd.s32 v1, v4;
	_ =	sdelay $0x1  }
0x246: {  	v3 =	vadd.s32 v1, v3;
	_ =	sdelay $0x2  }
0x247: {  	[tilespmem:s25], [sflag:$0x3] =	stream.indirect_vreg.gather [hbm4b:s0+s3], $0x80, v4, vm0, $0xb8;
	[tilespmem:$0x190B8] =	vst v63  }
0x248: {  	_ = 	snop  }
0x249: {  	[tilespmem:s26], [sflag:$0x3] =	stream.indirect_vreg.gather [hbm4b:s0+s3], $0x80, v3, vm0, $0xb8;
	[tilespmem:$0x190B8] =	vst v63  }
0x24a: {  	v3 =	vld [tilespmem:$0x2F0];
	_ =	sdelay $0x4  }
0x24b: {  	v47 =	vshll.u32 v3, $0x1  }
0x24c: {  	v3 =	vand.u32 $0x7, v3;
	v4 =	vand.u32 $0xFFFFFFF0, v47  }
0x24d: {  	v3 =	vor.u32 v3, v4  }
0x24e: {  	v4 =	vperm.xlane v3, v0;
	_ =	sdelay $0x1  }
0x24f: {  	v3 =	vperm.xlane v3, v2;
	v4 =	vadd.s32 v1, v4;
	_ =	sdelay $0x1  }
0x250: {  	v3 =	vadd.s32 v1, v3;
	_ =	sdelay $0x2  }
0x251: {  	[tilespmem:s31], [sflag:$0x3] =	stream.indirect_vreg.gather [hbm4b:s0+s3], $0x80, v4, vm0, $0xb8;
	[tilespmem:$0x190B8] =	vst v63  }
0x252: {  	_ = 	snop  }
0x253: {  	[tilespmem:s17], [sflag:$0x3] =	stream.indirect_vreg.gather [hbm4b:s0+s3], $0x80, v3, vm0, $0xb8;
	[tilespmem:$0x190B8] =	vst v63  }
0x254: {  	_ =	swait.ge [sflag:s18], $0x8000  }
0x255: {  	[sflag:s18] =	ssyncset.done $0x0  }
0x256: {  	s26 =	simm.s32 $0x400;
	s8 =	rddreg [dreg:$0xd];
	[sflag:s18] =	ssyncadd.s32 $0xFFFF8000  }
0x257: {  	[hbm4b:s8+s3] =	stream.linear.scatter [tilespmem:s26], [sflag:$0x4], $0x8000, $0x38;
	[tilespmem:$0x190B8] =	vst v63  }
0x258: {  	s10 =	rddreg [dreg:$0x14]  }
0x259: {  	[spmem:s19] =	stream.indirect.scatter.add.f32 [tilespmem:s6], [sflag:$0x7], $0x1, s10, s9, $0xb8;
	[tilespmem:$0x190B8] =	vst v63  }
0x25a: {  	_ =	swait.ge [sflag:s7], $0x80  }
0x25b: {  	[sflag:s7] =	ssyncset.done $0x0  }
0x25c: {  	[sflag:s7] =	ssyncadd.s32 $0xFFFFFF80  }
0x25d: {  	_ =	swait.ge [sflag:s20], $0x8000  }
0x25e: {  	[sflag:s20] =	ssyncset.done $0x0  }
0x25f: {  	[sflag:s20] =	ssyncadd.s32 $0xFFFF8000  }
0x260: {  	v3 =	vld [tilespmem:$0x300];
	_ =	sdelay $0x4  }
0x261: {  	v48 =	vshll.u32 v3, $0x1  }
0x262: {  	v3 =	vand.u32 $0x7, v3;
	v4 =	vand.u32 $0xFFFFFFF0, v48  }
0x263: {  	v3 =	vor.u32 v3, v4  }
0x264: {  	v4 =	vperm.xlane v3, v0;
	_ =	sdelay $0x1  }
0x265: {  	v3 =	vperm.xlane v3, v2;
	v4 =	vadd.s32 v1, v4;
	_ =	sdelay $0x1  }
0x266: {  	v3 =	vadd.s32 v1, v3;
	_ =	sdelay $0x2  }
0x267: {  	[tilespmem:s26], [sflag:$0x1] =	stream.indirect_vreg.gather [hbm4b:s0+s3], $0x80, v4, vm0, $0xb8;
	[tilespmem:$0x190B8] =	vst v63  }
0x268: {  	s31 =	simm.s32 $0xC00  }
0x269: {  	[tilespmem:s31], [sflag:$0x1] =	stream.indirect_vreg.gather [hbm4b:s0+s3], $0x80, v3, vm0, $0xb8;
	[tilespmem:$0x190B8] =	vst v63  }
0x26a: {  	v3 =	vld [tilespmem:$0x310];
	_ =	sdelay $0x4  }
0x26b: {  	v49 =	vshll.u32 v3, $0x1  }
0x26c: {  	v3 =	vand.u32 $0x7, v3;
	v4 =	vand.u32 $0xFFFFFFF0, v49  }
0x26d: {  	v3 =	vor.u32 v3, v4  }
0x26e: {  	v4 =	vperm.xlane v3, v0;
	_ =	sdelay $0x1  }
0x26f: {  	v3 =	vperm.xlane v3, v2;
	v4 =	vadd.s32 v1, v4;
	_ =	sdelay $0x1  }
0x270: {  	v3 =	vadd.s32 v1, v3;
	_ =	sdelay $0x1  }
0x271: {  	s10 =	simm.s32 $0x1400  }
0x272: {  	[tilespmem:s10], [sflag:$0x1] =	stream.indirect_vreg.gather [hbm4b:s0+s3], $0x80, v4, vm0, $0xb8;
	[tilespmem:$0x190B8] =	vst v63  }
0x273: {  	s26 =	simm.s32 $0x1C00  }
0x274: {  	[tilespmem:s26], [sflag:$0x1] =	stream.indirect_vreg.gather [hbm4b:s0+s3], $0x80, v3, vm0, $0xb8;
	[tilespmem:$0x190B8] =	vst v63  }
0x275: {  	v3 =	vld [tilespmem:$0x320];
	_ =	sdelay $0x4  }
0x276: {  	v50 =	vshll.u32 v3, $0x1  }
0x277: {  	v3 =	vand.u32 $0x7, v3;
	v4 =	vand.u32 $0xFFFFFFF0, v50  }
0x278: {  	v3 =	vor.u32 v3, v4  }
0x279: {  	v4 =	vperm.xlane v3, v0;
	_ =	sdelay $0x1  }
0x27a: {  	v3 =	vperm.xlane v3, v2;
	v4 =	vadd.s32 v1, v4;
	_ =	sdelay $0x1  }
0x27b: {  	v3 =	vadd.s32 v1, v3;
	_ =	sdelay $0x1  }
0x27c: {  	s29 =	simm.s32 $0x2400  }
0x27d: {  	[tilespmem:s29], [sflag:$0x1] =	stream.indirect_vreg.gather [hbm4b:s0+s3], $0x80, v4, vm0, $0xb8;
	[tilespmem:$0x190B8] =	vst v63  }
0x27e: {  	s30 =	simm.s32 $0x2C00  }
0x27f: {  	[tilespmem:s30], [sflag:$0x1] =	stream.indirect_vreg.gather [hbm4b:s0+s3], $0x80, v3, vm0, $0xb8;
	[tilespmem:$0x190B8] =	vst v63  }
0x280: {  	v3 =	vld [tilespmem:$0x330];
	_ =	sdelay $0x4  }
0x281: {  	v51 =	vshll.u32 v3, $0x1  }
0x282: {  	v3 =	vand.u32 $0x7, v3;
	v4 =	vand.u32 $0xFFFFFFF0, v51  }
0x283: {  	v3 =	vor.u32 v3, v4  }
0x284: {  	v4 =	vperm.xlane v3, v0;
	_ =	sdelay $0x1  }
0x285: {  	v3 =	vperm.xlane v3, v2;
	v4 =	vadd.s32 v1, v4;
	_ =	sdelay $0x1  }
0x286: {  	v3 =	vadd.s32 v1, v3;
	_ =	sdelay $0x1  }
0x287: {  	s31 =	simm.s32 $0x3400  }
0x288: {  	[tilespmem:s31], [sflag:$0x1] =	stream.indirect_vreg.gather [hbm4b:s0+s3], $0x80, v4, vm0, $0xb8;
	[tilespmem:$0x190B8] =	vst v63  }
0x289: {  	s10 =	simm.s32 $0x3C00  }
0x28a: {  	[tilespmem:s10], [sflag:$0x1] =	stream.indirect_vreg.gather [hbm4b:s0+s3], $0x80, v3, vm0, $0xb8;
	[tilespmem:$0x190B8] =	vst v63  }
0x28b: {  	v3 =	vld [tilespmem:$0x340];
	_ =	sdelay $0x4  }
0x28c: {  	v52 =	vshll.u32 v3, $0x1  }
0x28d: {  	v3 =	vand.u32 $0x7, v3;
	v4 =	vand.u32 $0xFFFFFFF0, v52  }
0x28e: {  	v3 =	vor.u32 v3, v4  }
0x28f: {  	v4 =	vperm.xlane v3, v0;
	_ =	sdelay $0x1  }
0x290: {  	v3 =	vperm.xlane v3, v2;
	v4 =	vadd.s32 v1, v4;
	_ =	sdelay $0x1  }
0x291: {  	v3 =	vadd.s32 v1, v3;
	_ =	sdelay $0x1  }
0x292: {  	s26 =	simm.s32 $0x4400  }
0x293: {  	[tilespmem:s26], [sflag:$0x1] =	stream.indirect_vreg.gather [hbm4b:s0+s3], $0x80, v4, vm0, $0xb8;
	[tilespmem:$0x190B8] =	vst v63  }
0x294: {  	s29 =	simm.s32 $0x4C00  }
0x295: {  	[tilespmem:s29], [sflag:$0x1] =	stream.indirect_vreg.gather [hbm4b:s0+s3], $0x80, v3, vm0, $0xb8;
	[tilespmem:$0x190B8] =	vst v63  }
0x296: {  	v3 =	vld [tilespmem:$0x350];
	_ =	sdelay $0x4  }
0x297: {  	v53 =	vshll.u32 v3, $0x1  }
0x298: {  	v3 =	vand.u32 $0x7, v3;
	v4 =	vand.u32 $0xFFFFFFF0, v53  }
0x299: {  	v3 =	vor.u32 v3, v4  }
0x29a: {  	v4 =	vperm.xlane v3, v0;
	_ =	sdelay $0x1  }
0x29b: {  	v3 =	vperm.xlane v3, v2;
	v4 =	vadd.s32 v1, v4;
	_ =	sdelay $0x1  }
0x29c: {  	v3 =	vadd.s32 v1, v3;
	_ =	sdelay $0x1  }
0x29d: {  	s30 =	simm.s32 $0x5400  }
0x29e: {  	[tilespmem:s30], [sflag:$0x1] =	stream.indirect_vreg.gather [hbm4b:s0+s3], $0x80, v4, vm0, $0xb8;
	[tilespmem:$0x190B8] =	vst v63  }
0x29f: {  	s31 =	simm.s32 $0x5C00  }
0x2a0: {  	[tilespmem:s31], [sflag:$0x1] =	stream.indirect_vreg.gather [hbm4b:s0+s3], $0x80, v3, vm0, $0xb8;
	[tilespmem:$0x190B8] =	vst v63  }
0x2a1: {  	v3 =	vld [tilespmem:$0x360];
	_ =	sdelay $0x4  }
0x2a2: {  	v54 =	vshll.u32 v3, $0x1  }
0x2a3: {  	v3 =	vand.u32 $0x7, v3;
	v4 =	vand.u32 $0xFFFFFFF0, v54  }
0x2a4: {  	v3 =	vor.u32 v3, v4  }
0x2a5: {  	v4 =	vperm.xlane v3, v0;
	_ =	sdelay $0x1  }
0x2a6: {  	v3 =	vperm.xlane v3, v2;
	v4 =	vadd.s32 v1, v4;
	_ =	sdelay $0x1  }
0x2a7: {  	v3 =	vadd.s32 v1, v3;
	_ =	sdelay $0x1  }
0x2a8: {  	s10 =	simm.s32 $0x6400  }
0x2a9: {  	[tilespmem:s10], [sflag:$0x1] =	stream.indirect_vreg.gather [hbm4b:s0+s3], $0x80, v4, vm0, $0xb8;
	[tilespmem:$0x190B8] =	vst v63  }
0x2aa: {  	s26 =	simm.s32 $0x6C00  }
0x2ab: {  	[tilespmem:s26], [sflag:$0x1] =	stream.indirect_vreg.gather [hbm4b:s0+s3], $0x80, v3, vm0, $0xb8;
	[tilespmem:$0x190B8] =	vst v63  }
0x2ac: {  	v3 =	vld [tilespmem:$0x370];
	_ =	sdelay $0x4  }
0x2ad: {  	v55 =	vshll.u32 v3, $0x1  }
0x2ae: {  	v3 =	vand.u32 $0x7, v3;
	v4 =	vand.u32 $0xFFFFFFF0, v55  }
0x2af: {  	v3 =	vor.u32 v3, v4  }
0x2b0: {  	v4 =	vperm.xlane v3, v0;
	_ =	sdelay $0x1  }
0x2b1: {  	v3 =	vperm.xlane v3, v2;
	v4 =	vadd.s32 v1, v4;
	_ =	sdelay $0x1  }
0x2b2: {  	v3 =	vadd.s32 v1, v3;
	_ =	sdelay $0x1  }
0x2b3: {  	s29 =	simm.s32 $0x7400  }
0x2b4: {  	[tilespmem:s29], [sflag:$0x1] =	stream.indirect_vreg.gather [hbm4b:s0+s3], $0x80, v4, vm0, $0xb8;
	[tilespmem:$0x190B8] =	vst v63  }
0x2b5: {  	s30 =	simm.s32 $0x7C00  }
0x2b6: {  	[tilespmem:s30], [sflag:$0x1] =	stream.indirect_vreg.gather [hbm4b:s0+s3], $0x80, v3, vm0, $0xb8;
	[tilespmem:$0x190B8] =	vst v63  }
0x2b7: {  	_ =	swait.ge [sflag:s21], $0x8000  }
0x2b8: {  	[sflag:s21] =	ssyncset.done $0x0  }
0x2b9: {  	s31 =	rddreg [dreg:$0xe];
	[sflag:s21] =	ssyncadd.s32 $0xFFFF8000  }
0x2ba: {  	[hbm4b:s31+s3] =	stream.linear.scatter [tilespmem:s1], [sflag:$0x5], $0x8000, $0x38;
	[tilespmem:$0x190B8] =	vst v63  }
0x2bb: {  	s5 =	rddreg [dreg:$0x15]  }
0x2bc: {  	[spmem:s19] =	stream.indirect.scatter.add.f32 [tilespmem:s6], [sflag:$0x7], $0x1, s5, s9, $0xb8;
	[tilespmem:$0x190B8] =	vst v63  }
0x2bd: {  	_ =	swait.ge [sflag:s7], $0x80  }
0x2be: {  	[sflag:s7] =	ssyncset.done $0x0  }
0x2bf: {  	[sflag:s7] =	ssyncadd.s32 $0xFFFFFF80  }
0x2c0: {  	_ =	swait.ge [sflag:s22], $0x8000  }
0x2c1: {  	[sflag:s22] =	ssyncset.done $0x0  }
0x2c2: {  	[sflag:s22] =	ssyncadd.s32 $0xFFFF8000  }
0x2c3: {  	v3 =	vld [tilespmem:$0x380];
	_ =	sdelay $0x4  }
0x2c4: {  	v56 =	vshll.u32 v3, $0x1  }
0x2c5: {  	v3 =	vand.u32 $0x7, v3;
	v4 =	vand.u32 $0xFFFFFFF0, v56  }
0x2c6: {  	v3 =	vor.u32 v3, v4  }
0x2c7: {  	v4 =	vperm.xlane v3, v0;
	_ =	sdelay $0x1  }
0x2c8: {  	v3 =	vperm.xlane v3, v2;
	v4 =	vadd.s32 v1, v4;
	_ =	sdelay $0x1  }
0x2c9: {  	v3 =	vadd.s32 v1, v3;
	_ =	sdelay $0x2  }
0x2ca: {  	[tilespmem:s1], [sflag:$0x2] =	stream.indirect_vreg.gather [hbm4b:s0+s3], $0x80, v4, vm0, $0xb8;
	[tilespmem:$0x190B8] =	vst v63  }
0x2cb: {  	s10 =	simm.s32 $0x8C00  }
0x2cc: {  	[tilespmem:s10], [sflag:$0x2] =	stream.indirect_vreg.gather [hbm4b:s0+s3], $0x80, v3, vm0, $0xb8;
	[tilespmem:$0x190B8] =	vst v63  }
0x2cd: {  	v3 =	vld [tilespmem:$0x390];
	_ =	sdelay $0x4  }
0x2ce: {  	v57 =	vshll.u32 v3, $0x1  }
0x2cf: {  	v3 =	vand.u32 $0x7, v3;
	v4 =	vand.u32 $0xFFFFFFF0, v57  }
0x2d0: {  	v3 =	vor.u32 v3, v4  }
0x2d1: {  	v4 =	vperm.xlane v3, v0;
	_ =	sdelay $0x1  }
0x2d2: {  	v3 =	vperm.xlane v3, v2;
	v4 =	vadd.s32 v1, v4;
	_ =	sdelay $0x1  }
0x2d3: {  	v3 =	vadd.s32 v1, v3;
	_ =	sdelay $0x1  }
0x2d4: {  	s26 =	simm.s32 $0x9400  }
0x2d5: {  	[tilespmem:s26], [sflag:$0x2] =	stream.indirect_vreg.gather [hbm4b:s0+s3], $0x80, v4, vm0, $0xb8;
	[tilespmem:$0x190B8] =	vst v63  }
0x2d6: {  	s29 =	simm.s32 $0x9C00  }
0x2d7: {  	[tilespmem:s29], [sflag:$0x2] =	stream.indirect_vreg.gather [hbm4b:s0+s3], $0x80, v3, vm0, $0xb8;
	[tilespmem:$0x190B8] =	vst v63  }
0x2d8: {  	v3 =	vld [tilespmem:$0x3A0];
	_ =	sdelay $0x4  }
0x2d9: {  	v58 =	vshll.u32 v3, $0x1  }
0x2da: {  	v3 =	vand.u32 $0x7, v3;
	v4 =	vand.u32 $0xFFFFFFF0, v58  }
0x2db: {  	v3 =	vor.u32 v3, v4  }
0x2dc: {  	v4 =	vperm.xlane v3, v0;
	_ =	sdelay $0x1  }
0x2dd: {  	v3 =	vperm.xlane v3, v2;
	v4 =	vadd.s32 v1, v4;
	_ =	sdelay $0x1  }
0x2de: {  	v3 =	vadd.s32 v1, v3;
	_ =	sdelay $0x1  }
0x2df: {  	s30 =	simm.s32 $0xA400  }
0x2e0: {  	[tilespmem:s30], [sflag:$0x2] =	stream.indirect_vreg.gather [hbm4b:s0+s3], $0x80, v4, vm0, $0xb8;
	[tilespmem:$0x190B8] =	vst v63  }
0x2e1: {  	s31 =	simm.s32 $0xAC00  }
0x2e2: {  	[tilespmem:s31], [sflag:$0x2] =	stream.indirect_vreg.gather [hbm4b:s0+s3], $0x80, v3, vm0, $0xb8;
	[tilespmem:$0x190B8] =	vst v63  }
0x2e3: {  	v3 =	vld [tilespmem:$0x3B0];
	_ =	sdelay $0x4  }
0x2e4: {  	v59 =	vshll.u32 v3, $0x1  }
0x2e5: {  	v3 =	vand.u32 $0x7, v3;
	v4 =	vand.u32 $0xFFFFFFF0, v59  }
0x2e6: {  	v3 =	vor.u32 v3, v4  }
0x2e7: {  	v4 =	vperm.xlane v3, v0;
	_ =	sdelay $0x1  }
0x2e8: {  	v3 =	vperm.xlane v3, v2;
	v4 =	vadd.s32 v1, v4;
	_ =	sdelay $0x1  }
0x2e9: {  	v3 =	vadd.s32 v1, v3;
	_ =	sdelay $0x1  }
0x2ea: {  	s10 =	simm.s32 $0xB400  }
0x2eb: {  	[tilespmem:s10], [sflag:$0x2] =	stream.indirect_vreg.gather [hbm4b:s0+s3], $0x80, v4, vm0, $0xb8;
	[tilespmem:$0x190B8] =	vst v63  }
0x2ec: {  	s26 =	simm.s32 $0xBC00  }
0x2ed: {  	[tilespmem:s26], [sflag:$0x2] =	stream.indirect_vreg.gather [hbm4b:s0+s3], $0x80, v3, vm0, $0xb8;
	[tilespmem:$0x190B8] =	vst v63  }
0x2ee: {  	v3 =	vld [tilespmem:$0x3C0];
	_ =	sdelay $0x4  }
0x2ef: {  	v60 =	vshll.u32 v3, $0x1  }
0x2f0: {  	v3 =	vand.u32 $0x7, v3;
	v4 =	vand.u32 $0xFFFFFFF0, v60  }
0x2f1: {  	v3 =	vor.u32 v3, v4  }
0x2f2: {  	v4 =	vperm.xlane v3, v0;
	_ =	sdelay $0x1  }
0x2f3: {  	v3 =	vperm.xlane v3, v2;
	v4 =	vadd.s32 v1, v4;
	_ =	sdelay $0x1  }
0x2f4: {  	v3 =	vadd.s32 v1, v3;
	_ =	sdelay $0x1  }
0x2f5: {  	s29 =	simm.s32 $0xC400  }
0x2f6: {  	[tilespmem:s29], [sflag:$0x2] =	stream.indirect_vreg.gather [hbm4b:s0+s3], $0x80, v4, vm0, $0xb8;
	[tilespmem:$0x190B8] =	vst v63  }
0x2f7: {  	s30 =	simm.s32 $0xCC00  }
0x2f8: {  	[tilespmem:s30], [sflag:$0x2] =	stream.indirect_vreg.gather [hbm4b:s0+s3], $0x80, v3, vm0, $0xb8;
	[tilespmem:$0x190B8] =	vst v63  }
0x2f9: {  	v3 =	vld [tilespmem:$0x3D0];
	_ =	sdelay $0x4  }
0x2fa: {  	v61 =	vshll.u32 v3, $0x1  }
0x2fb: {  	v3 =	vand.u32 $0x7, v3;
	v4 =	vand.u32 $0xFFFFFFF0, v61  }
0x2fc: {  	v3 =	vor.u32 v3, v4  }
0x2fd: {  	v4 =	vperm.xlane v3, v0;
	_ =	sdelay $0x1  }
0x2fe: {  	v3 =	vperm.xlane v3, v2;
	v4 =	vadd.s32 v1, v4;
	_ =	sdelay $0x1  }
0x2ff: {  	v3 =	vadd.s32 v1, v3;
	_ =	sdelay $0x1  }
0x300: {  	s31 =	simm.s32 $0xD400  }
0x301: {  	[tilespmem:s31], [sflag:$0x2] =	stream.indirect_vreg.gather [hbm4b:s0+s3], $0x80, v4, vm0, $0xb8;
	[tilespmem:$0x190B8] =	vst v63  }
0x302: {  	s10 =	simm.s32 $0xDC00  }
0x303: {  	[tilespmem:s10], [sflag:$0x2] =	stream.indirect_vreg.gather [hbm4b:s0+s3], $0x80, v3, vm0, $0xb8;
	[tilespmem:$0x190B8] =	vst v63  }
0x304: {  	v3 =	vld [tilespmem:$0x3E0];
	_ =	sdelay $0x4  }
0x305: {  	v62 =	vshll.u32 v3, $0x1  }
0x306: {  	v3 =	vand.u32 $0x7, v3;
	v4 =	vand.u32 $0xFFFFFFF0, v62  }
0x307: {  	v3 =	vor.u32 v3, v4  }
0x308: {  	v4 =	vperm.xlane v3, v0;
	_ =	sdelay $0x1  }
0x309: {  	v3 =	vperm.xlane v3, v2;
	v4 =	vadd.s32 v1, v4;
	_ =	sdelay $0x1  }
0x30a: {  	v3 =	vadd.s32 v1, v3;
	_ =	sdelay $0x1  }
0x30b: {  	s26 =	simm.s32 $0xE400  }
0x30c: {  	[tilespmem:s26], [sflag:$0x2] =	stream.indirect_vreg.gather [hbm4b:s0+s3], $0x80, v4, vm0, $0xb8;
	[tilespmem:$0x190B8] =	vst v63  }
0x30d: {  	s29 =	simm.s32 $0xEC00  }
0x30e: {  	[tilespmem:s29], [sflag:$0x2] =	stream.indirect_vreg.gather [hbm4b:s0+s3], $0x80, v3, vm0, $0xb8;
	[tilespmem:$0x190B8] =	vst v63  }
0x30f: {  	v3 =	vld [tilespmem:$0x3F0];
	_ =	sdelay $0x4  }
0x310: {  	v63 =	vshll.u32 v3, $0x1  }
0x311: {  	v3 =	vand.u32 $0x7, v3;
	v4 =	vand.u32 $0xFFFFFFF0, v63  }
0x312: {  	v3 =	vor.u32 v3, v4  }
0x313: {  	v4 =	vperm.xlane v3, v0;
	_ =	sdelay $0x1  }
0x314: {  	v3 =	vperm.xlane v3, v2;
	v4 =	vadd.s32 v1, v4;
	_ =	sdelay $0x1  }
0x315: {  	v3 =	vadd.s32 v1, v3;
	_ =	sdelay $0x1  }
0x316: {  	s30 =	simm.s32 $0xF400  }
0x317: {  	[tilespmem:s30], [sflag:$0x2] =	stream.indirect_vreg.gather [hbm4b:s0+s3], $0x80, v4, vm0, $0xb8;
	[tilespmem:$0x190B8] =	vst v63  }
0x318: {  	s31 =	simm.s32 $0xFC00  }
0x319: {  	[tilespmem:s31], [sflag:$0x2] =	stream.indirect_vreg.gather [hbm4b:s0+s3], $0x80, v3, vm0, $0xb8;
	[tilespmem:$0x190B8] =	vst v63  }
0x31a: {  	_ =	swait.ge [sflag:s24], $0x8000  }
0x31b: {  	[sflag:s24] =	ssyncset.done $0x0  }
0x31c: {  	s31 =	simm.s32 $0x10400;
	s10 =	rddreg [dreg:$0xf];
	[sflag:s24] =	ssyncadd.s32 $0xFFFF8000  }
0x31d: {  	[hbm4b:s10+s3] =	stream.linear.scatter [tilespmem:s31], [sflag:$0x6], $0x8000, $0x38;
	[tilespmem:$0x190B8] =	vst v63  }
0x31e: {  	s26 =	rddreg [dreg:$0x16]  }
0x31f: {  	[spmem:s19] =	stream.indirect.scatter.add.f32 [tilespmem:s6], [sflag:$0x7], $0x1, s26, s9, $0xb8;
	[tilespmem:$0x190B8] =	vst v63  }
0x320: {  	_ =	swait.ge [sflag:s7], $0x80  }
0x321: {  	[sflag:s7] =	ssyncset.done $0x0  }
0x322: {  	[sflag:s7] =	ssyncadd.s32 $0xFFFFFF80  }
0x323: {  	_ =	swait.ge [sflag:s18], $0x8000  }
0x324: {  	[sflag:s18] =	ssyncset.done $0x0  }
0x325: {  	s8 =	simm.s32 $0x400;
	s10 =	rddreg [dreg:$0x10];
	[sflag:s18] =	ssyncadd.s32 $0xFFFF8000  }
0x326: {  	[hbm4b:s10+s3] =	stream.linear.scatter [tilespmem:s8], [sflag:$0x4], $0x8000, $0x38;
	[tilespmem:$0x190B8] =	vst v63  }
0x327: {  	s24 =	rddreg [dreg:$0x17]  }
0x328: {  	[spmem:s19] =	stream.indirect.scatter.add.f32 [tilespmem:s6], [sflag:$0x7], $0x1, s24, s9, $0xb8;
	[tilespmem:$0x190B8] =	vst v63  }
0x329: {  	_ =	swait.ge [sflag:s7], $0x80  }
0x32a: {  	[sflag:s7] =	ssyncset.done $0x0  }
0x32b: {  	[sflag:s7] =	ssyncadd.s32 $0xFFFFFF80  }
0x32c: {  	_ =	swait.ge [sflag:s21], $0x8000  }
0x32d: {  	[sflag:s21] =	ssyncset.done $0x0  }
0x32e: {  	s26 =	rddreg [dreg:$0x11];
	[sflag:s21] =	ssyncadd.s32 $0xFFFF8000  }
0x32f: {  	[hbm4b:s26+s3] =	stream.linear.scatter [tilespmem:s1], [sflag:$0x5], $0x8000, $0x38;
	[tilespmem:$0x190B8] =	vst v63  }
0x330: {  	s31 =	rddreg [dreg:$0x18]  }
0x331: {  	[spmem:s19] =	stream.indirect.scatter.add.f32 [tilespmem:s6], [sflag:$0x7], $0x1, s31, s9, $0xb8;
	[tilespmem:$0x190B8] =	vst v63  }
0x332: {  	_ =	swait.ge [sflag:s7], $0x80  }
0x333: {  	[sflag:s7] =	ssyncset.done $0x0  }
0x334: {  	[sflag:s7] =	ssyncadd.s32 $0xFFFFFF80  }
0x335: {  	_ =	swait.ge [sflag:s2], $0x8000  }
0x336: {  	[sflag:s2] =	ssyncset.done $0x0  }
0x337: {  	[sflag:s2] =	ssyncadd.s32 $0xFFFF8000  }
0x338: {  	_ =	swait.ge [sflag:s20], $0x8000  }
0x339: {  	[sflag:s20] =	ssyncset.done $0x0  }
0x33a: {  	[sflag:s20] =	ssyncadd.s32 $0xFFFF8000  }
0x33b: {  	_ =	swait.ge [sflag:s22], $0x8000  }
0x33c: {  	[sflag:s22] =	ssyncset.done $0x0  }
0x33d: {  	s4 =	sadd.s32 $0xFFFFFFFF, s4;
	[sflag:s22] =	ssyncadd.s32 $0xFFFF8000  }
0x33e: {  	p1 =	sne.s32 s4, $0x0;
	[bflag:$0x0] =	sbarrier.arrive $0xFFFF  }
0x33f: {  	s30 =	simm.s32 @!p0 $0x1;
	s8 =	simm.s32 @!p0 $0x1C07;
	s29 =	rddreg [dreg:$0x12]  }
0x340: {  	s1 =	simm.s32 @!p0 $0x10;
	s31 =	simm.s32 @!p0 $0x20;
	s2 =	rddreg [dreg:$0x19]  }
0x341: {  	[hbm:s29@s31], [sflag:s8] =	dma.strided @!p0 [spmem:s2@s1], $0x1870, s30, $0x10   }
.Ltmp0:
0x342: {  	_ = 	snop;
	(pc) =	sbr.rel @p1 .LBB2_1-.Ltmp0, $4  }
0x343: {  	s1 =	simm.s32 @!p0 $0x7  }
0x344: {  	_ =	swait.ge @!p0 [sflag:s1], $0x1870  }
0x345: {  	[sflag:s1] =	ssyncset.done @!p0 $0x0;
	s1 =	simm.s32 @!p0 $0x7  }
0x346: {  	[sflag:s1] =	ssyncadd.s32 @!p0 $0xFFFFE790  }
0x347: {  	_ =	sfence.sel $0x180000  }
0x348: {  	[bflag:$0x0] =	sbarrier.arrive $0xFFFF  }
0x349: {  	_ =	strace $0x90000047  }
0x34a: {  	[bflag:$0x2] =	sbarrier.arrive $0xFFFF  }
0x34b: {  	s0 =	rddreg [dreg:$0x6]  }
0x34c: {  	s0 =	sadd.s32 @!p0 $0x100000, s0  }
0x34d: {  	[sflag:s0] =	ssyncadd.tile.s32 @!p0 $0x1;
	_ =	shalt  }
.Lfunc_end2:
_tile_overlayer_lowered:
.L_overlay_start_2:
0x34e: {  	(tag) =	ssettag $0x2  }
0x34f: {  	s0 =	rddreg [dreg:$0x0];
	s2 =	stileid.u32  }
0x350: {  	s1 =	rddreg [dreg:$0x1];
	p0 =	sne.s32 s2, $0x0  }
0x351: {  	s3 =	rddreg [dreg:$0x2];
	[bflag:$0x3] =	sbarrier.arrive $0xFFFF;
	s2 =	simm.s32 @!p0 $0x1C07  }
0x352: {  	[timem:s3], [sflag:s2] =	dma.local @!p0 [hbm:s0], s1  }
0x353: {  	s0 =	simm.s32 @!p0 $0x7  }
0x354: {  	_ =	swait.ge @!p0 [sflag:s0], s1  }
0x355: {  	s1 =	ssub.s32 @!p0 $0x0, s1;
	[sflag:s0] =	ssyncset.done @!p0 $0x0  }
0x356: {  	[sflag:s0] =	ssyncadd.s32 @!p0 s1  }
0x357: {  	[bflag:$0x3] =	sbarrier.arrive $0xFFFF  }
0x358: {  	_ =	shalt  }

</sc_bundles>
